<compile_context>
chip_gen: v7x
topology: tpu7x:2x2x1
jax: 0.10.2.dev20260603
libtpu: 0.0.44.dev20260713+nightly
codegen_flags: <defaults>
</compile_context>

<pallas_src>
import functools

import jax
import jax.numpy as jnp
from jax import lax
from jax.experimental import pallas as pl
from jax.experimental.pallas import tpu as pltpu
from jax.experimental.pallas import tpu_sc as plsc

B = 8
C_, H_, W_ = 96, 224, 224
ROW = C_ * H_ * W_
K = int(0.1 * ROW)
NC, NS, L = 2, 16, 16
NW = NC * NS
W_ELEMS = (B * ROW) // NW
CHUNK = 8192
NBUF = 3
N_CHUNKS = W_ELEMS // CHUNK
assert W_ELEMS % CHUNK == 0 and N_CHUNKS % NBUF == 0


def _make_hist_pass(stage):
    nbins = 4096 if stage < 3 else 256
    hist_words = nbins * L
    has_pref = stage > 1

    scratch = [pltpu.VMEM((CHUNK,), jnp.float32) for _ in range(NBUF)]
    scratch += [
        pltpu.VMEM((hist_words,), jnp.int32),
        pltpu.VMEM((nbins,), jnp.int32),
    ]
    if has_pref:
        scratch.append(pltpu.VMEM((128,), jnp.int32))
    scratch += [pltpu.SemaphoreType.DMA for _ in range(NBUF)]

    mesh = plsc.VectorSubcoreMesh(
        core_axis_name="c", subcore_axis_name="s",
        num_cores=NC, num_subcores=NS)

    def body(*refs):
        if has_pref:
            (x_hbm, pref_hbm, out_hbm, b0, b1, b2, histv, histr, prefbuf,
             s0, s1, s2) = refs
        else:
            (x_hbm, out_hbm, b0, b1, b2, histv, histr, s0, s1, s2) = refs
        bufs, sems = (b0, b1, b2), (s0, s1, s2)

        cid = lax.axis_index("c")
        sid = lax.axis_index("s")
        wid = sid * NC + cid
        base = wid * W_ELEMS
        lane = lax.iota(jnp.int32, L)
        ones = jnp.ones((L,), jnp.int32)
        zeros16 = jnp.zeros((L,), jnp.int32)

        @plsc.parallel_loop(0, hist_words, step=L, unroll=8)
        def _(i):
            histv[pl.ds(i, L)] = zeros16

        if has_pref:
            pltpu.sync_copy(pref_hbm.at[wid], prefbuf)
            pv = prefbuf[pl.ds(0, L)]

        for b in range(NBUF):
            pltpu.make_async_copy(
                x_hbm.at[pl.ds(base + b * CHUNK, CHUNK)], bufs[b], sems[b]
            ).start()

        def process(buf):
            @plsc.parallel_loop(0, CHUNK, step=L, unroll=16)
            def _(e):
                iv = plsc.bitcast(buf[pl.ds(e, L)], jnp.int32)
                if stage == 1:
                    idx = ((iv >> 16) & 0xFFF0) + lane
                    m = None
                elif stage == 2:
                    m = (iv >> 20) == pv
                    idx = ((iv >> 4) & 0xFFF0) + lane
                else:
                    m = (iv >> 8) == pv
                    idx = ((iv << 4) & 0xFF0) + lane
                plsc.addupdate_scatter(histv, [idx], ones, mask=m)

        def outer(i, carry):
            for b in range(NBUF):
                c = i * NBUF + b
                off = base + c * CHUNK
                pltpu.make_async_copy(
                    x_hbm.at[pl.ds(off, CHUNK)], bufs[b], sems[b]).wait()
                process(bufs[b])
                nxt = c + NBUF

                @pl.when(nxt < N_CHUNKS)
                def _():
                    pltpu.make_async_copy(
                        x_hbm.at[pl.ds(base + nxt * CHUNK, CHUNK)],
                        bufs[b], sems[b]).start()
            return carry
        lax.fori_loop(0, N_CHUNKS // NBUF, outer, 0)

        lane16 = lane * L

        @plsc.parallel_loop(0, nbins, step=L, unroll=2)
        def _(g):
            basei = g * L
            acc = zeros16
            for l in range(L):
                acc = acc + plsc.load_gather(histv, [basei + lane16 + l])
            histr[pl.ds(g, L)] = acc

        pltpu.sync_copy(histr, out_hbm.at[wid])

    return functools.partial(
        pl.kernel, body,
        out_type=jax.ShapeDtypeStruct((NW, nbins), jnp.int32),
        mesh=mesh, scratch_types=scratch,
        compiler_params=pltpu.CompilerParams(
            needs_layout_passes=False, use_tc_tiling_on_sc=False),
        name=f"kwta_hist{stage}")()


def _tri(n, lower):
    i = lax.broadcasted_iota(jnp.int32, (n, n), 0)
    j = lax.broadcasted_iota(jnp.int32, (n, n), 1)
    return ((i < j) if lower else (i > j)).astype(jnp.float32)


def _matmul(a, b):
    return lax.dot_general(a, b, (((1,), (0,)), ((), ())),
                           precision=lax.Precision.HIGHEST,
                           preferred_element_type=jnp.float32)


def _select_body(stage, *refs):
    nbins = 4096 if stage < 3 else 256
    nch = nbins // 128
    if stage == 1:
        h_ref, pref_out, carry_out = refs
        carry_ref = None
    elif stage == 2:
        h_ref, carry_ref, pref_out, carry_out = refs
    else:
        h_ref, carry_ref, t_out = refs

    h = h_ref[...].astype(jnp.float32)
    hr = jnp.sum(h.reshape(B, NW // B, nbins), axis=1)
    h3 = hr.reshape(B, nch, 128)
    cs = jnp.sum(h3, axis=2)

    wl_up = _matmul(h3.reshape(B * nch, 128), _tri(128, False)
                    ).reshape(B, nch, 128)
    wl_dn = _matmul(h3.reshape(B * nch, 128), _tri(128, True)
                    ).reshape(B, nch, 128)

    if stage == 1:
        ic = lax.broadcasted_iota(jnp.int32, (nch, nch), 0)
        jc = lax.broadcasted_iota(jnp.int32, (nch, nch), 1)
        posrow, poscol = ic < nch // 2, jc < nch // 2
        mc = ((poscol & posrow & (ic > jc))
              | ((~poscol) & (posrow | ((~posrow) & (ic < jc))))
              ).astype(jnp.float32)
        gc = _matmul(cs, mc)
        chunkpos = (lax.broadcasted_iota(jnp.int32, (1, nch, 1), 1)
                    < nch // 2)
        g = gc[:, :, None] + jnp.where(chunkpos, wl_up, wl_dn)
        kv = jnp.full((B, 1, 1), float(K), jnp.float32)
    else:
        gc_up = _matmul(cs, _tri(nch, False))
        gc_dn = _matmul(cs, _tri(nch, True))
        prev = carry_ref[...][:, 0:1]
        negrow = (prev >= (2048 if stage == 2 else 0x800000))[:, :, None]
        g = jnp.where(negrow, gc_dn[:, :, None] + wl_dn,
                      gc_up[:, :, None] + wl_up)
        kv = carry_ref[...][:, 1:2].astype(jnp.float32)[:, :, None]

    cond = (g < kv) & (g + h3 >= kv)
    bidx = (lax.broadcasted_iota(jnp.int32, (B, nch, 128), 1) * 128
            + lax.broadcasted_iota(jnp.int32, (B, nch, 128), 2)
            ).astype(jnp.float32)
    bsel = jnp.sum(jnp.sum(jnp.where(cond, bidx, 0.0), axis=2),
                   axis=1, keepdims=True)
    kres = jnp.sum(jnp.sum(jnp.where(cond, kv - g, 0.0), axis=2),
                   axis=1, keepdims=True)
    bi = bsel.astype(jnp.int32)
    ki = kres.astype(jnp.int32)

    if stage == 3:
        ut = carry_ref[...][:, 0:1] * 256 + bi
        t_out[...] = jnp.broadcast_to(
            lax.bitcast_convert_type(ut, jnp.float32), (B, 128))
        return
    if stage == 1:
        newraw = bi
        sext = jnp.where(bi >= 2048, bi - 4096, bi)
    else:
        newraw = carry_ref[...][:, 0:1] * 4096 + bi
        sext = jnp.where(newraw >= 0x800000, newraw - 0x1000000, newraw)

    pref_out[...] = jnp.broadcast_to(
        sext[:, None, :], (B, NW // B, 128)).reshape(NW, 128)
    ci = lax.broadcasted_iota(jnp.int32, (B, 128), 1)
    carry_out[...] = jnp.where(
        ci == 0, jnp.broadcast_to(newraw, (B, 128)),
        jnp.where(ci == 1, jnp.broadcast_to(ki, (B, 128)), 0))


def _select(stage, *args):
    if stage < 3:
        out_shape = (jax.ShapeDtypeStruct((NW, 128), jnp.int32),
                     jax.ShapeDtypeStruct((B, 128), jnp.int32))
    else:
        out_shape = jax.ShapeDtypeStruct((B, 128), jnp.float32)
    return pl.pallas_call(
        functools.partial(_select_body, stage),
        out_shape=out_shape,
        name=f"kwta_select{stage}")(*args)


_MC = 24
assert C_ % _MC == 0


def _mask_body(t_ref, x_ref, o_ref):
    tv = t_ref[pl.program_id(0), 0]
    xb = x_ref[...]
    o_ref[...] = jnp.where(xb >= tv, xb, 0.0)


def _mask(x, t):
    return pl.pallas_call(
        _mask_body,
        grid=(B, C_ // _MC),
        in_specs=[
            pl.BlockSpec((B, 128), lambda r, c: (0, 0)),
            pl.BlockSpec((1, _MC, H_, W_), lambda r, c: (r, c, 0, 0)),
        ],
        out_specs=pl.BlockSpec((1, _MC, H_, W_), lambda r, c: (r, c, 0, 0)),
        out_shape=jax.ShapeDtypeStruct((B, C_, H_, W_), jnp.float32),
        name="kwta_mask")(t, x)


def kernel(x):
    xf = x.reshape(-1)
    h1 = _make_hist_pass(1)(xf)
    p1, c1 = _select(1, h1)
    h2 = _make_hist_pass(2)(xf, p1)
    p2, c2 = _select(2, h2, c1)
    h3 = _make_hist_pass(3)(xf, p2)
    t = _select(3, h3, c2)
    return _mask(x, t)

# --- scband reference (transcript-rebuilt; emitter-appended) ---
"""Pipeline reference for scband-k-wta-34050500722819 (READ-ONLY COPY).

The authoritative reference and input builder live on the scoring server;
editing this copy changes nothing except your own understanding.
"""

import jax, jax.numpy as jnp
import numpy as np

SR = 0.1  # sparsity ratio; original module reads self.sr (set externally, not in __init__)

def setup_inputs(seed: int = 0) -> dict:
    key = jax.random.key(seed)
    x = jax.random.normal(key, (8, 96, 224, 224), dtype=jnp.float32)
    return {"x": x}

def reference(x):
    # size = C*H*W of the activation map
    size = x.shape[1] * x.shape[2] * x.shape[3]
    k = int(SR * size)
    b = x.shape[0]
    tmpx = x.reshape(b, -1)
    # k-th largest value per batch row (torch: tmpx.topk(k, dim=1)[0][:, -1])
    topval = jax.lax.top_k(tmpx, k)[0][:, -1]
    # torch repeats/permutes topval to view_as(x); broadcasting is equivalent
    topval_b = topval[:, None, None, None]
    comp = (x >= topval_b).astype(x.dtype)
    return comp * x

if __name__ == "__main__":
    import jax
    _d = setup_inputs()
    print(jax.jit(kernel)(*tuple(_d.values())))

</pallas_src>

<mosaic_0001>
#map = affine_map<(d0, d1) -> (0)>
#map1 = affine_map<(d0, d1) -> (0, 0)>
module attributes {stable_mosaic.version = 14 : i64} {
  func.func @kwta_hist3(%arg0: i32, %arg1: i32, %arg2: memref<38535168xf32, #tpu.memory_space<hbm>>, %arg3: memref<32x128xi32, #tpu.memory_space<hbm>>, %arg4: memref<32x256xi32, #tpu.memory_space<hbm>>, %arg5: memref<8192xf32, #tpu.memory_space<vmem>>, %arg6: memref<8192xf32, #tpu.memory_space<vmem>>, %arg7: memref<8192xf32, #tpu.memory_space<vmem>>, %arg8: memref<4096xi32, #tpu.memory_space<vmem>>, %arg9: memref<256xi32, #tpu.memory_space<vmem>>, %arg10: memref<128xi32, #tpu.memory_space<vmem>>, %arg11: memref<!tpu.dma_semaphore, #tpu.memory_space<semaphore_mem>>, %arg12: memref<!tpu.dma_semaphore, #tpu.memory_space<semaphore_mem>>, %arg13: memref<!tpu.dma_semaphore, #tpu.memory_space<semaphore_mem>>) attributes {dimension_semantics = [#tpu.dimension_semantics<core_parallel>, #tpu.dimension_semantics<subcore_parallel>], iteration_bounds = array<i64: 2, 16>, scalar_prefetch = 0 : i64, scratch_operands = 9 : i64, tpu.core_type = #tpu.core_type<sc_vector_subcore>, window_params = [{transform_indices = #map}, {transform_indices = #map1}, {transform_indices = #map1}]} {
    %mul3A = arith.constant 2 : i32
    %mul3A_0 = arith.muli %arg1, %mul3A : i32
    %add3A = arith.addi %mul3A_0, %arg0 : i32
    %mul3A_1 = arith.constant 1204224 : i32
    %mul3A_2 = arith.muli %add3A, %mul3A_1 : i32
    %iota3A = tpu.iota {dimensions = array<i32: 0>} : vector<16xi32>
    %broadcast_in_dim3A = arith.constant 1 : i32
    %broadcast_in_dim3A_3 = vector.broadcast %broadcast_in_dim3A : i32 to vector<16xi32>
    %broadcast_in_dim3A_4 = arith.constant 0 : i32
    %broadcast_in_dim3A_5 = vector.broadcast %broadcast_in_dim3A_4 : i32 to vector<16xi32>
    %parallel_loop3A = arith.constant 0 : i32
    %parallel_loop3A_6 = arith.constant 4096 : i32
    %parallel_loop3A_7 = arith.constant 16 : i32
    scf.for %parallel_loop3A_31 = %parallel_loop3A to %parallel_loop3A_6 step %parallel_loop3A_7  : i32 {
      %parallel_loop3A_32 = arith.index_cast %parallel_loop3A_31 : i32 to index
      %parallel_loop3A_33 = tpu.vector_load %arg8[%parallel_loop3A_32] {strides = array<i32>} : memref<4096xi32, #tpu.memory_space<vmem>>, vector<16xi32>,
      tpu.vector_store %arg8[%parallel_loop3A_32], %broadcast_in_dim3A_5 {strides = array<i32>} : memref<4096xi32, #tpu.memory_space<vmem>>, vector<16xi32>,
    } {sc.loop_unroll_factor = 8 : i64, sc.parallel_access}
    "tpu.region"() ({
      %run_scoped3A = tpu.sem_alloc : memref<!tpu.dma_semaphore, #tpu.memory_space<semaphore_mem>>
      %dma_start3A_31 = arith.constant 0 : i32
      %dma_start3A_32 = tpu.memref_slice %arg3[%add3A, %dma_start3A_31] : memref<32x128xi32, #tpu.memory_space<hbm>> -> memref<1x128xi32, #tpu.memory_space<hbm>>
      %dma_start3A_33 = tpu.memref_squeeze %dma_start3A_32 : memref<1x128xi32, #tpu.memory_space<hbm>> -> memref<128xi32, #tpu.memory_space<hbm>>
      %dma_start3A_34 = arith.constant 0 : i32
      %dma_start3A_35 = tpu.memref_slice %arg3[%add3A, %dma_start3A_34] : memref<32x128xi32, #tpu.memory_space<hbm>> -> memref<1x128xi32, #tpu.memory_space<hbm>>
      %dma_start3A_36 = tpu.memref_squeeze %dma_start3A_35 : memref<1x128xi32, #tpu.memory_space<hbm>> -> memref<128xi32, #tpu.memory_space<hbm>>
      tpu.enqueue_dma source(%dma_start3A_36 : memref<128xi32, #tpu.memory_space<hbm>>) target(%arg10 : memref<128xi32, #tpu.memory_space<vmem>>) target_semaphore(%run_scoped3A : memref<!tpu.dma_semaphore, #tpu.memory_space<semaphore_mem>>)
      %dma_wait3A = arith.constant 0 : i32
      %dma_wait3A_37 = tpu.memref_slice %arg3[%add3A, %dma_wait3A] : memref<32x128xi32, #tpu.memory_space<hbm>> -> memref<1x128xi32, #tpu.memory_space<hbm>>
      %dma_wait3A_38 = tpu.memref_squeeze %dma_wait3A_37 : memref<1x128xi32, #tpu.memory_space<hbm>> -> memref<128xi32, #tpu.memory_space<hbm>>
      %dma_wait3A_39 = arith.constant 0 : i32
      %dma_wait3A_40 = tpu.memref_slice %arg3[%add3A, %dma_wait3A_39] : memref<32x128xi32, #tpu.memory_space<hbm>> -> memref<1x128xi32, #tpu.memory_space<hbm>>
      %dma_wait3A_41 = tpu.memref_squeeze %dma_wait3A_40 : memref<1x128xi32, #tpu.memory_space<hbm>> -> memref<128xi32, #tpu.memory_space<hbm>>
      tpu.wait_dma2 semaphore(%run_scoped3A : memref<!tpu.dma_semaphore, #tpu.memory_space<semaphore_mem>>) src(%dma_wait3A_41 : memref<128xi32, #tpu.memory_space<hbm>>) dst(%arg10 : memref<128xi32, #tpu.memory_space<vmem>>)
      tpu.yield
    }) : () -> ()
    %get3A = arith.constant 0 : index
    %get3A_8 = tpu.vector_load %arg10[%get3A] {strides = array<i32>} : memref<128xi32, #tpu.memory_space<vmem>>, vector<16xi32>,
    %add3A_9 = arith.constant 0 : i32
    %add3A_10 = arith.addi %mul3A_2, %add3A_9 : i32
    %dma_start3A = tpu.memref_slice %arg2[%add3A_10] : memref<38535168xf32, #tpu.memory_space<hbm>> -> memref<8192xf32, #tpu.memory_space<hbm>>
    %dma_start3A_11 = tpu.memref_slice %arg2[%add3A_10] : memref<38535168xf32, #tpu.memory_space<hbm>> -> memref<8192xf32, #tpu.memory_space<hbm>>
    tpu.enqueue_dma source(%dma_start3A_11 : memref<8192xf32, #tpu.memory_space<hbm>>) target(%arg5 : memref<8192xf32, #tpu.memory_space<vmem>>) target_semaphore(%arg11 : memref<!tpu.dma_semaphore, #tpu.memory_space<semaphore_mem>>)
    %add3A_12 = arith.constant 8192 : i32
    %add3A_13 = arith.addi %mul3A_2, %add3A_12 : i32
    %dma_start3A_14 = tpu.memref_slice %arg2[%add3A_13] : memref<38535168xf32, #tpu.memory_space<hbm>> -> memref<8192xf32, #tpu.memory_space<hbm>>
    %dma_start3A_15 = tpu.memref_slice %arg2[%add3A_13] : memref<38535168xf32, #tpu.memory_space<hbm>> -> memref<8192xf32, #tpu.memory_space<hbm>>
    tpu.enqueue_dma source(%dma_start3A_15 : memref<8192xf32, #tpu.memory_space<hbm>>) target(%arg6 : memref<8192xf32, #tpu.memory_space<vmem>>) target_semaphore(%arg12 : memref<!tpu.dma_semaphore, #tpu.memory_space<semaphore_mem>>)
    %add3A_16 = arith.constant 16384 : i32
    %add3A_17 = arith.addi %mul3A_2, %add3A_16 : i32
    %dma_start3A_18 = tpu.memref_slice %arg2[%add3A_17] : memref<38535168xf32, #tpu.memory_space<hbm>> -> memref<8192xf32, #tpu.memory_space<hbm>>
    %dma_start3A_19 = tpu.memref_slice %arg2[%add3A_17] : memref<38535168xf32, #tpu.memory_space<hbm>> -> memref<8192xf32, #tpu.memory_space<hbm>>
    tpu.enqueue_dma source(%dma_start3A_19 : memref<8192xf32, #tpu.memory_space<hbm>>) target(%arg7 : memref<8192xf32, #tpu.memory_space<vmem>>) target_semaphore(%arg13 : memref<!tpu.dma_semaphore, #tpu.memory_space<semaphore_mem>>)
    %scan3A = arith.constant 0 : i32
    %scan3A_20 = arith.constant 0 : i32
    %scan3A_21 = arith.constant 49 : i32
    %scan3A_22 = arith.addi %scan3A_20, %scan3A_21 : i32
    %scan3A_23 = arith.constant 1 : i32
    scf.for %scan3A_31 = %scan3A_20 to %scan3A_22 step %scan3A_23  : i32 {
      %mul3A_32 = arith.constant 3 : i32
      %mul3A_33 = arith.muli %scan3A_31, %mul3A_32 : i32
      %add3A_34 = arith.constant 0 : i32
      %add3A_35 = arith.addi %mul3A_33, %add3A_34 : i32
      %mul3A_36 = arith.constant 8192 : i32
      %mul3A_37 = arith.muli %add3A_35, %mul3A_36 : i32
      %add3A_38 = arith.addi %mul3A_2, %mul3A_37 : i32
      %dma_wait3A = tpu.memref_slice %arg2[%add3A_38] : memref<38535168xf32, #tpu.memory_space<hbm>> -> memref<8192xf32, #tpu.memory_space<hbm>>
      %dma_wait3A_39 = tpu.memref_slice %arg2[%add3A_38] : memref<38535168xf32, #tpu.memory_space<hbm>> -> memref<8192xf32, #tpu.memory_space<hbm>>
      tpu.wait_dma2 semaphore(%arg11 : memref<!tpu.dma_semaphore, #tpu.memory_space<semaphore_mem>>) src(%dma_wait3A_39 : memref<8192xf32, #tpu.memory_space<hbm>>) dst(%arg5 : memref<8192xf32, #tpu.memory_space<vmem>>)
      %parallel_loop3A_40 = arith.constant 0 : i32
      %parallel_loop3A_41 = arith.constant 8192 : i32
      %parallel_loop3A_42 = arith.constant 16 : i32
      scf.for %parallel_loop3A_85 = %parallel_loop3A_40 to %parallel_loop3A_41 step %parallel_loop3A_42  : i32 {
        %parallel_loop3A_86 = arith.index_cast %parallel_loop3A_85 : i32 to index
        %parallel_loop3A_87 = tpu.vector_load %arg5[%parallel_loop3A_86] {strides = array<i32>} : memref<8192xf32, #tpu.memory_space<vmem>>, vector<16xf32>,
        %parallel_loop3A_88 = vector.bitcast %parallel_loop3A_87 : vector<16xf32> to vector<16xi32>
        %parallel_loop3A_89 = arith.constant 8 : i32
        %parallel_loop3A_90 = vector.broadcast %parallel_loop3A_89 : i32 to vector<16xi32>
        %parallel_loop3A_91 = arith.shrsi %parallel_loop3A_88, %parallel_loop3A_90 : vector<16xi32>
        %parallel_loop3A_92 = arith.cmpi eq, %parallel_loop3A_91, %get3A_8 : vector<16xi32>
        %parallel_loop3A_93 = arith.constant 4 : i32
        %parallel_loop3A_94 = vector.broadcast %parallel_loop3A_93 : i32 to vector<16xi32>
        %parallel_loop3A_95 = arith.shli %parallel_loop3A_88, %parallel_loop3A_94 : vector<16xi32>
        %parallel_loop3A_96 = arith.constant 4080 : i32
        %parallel_loop3A_97 = vector.broadcast %parallel_loop3A_96 : i32 to vector<16xi32>
        %parallel_loop3A_98 = arith.andi %parallel_loop3A_95, %parallel_loop3A_97 : vector<16xi32>
        %parallel_loop3A_99 = arith.addi %parallel_loop3A_98, %iota3A : vector<16xi32>
        tpu.vector_store_idx %arg8[%parallel_loop3A_99], %broadcast_in_dim3A_3 masked %parallel_loop3A_92 {add = true} : memref<4096xi32, #tpu.memory_space<vmem>>[vector<16xi32>], vector<16xi32>, vector<16xi1>
      } {sc.loop_unroll_factor = 16 : i64, sc.parallel_access}
      %add3A_43 = arith.constant 3 : i32
      %add3A_44 = arith.addi %add3A_35, %add3A_43 : i32
      %lt3A = arith.constant 147 : i32
      %lt3A_45 = arith.cmpi slt, %add3A_44, %lt3A : i32
      %convert_element_type3A = arith.extui %lt3A_45 : i1 to i32
      %cond3A = arith.constant 0 : i32
      %cond3A_46 = arith.cmpi ne, %convert_element_type3A, %cond3A : i32
      scf.if %cond3A_46 {
        %mul3A_85 = arith.constant 8192 : i32
        %mul3A_86 = arith.muli %add3A_44, %mul3A_85 : i32
        %add3A_87 = arith.addi %mul3A_2, %mul3A_86 : i32
        %dma_start3A_88 = tpu.memref_slice %arg2[%add3A_87] : memref<38535168xf32, #tpu.memory_space<hbm>> -> memref<8192xf32, #tpu.memory_space<hbm>>
        %dma_start3A_89 = tpu.memref_slice %arg2[%add3A_87] : memref<38535168xf32, #tpu.memory_space<hbm>> -> memref<8192xf32, #tpu.memory_space<hbm>>
        tpu.enqueue_dma source(%dma_start3A_89 : memref<8192xf32, #tpu.memory_space<hbm>>) target(%arg5 : memref<8192xf32, #tpu.memory_space<vmem>>) target_semaphore(%arg11 : memref<!tpu.dma_semaphore, #tpu.memory_space<semaphore_mem>>)
      } else {
      }
      %mul3A_47 = arith.constant 3 : i32
      %mul3A_48 = arith.muli %scan3A_31, %mul3A_47 : i32
      %add3A_49 = arith.constant 1 : i32
      %add3A_50 = arith.addi %mul3A_48, %add3A_49 : i32
      %mul3A_51 = arith.constant 8192 : i32
      %mul3A_52 = arith.muli %add3A_50, %mul3A_51 : i32
      %add3A_53 = arith.addi %mul3A_2, %mul3A_52 : i32
      %dma_wait3A_54 = tpu.memref_slice %arg2[%add3A_53] : memref<38535168xf32, #tpu.memory_space<hbm>> -> memref<8192xf32, #tpu.memory_space<hbm>>
      %dma_wait3A_55 = tpu.memref_slice %arg2[%add3A_53] : memref<38535168xf32, #tpu.memory_space<hbm>> -> memref<8192xf32, #tpu.memory_space<hbm>>
      tpu.wait_dma2 semaphore(%arg12 : memref<!tpu.dma_semaphore, #tpu.memory_space<semaphore_mem>>) src(%dma_wait3A_55 : memref<8192xf32, #tpu.memory_space<hbm>>) dst(%arg6 : memref<8192xf32, #tpu.memory_space<vmem>>)
      %parallel_loop3A_56 = arith.constant 0 : i32
      %parallel_loop3A_57 = arith.constant 8192 : i32
      %parallel_loop3A_58 = arith.constant 16 : i32
      scf.for %parallel_loop3A_85 = %parallel_loop3A_56 to %parallel_loop3A_57 step %parallel_loop3A_58  : i32 {
        %parallel_loop3A_86 = arith.index_cast %parallel_loop3A_85 : i32 to index
        %parallel_loop3A_87 = tpu.vector_load %arg6[%parallel_loop3A_86] {strides = array<i32>} : memref<8192xf32, #tpu.memory_space<vmem>>, vector<16xf32>,
        %parallel_loop3A_88 = vector.bitcast %parallel_loop3A_87 : vector<16xf32> to vector<16xi32>
        %parallel_loop3A_89 = arith.constant 8 : i32
        %parallel_loop3A_90 = vector.broadcast %parallel_loop3A_89 : i32 to vector<16xi32>
        %parallel_loop3A_91 = arith.shrsi %parallel_loop3A_88, %parallel_loop3A_90 : vector<16xi32>
        %parallel_loop3A_92 = arith.cmpi eq, %parallel_loop3A_91, %get3A_8 : vector<16xi32>
        %parallel_loop3A_93 = arith.constant 4 : i32
        %parallel_loop3A_94 = vector.broadcast %parallel_loop3A_93 : i32 to vector<16xi32>
        %parallel_loop3A_95 = arith.shli %parallel_loop3A_88, %parallel_loop3A_94 : vector<16xi32>
        %parallel_loop3A_96 = arith.constant 4080 : i32
        %parallel_loop3A_97 = vector.broadcast %parallel_loop3A_96 : i32 to vector<16xi32>
        %parallel_loop3A_98 = arith.andi %parallel_loop3A_95, %parallel_loop3A_97 : vector<16xi32>
        %parallel_loop3A_99 = arith.addi %parallel_loop3A_98, %iota3A : vector<16xi32>
        tpu.vector_store_idx %arg8[%parallel_loop3A_99], %broadcast_in_dim3A_3 masked %parallel_loop3A_92 {add = true} : memref<4096xi32, #tpu.memory_space<vmem>>[vector<16xi32>], vector<16xi32>, vector<16xi1>
      } {sc.loop_unroll_factor = 16 : i64, sc.parallel_access}
      %add3A_59 = arith.constant 3 : i32
      %add3A_60 = arith.addi %add3A_50, %add3A_59 : i32
      %lt3A_61 = arith.constant 147 : i32
      %lt3A_62 = arith.cmpi slt, %add3A_60, %lt3A_61 : i32
      %convert_element_type3A_63 = arith.extui %lt3A_62 : i1 to i32
      %cond3A_64 = arith.constant 0 : i32
      %cond3A_65 = arith.cmpi ne, %convert_element_type3A_63, %cond3A_64 : i32
      scf.if %cond3A_65 {
        %mul3A_85 = arith.constant 8192 : i32
        %mul3A_86 = arith.muli %add3A_60, %mul3A_85 : i32
        %add3A_87 = arith.addi %mul3A_2, %mul3A_86 : i32
        %dma_start3A_88 = tpu.memref_slice %arg2[%add3A_87] : memref<38535168xf32, #tpu.memory_space<hbm>> -> memref<8192xf32, #tpu.memory_space<hbm>>
        %dma_start3A_89 = tpu.memref_slice %arg2[%add3A_87] : memref<38535168xf32, #tpu.memory_space<hbm>> -> memref<8192xf32, #tpu.memory_space<hbm>>
        tpu.enqueue_dma source(%dma_start3A_89 : memref<8192xf32, #tpu.memory_space<hbm>>) target(%arg6 : memref<8192xf32, #tpu.memory_space<vmem>>) target_semaphore(%arg12 : memref<!tpu.dma_semaphore, #tpu.memory_space<semaphore_mem>>)
      } else {
      }
      %mul3A_66 = arith.constant 3 : i32
      %mul3A_67 = arith.muli %scan3A_31, %mul3A_66 : i32
      %add3A_68 = arith.constant 2 : i32
      %add3A_69 = arith.addi %mul3A_67, %add3A_68 : i32
      %mul3A_70 = arith.constant 8192 : i32
      %mul3A_71 = arith.muli %add3A_69, %mul3A_70 : i32
      %add3A_72 = arith.addi %mul3A_2, %mul3A_71 : i32
      %dma_wait3A_73 = tpu.memref_slice %arg2[%add3A_72] : memref<38535168xf32, #tpu.memory_space<hbm>> -> memref<8192xf32, #tpu.memory_space<hbm>>
      %dma_wait3A_74 = tpu.memref_slice %arg2[%add3A_72] : memref<38535168xf32, #tpu.memory_space<hbm>> -> memref<8192xf32, #tpu.memory_space<hbm>>
      tpu.wait_dma2 semaphore(%arg13 : memref<!tpu.dma_semaphore, #tpu.memory_space<semaphore_mem>>) src(%dma_wait3A_74 : memref<8192xf32, #tpu.memory_space<hbm>>) dst(%arg7 : memref<8192xf32, #tpu.memory_space<vmem>>)
      %parallel_loop3A_75 = arith.constant 0 : i32
      %parallel_loop3A_76 = arith.constant 8192 : i32
      %parallel_loop3A_77 = arith.constant 16 : i32
      scf.for %parallel_loop3A_85 = %parallel_loop3A_75 to %parallel_loop3A_76 step %parallel_loop3A_77  : i32 {
        %parallel_loop3A_86 = arith.index_cast %parallel_loop3A_85 : i32 to index
        %parallel_loop3A_87 = tpu.vector_load %arg7[%parallel_loop3A_86] {strides = array<i32>} : memref<8192xf32, #tpu.memory_space<vmem>>, vector<16xf32>,
        %parallel_loop3A_88 = vector.bitcast %parallel_loop3A_87 : vector<16xf32> to vector<16xi32>
        %parallel_loop3A_89 = arith.constant 8 : i32
        %parallel_loop3A_90 = vector.broadcast %parallel_loop3A_89 : i32 to vector<16xi32>
        %parallel_loop3A_91 = arith.shrsi %parallel_loop3A_88, %parallel_loop3A_90 : vector<16xi32>
        %parallel_loop3A_92 = arith.cmpi eq, %parallel_loop3A_91, %get3A_8 : vector<16xi32>
        %parallel_loop3A_93 = arith.constant 4 : i32
        %parallel_loop3A_94 = vector.broadcast %parallel_loop3A_93 : i32 to vector<16xi32>
        %parallel_loop3A_95 = arith.shli %parallel_loop3A_88, %parallel_loop3A_94 : vector<16xi32>
        %parallel_loop3A_96 = arith.constant 4080 : i32
        %parallel_loop3A_97 = vector.broadcast %parallel_loop3A_96 : i32 to vector<16xi32>
        %parallel_loop3A_98 = arith.andi %parallel_loop3A_95, %parallel_loop3A_97 : vector<16xi32>
        %parallel_loop3A_99 = arith.addi %parallel_loop3A_98, %iota3A : vector<16xi32>
        tpu.vector_store_idx %arg8[%parallel_loop3A_99], %broadcast_in_dim3A_3 masked %parallel_loop3A_92 {add = true} : memref<4096xi32, #tpu.memory_space<vmem>>[vector<16xi32>], vector<16xi32>, vector<16xi1>
      } {sc.loop_unroll_factor = 16 : i64, sc.parallel_access}
      %add3A_78 = arith.constant 3 : i32
      %add3A_79 = arith.addi %add3A_69, %add3A_78 : i32
      %lt3A_80 = arith.constant 147 : i32
      %lt3A_81 = arith.cmpi slt, %add3A_79, %lt3A_80 : i32
      %convert_element_type3A_82 = arith.extui %lt3A_81 : i1 to i32
      %cond3A_83 = arith.constant 0 : i32
      %cond3A_84 = arith.cmpi ne, %convert_element_type3A_82, %cond3A_83 : i32
      scf.if %cond3A_84 {
        %mul3A_85 = arith.constant 8192 : i32
        %mul3A_86 = arith.muli %add3A_79, %mul3A_85 : i32
        %add3A_87 = arith.addi %mul3A_2, %mul3A_86 : i32
        %dma_start3A_88 = tpu.memref_slice %arg2[%add3A_87] : memref<38535168xf32, #tpu.memory_space<hbm>> -> memref<8192xf32, #tpu.memory_space<hbm>>
        %dma_start3A_89 = tpu.memref_slice %arg2[%add3A_87] : memref<38535168xf32, #tpu.memory_space<hbm>> -> memref<8192xf32, #tpu.memory_space<hbm>>
        tpu.enqueue_dma source(%dma_start3A_89 : memref<8192xf32, #tpu.memory_space<hbm>>) target(%arg7 : memref<8192xf32, #tpu.memory_space<vmem>>) target_semaphore(%arg13 : memref<!tpu.dma_semaphore, #tpu.memory_space<semaphore_mem>>)
      } else {
      }
    }
    %scan3A_24 = arith.constant 49 : i32
    %mul3A_25 = arith.constant 16 : i32
    %mul3A_26 = vector.broadcast %mul3A_25 : i32 to vector<16xi32>
    %mul3A_27 = arith.muli %iota3A, %mul3A_26 : vector<16xi32>
    %parallel_loop3A_28 = arith.constant 0 : i32
    %parallel_loop3A_29 = arith.constant 256 : i32
    %parallel_loop3A_30 = arith.constant 16 : i32
    scf.for %parallel_loop3A_31 = %parallel_loop3A_28 to %parallel_loop3A_29 step %parallel_loop3A_30  : i32 {
      %parallel_loop3A_32 = arith.constant 16 : i32
      %parallel_loop3A_33 = arith.muli %parallel_loop3A_31, %parallel_loop3A_32 : i32
      %parallel_loop3A_34 = vector.broadcast %parallel_loop3A_33 : i32 to vector<16xi32>
      %parallel_loop3A_35 = arith.addi %parallel_loop3A_34, %mul3A_27 : vector<16xi32>
      %parallel_loop3A_36 = arith.constant 0 : i32
      %parallel_loop3A_37 = vector.broadcast %parallel_loop3A_36 : i32 to vector<16xi32>
      %parallel_loop3A_38 = arith.addi %parallel_loop3A_35, %parallel_loop3A_37 : vector<16xi32>
      %parallel_loop3A_39 = tpu.vector_load_idx %arg8[%parallel_loop3A_38] : memref<4096xi32, #tpu.memory_space<vmem>>[vector<16xi32>], vector<16xi32>,
      %parallel_loop3A_40 = arith.addi %broadcast_in_dim3A_5, %parallel_loop3A_39 : vector<16xi32>
      %parallel_loop3A_41 = vector.broadcast %parallel_loop3A_33 : i32 to vector<16xi32>
      %parallel_loop3A_42 = arith.addi %parallel_loop3A_41, %mul3A_27 : vector<16xi32>
      %parallel_loop3A_43 = arith.constant 1 : i32
      %parallel_loop3A_44 = vector.broadcast %parallel_loop3A_43 : i32 to vector<16xi32>
      %parallel_loop3A_45 = arith.addi %parallel_loop3A_42, %parallel_loop3A_44 : vector<16xi32>
      %parallel_loop3A_46 = tpu.vector_load_idx %arg8[%parallel_loop3A_45] : memref<4096xi32, #tpu.memory_space<vmem>>[vector<16xi32>], vector<16xi32>,
      %parallel_loop3A_47 = arith.addi %parallel_loop3A_40, %parallel_loop3A_46 : vector<16xi32>
      %parallel_loop3A_48 = vector.broadcast %parallel_loop3A_33 : i32 to vector<16xi32>
      %parallel_loop3A_49 = arith.addi %parallel_loop3A_48, %mul3A_27 : vector<16xi32>
      %parallel_loop3A_50 = arith.constant 2 : i32
      %parallel_loop3A_51 = vector.broadcast %parallel_loop3A_50 : i32 to vector<16xi32>
      %parallel_loop3A_52 = arith.addi %parallel_loop3A_49, %parallel_loop3A_51 : vector<16xi32>
      %parallel_loop3A_53 = tpu.vector_load_idx %arg8[%parallel_loop3A_52] : memref<4096xi32, #tpu.memory_space<vmem>>[vector<16xi32>], vector<16xi32>,
      %parallel_loop3A_54 = arith.addi %parallel_loop3A_47, %parallel_loop3A_53 : vector<16xi32>
      %parallel_loop3A_55 = vector.broadcast %parallel_loop3A_33 : i32 to vector<16xi32>
      %parallel_loop3A_56 = arith.addi %parallel_loop3A_55, %mul3A_27 : vector<16xi32>
      %parallel_loop3A_57 = arith.constant 3 : i32
      %parallel_loop3A_58 = vector.broadcast %parallel_loop3A_57 : i32 to vector<16xi32>
      %parallel_loop3A_59 = arith.addi %parallel_loop3A_56, %parallel_loop3A_58 : vector<16xi32>
      %parallel_loop3A_60 = tpu.vector_load_idx %arg8[%parallel_loop3A_59] : memref<4096xi32, #tpu.memory_space<vmem>>[vector<16xi32>], vector<16xi32>,
      %parallel_loop3A_61 = arith.addi %parallel_loop3A_54, %parallel_loop3A_60 : vector<16xi32>
      %parallel_loop3A_62 = vector.broadcast %parallel_loop3A_33 : i32 to vector<16xi32>
      %parallel_loop3A_63 = arith.addi %parallel_loop3A_62, %mul3A_27 : vector<16xi32>
      %parallel_loop3A_64 = arith.constant 4 : i32
      %parallel_loop3A_65 = vector.broadcast %parallel_loop3A_64 : i32 to vector<16xi32>
      %parallel_loop3A_66 = arith.addi %parallel_loop3A_63, %parallel_loop3A_65 : vector<16xi32>
      %parallel_loop3A_67 = tpu.vector_load_idx %arg8[%parallel_loop3A_66] : memref<4096xi32, #tpu.memory_space<vmem>>[vector<16xi32>], vector<16xi32>,
      %parallel_loop3A_68 = arith.addi %parallel_loop3A_61, %parallel_loop3A_67 : vector<16xi32>
      %parallel_loop3A_69 = vector.broadcast %parallel_loop3A_33 : i32 to vector<16xi32>
      %parallel_loop3A_70 = arith.addi %parallel_loop3A_69, %mul3A_27 : vector<16xi32>
      %parallel_loop3A_71 = arith.constant 5 : i32
      %parallel_loop3A_72 = vector.broadcast %parallel_loop3A_71 : i32 to vector<16xi32>
      %parallel_loop3A_73 = arith.addi %parallel_loop3A_70, %parallel_loop3A_72 : vector<16xi32>
      %parallel_loop3A_74 = tpu.vector_load_idx %arg8[%parallel_loop3A_73] : memref<4096xi32, #tpu.memory_space<vmem>>[vector<16xi32>], vector<16xi32>,
      %parallel_loop3A_75 = arith.addi %parallel_loop3A_68, %parallel_loop3A_74 : vector<16xi32>
      %parallel_loop3A_76 = vector.broadcast %parallel_loop3A_33 : i32 to vector<16xi32>
      %parallel_loop3A_77 = arith.addi %parallel_loop3A_76, %mul3A_27 : vector<16xi32>
      %parallel_loop3A_78 = arith.constant 6 : i32
      %parallel_loop3A_79 = vector.broadcast %parallel_loop3A_78 : i32 to vector<16xi32>
      %parallel_loop3A_80 = arith.addi %parallel_loop3A_77, %parallel_loop3A_79 : vector<16xi32>
      %parallel_loop3A_81 = tpu.vector_load_idx %arg8[%parallel_loop3A_80] : memref<4096xi32, #tpu.memory_space<vmem>>[vector<16xi32>], vector<16xi32>,
      %parallel_loop3A_82 = arith.addi %parallel_loop3A_75, %parallel_loop3A_81 : vector<16xi32>
      %parallel_loop3A_83 = vector.broadcast %parallel_loop3A_33 : i32 to vector<16xi32>
      %parallel_loop3A_84 = arith.addi %parallel_loop3A_83, %mul3A_27 : vector<16xi32>
      %parallel_loop3A_85 = arith.constant 7 : i32
      %parallel_loop3A_86 = vector.broadcast %parallel_loop3A_85 : i32 to vector<16xi32>
      %parallel_loop3A_87 = arith.addi %parallel_loop3A_84, %parallel_loop3A_86 : vector<16xi32>
      %parallel_loop3A_88 = tpu.vector_load_idx %arg8[%parallel_loop3A_87] : memref<4096xi32, #tpu.memory_space<vmem>>[vector<16xi32>], vector<16xi32>,
      %parallel_loop3A_89 = arith.addi %parallel_loop3A_82, %parallel_loop3A_88 : vector<16xi32>
      %parallel_loop3A_90 = vector.broadcast %parallel_loop3A_33 : i32 to vector<16xi32>
      %parallel_loop3A_91 = arith.addi %parallel_loop3A_90, %mul3A_27 : vector<16xi32>
      %parallel_loop3A_92 = arith.constant 8 : i32
      %parallel_loop3A_93 = vector.broadcast %parallel_loop3A_92 : i32 to vector<16xi32>
      %parallel_loop3A_94 = arith.addi %parallel_loop3A_91, %parallel_loop3A_93 : vector<16xi32>
      %parallel_loop3A_95 = tpu.vector_load_idx %arg8[%parallel_loop3A_94] : memref<4096xi32, #tpu.memory_space<vmem>>[vector<16xi32>], vector<16xi32>,
      %parallel_loop3A_96 = arith.addi %parallel_loop3A_89, %parallel_loop3A_95 : vector<16xi32>
      %parallel_loop3A_97 = vector.broadcast %parallel_loop3A_33 : i32 to vector<16xi32>
      %parallel_loop3A_98 = arith.addi %parallel_loop3A_97, %mul3A_27 : vector<16xi32>
      %parallel_loop3A_99 = arith.constant 9 : i32
      %parallel_loop3A_100 = vector.broadcast %parallel_loop3A_99 : i32 to vector<16xi32>
      %parallel_loop3A_101 = arith.addi %parallel_loop3A_98, %parallel_loop3A_100 : vector<16xi32>
      %parallel_loop3A_102 = tpu.vector_load_idx %arg8[%parallel_loop3A_101] : memref<4096xi32, #tpu.memory_space<vmem>>[vector<16xi32>], vector<16xi32>,
      %parallel_loop3A_103 = arith.addi %parallel_loop3A_96, %parallel_loop3A_102 : vector<16xi32>
      %parallel_loop3A_104 = vector.broadcast %parallel_loop3A_33 : i32 to vector<16xi32>
      %parallel_loop3A_105 = arith.addi %parallel_loop3A_104, %mul3A_27 : vector<16xi32>
      %parallel_loop3A_106 = arith.constant 10 : i32
      %parallel_loop3A_107 = vector.broadcast %parallel_loop3A_106 : i32 to vector<16xi32>
      %parallel_loop3A_108 = arith.addi %parallel_loop3A_105, %parallel_loop3A_107 : vector<16xi32>
      %parallel_loop3A_109 = tpu.vector_load_idx %arg8[%parallel_loop3A_108] : memref<4096xi32, #tpu.memory_space<vmem>>[vector<16xi32>], vector<16xi32>,
      %parallel_loop3A_110 = arith.addi %parallel_loop3A_103, %parallel_loop3A_109 : vector<16xi32>
      %parallel_loop3A_111 = vector.broadcast %parallel_loop3A_33 : i32 to vector<16xi32>
      %parallel_loop3A_112 = arith.addi %parallel_loop3A_111, %mul3A_27 : vector<16xi32>
      %parallel_loop3A_113 = arith.constant 11 : i32
      %parallel_loop3A_114 = vector.broadcast %parallel_loop3A_113 : i32 to vector<16xi32>
      %parallel_loop3A_115 = arith.addi %parallel_loop3A_112, %parallel_loop3A_114 : vector<16xi32>
      %parallel_loop3A_116 = tpu.vector_load_idx %arg8[%parallel_loop3A_115] : memref<4096xi32, #tpu.memory_space<vmem>>[vector<16xi32>], vector<16xi32>,
      %parallel_loop3A_117 = arith.addi %parallel_loop3A_110, %parallel_loop3A_116 : vector<16xi32>
      %parallel_loop3A_118 = vector.broadcast %parallel_loop3A_33 : i32 to vector<16xi32>
      %parallel_loop3A_119 = arith.addi %parallel_loop3A_118, %mul3A_27 : vector<16xi32>
      %parallel_loop3A_120 = arith.constant 12 : i32
      %parallel_loop3A_121 = vector.broadcast %parallel_loop3A_120 : i32 to vector<16xi32>
      %parallel_loop3A_122 = arith.addi %parallel_loop3A_119, %parallel_loop3A_121 : vector<16xi32>
      %parallel_loop3A_123 = tpu.vector_load_idx %arg8[%parallel_loop3A_122] : memref<4096xi32, #tpu.memory_space<vmem>>[vector<16xi32>], vector<16xi32>,
      %parallel_loop3A_124 = arith.addi %parallel_loop3A_117, %parallel_loop3A_123 : vector<16xi32>
      %parallel_loop3A_125 = vector.broadcast %parallel_loop3A_33 : i32 to vector<16xi32>
      %parallel_loop3A_126 = arith.addi %parallel_loop3A_125, %mul3A_27 : vector<16xi32>
      %parallel_loop3A_127 = arith.constant 13 : i32
      %parallel_loop3A_128 = vector.broadcast %parallel_loop3A_127 : i32 to vector<16xi32>
      %parallel_loop3A_129 = arith.addi %parallel_loop3A_126, %parallel_loop3A_128 : vector<16xi32>
      %parallel_loop3A_130 = tpu.vector_load_idx %arg8[%parallel_loop3A_129] : memref<4096xi32, #tpu.memory_space<vmem>>[vector<16xi32>], vector<16xi32>,
      %parallel_loop3A_131 = arith.addi %parallel_loop3A_124, %parallel_loop3A_130 : vector<16xi32>
      %parallel_loop3A_132 = vector.broadcast %parallel_loop3A_33 : i32 to vector<16xi32>
      %parallel_loop3A_133 = arith.addi %parallel_loop3A_132, %mul3A_27 : vector<16xi32>
      %parallel_loop3A_134 = arith.constant 14 : i32
      %parallel_loop3A_135 = vector.broadcast %parallel_loop3A_134 : i32 to vector<16xi32>
      %parallel_loop3A_136 = arith.addi %parallel_loop3A_133, %parallel_loop3A_135 : vector<16xi32>
      %parallel_loop3A_137 = tpu.vector_load_idx %arg8[%parallel_loop3A_136] : memref<4096xi32, #tpu.memory_space<vmem>>[vector<16xi32>], vector<16xi32>,
      %parallel_loop3A_138 = arith.addi %parallel_loop3A_131, %parallel_loop3A_137 : vector<16xi32>
      %parallel_loop3A_139 = vector.broadcast %parallel_loop3A_33 : i32 to vector<16xi32>
      %parallel_loop3A_140 = arith.addi %parallel_loop3A_139, %mul3A_27 : vector<16xi32>
      %parallel_loop3A_141 = arith.constant 15 : i32
      %parallel_loop3A_142 = vector.broadcast %parallel_loop3A_141 : i32 to vector<16xi32>
      %parallel_loop3A_143 = arith.addi %parallel_loop3A_140, %parallel_loop3A_142 : vector<16xi32>
      %parallel_loop3A_144 = tpu.vector_load_idx %arg8[%parallel_loop3A_143] : memref<4096xi32, #tpu.memory_space<vmem>>[vector<16xi32>], vector<16xi32>,
      %parallel_loop3A_145 = arith.addi %parallel_loop3A_138, %parallel_loop3A_144 : vector<16xi32>
      %parallel_loop3A_146 = arith.index_cast %parallel_loop3A_31 : i32 to index
      %parallel_loop3A_147 = tpu.vector_load %arg9[%parallel_loop3A_146] {strides = array<i32>} : memref<256xi32, #tpu.memory_space<vmem>>, vector<16xi32>,
      tpu.vector_store %arg9[%parallel_loop3A_146], %parallel_loop3A_145 {strides = array<i32>} : memref<256xi32, #tpu.memory_space<vmem>>, vector<16xi32>,
    } {sc.loop_unroll_factor = 2 : i64, sc.parallel_access}
    "tpu.region"() ({
      %run_scoped3A = tpu.sem_alloc : memref<!tpu.dma_semaphore, #tpu.memory_space<semaphore_mem>>
      %dma_start3A_31 = arith.constant 0 : i32
      %dma_start3A_32 = tpu.memref_slice %arg4[%add3A, %dma_start3A_31] : memref<32x256xi32, #tpu.memory_space<hbm>> -> memref<1x256xi32, #tpu.memory_space<hbm>>
      %dma_start3A_33 = tpu.memref_squeeze %dma_start3A_32 : memref<1x256xi32, #tpu.memory_space<hbm>> -> memref<256xi32, #tpu.memory_space<hbm>>
      %dma_start3A_34 = arith.constant 0 : i32
      %dma_start3A_35 = tpu.memref_slice %arg4[%add3A, %dma_start3A_34] : memref<32x256xi32, #tpu.memory_space<hbm>> -> memref<1x256xi32, #tpu.memory_space<hbm>>
      %dma_start3A_36 = tpu.memref_squeeze %dma_start3A_35 : memref<1x256xi32, #tpu.memory_space<hbm>> -> memref<256xi32, #tpu.memory_space<hbm>>
      tpu.enqueue_dma source(%arg9 : memref<256xi32, #tpu.memory_space<vmem>>) target(%dma_start3A_36 : memref<256xi32, #tpu.memory_space<hbm>>) target_semaphore(%run_scoped3A : memref<!tpu.dma_semaphore, #tpu.memory_space<semaphore_mem>>)
      %dma_wait3A = arith.constant 0 : i32
      %dma_wait3A_37 = tpu.memref_slice %arg4[%add3A, %dma_wait3A] : memref<32x256xi32, #tpu.memory_space<hbm>> -> memref<1x256xi32, #tpu.memory_space<hbm>>
      %dma_wait3A_38 = tpu.memref_squeeze %dma_wait3A_37 : memref<1x256xi32, #tpu.memory_space<hbm>> -> memref<256xi32, #tpu.memory_space<hbm>>
      %dma_wait3A_39 = arith.constant 0 : i32
      %dma_wait3A_40 = tpu.memref_slice %arg4[%add3A, %dma_wait3A_39] : memref<32x256xi32, #tpu.memory_space<hbm>> -> memref<1x256xi32, #tpu.memory_space<hbm>>
      %dma_wait3A_41 = tpu.memref_squeeze %dma_wait3A_40 : memref<1x256xi32, #tpu.memory_space<hbm>> -> memref<256xi32, #tpu.memory_space<hbm>>
      tpu.wait_dma2 semaphore(%run_scoped3A : memref<!tpu.dma_semaphore, #tpu.memory_space<semaphore_mem>>) src(%arg9 : memref<256xi32, #tpu.memory_space<vmem>>) dst(%dma_wait3A_41 : memref<256xi32, #tpu.memory_space<hbm>>)
      tpu.yield
    }) : () -> ()
    return
  }
}

#map = affine_map<(d0, d1) -> (0)>
#map1 = affine_map<(d0, d1) -> (0, 0)>
module attributes {stable_mosaic.version = 14 : i64} {
  func.func @kwta_hist2(%arg0: i32, %arg1: i32, %arg2: memref<38535168xf32, #tpu.memory_space<hbm>>, %arg3: memref<32x128xi32, #tpu.memory_space<hbm>>, %arg4: memref<32x4096xi32, #tpu.memory_space<hbm>>, %arg5: memref<8192xf32, #tpu.memory_space<vmem>>, %arg6: memref<8192xf32, #tpu.memory_space<vmem>>, %arg7: memref<8192xf32, #tpu.memory_space<vmem>>, %arg8: memref<65536xi32, #tpu.memory_space<vmem>>, %arg9: memref<4096xi32, #tpu.memory_space<vmem>>, %arg10: memref<128xi32, #tpu.memory_space<vmem>>, %arg11: memref<!tpu.dma_semaphore, #tpu.memory_space<semaphore_mem>>, %arg12: memref<!tpu.dma_semaphore, #tpu.memory_space<semaphore_mem>>, %arg13: memref<!tpu.dma_semaphore, #tpu.memory_space<semaphore_mem>>) attributes {dimension_semantics = [#tpu.dimension_semantics<core_parallel>, #tpu.dimension_semantics<subcore_parallel>], iteration_bounds = array<i64: 2, 16>, scalar_prefetch = 0 : i64, scratch_operands = 9 : i64, tpu.core_type = #tpu.core_type<sc_vector_subcore>, window_params = [{transform_indices = #map}, {transform_indices = #map1}, {transform_indices = #map1}]} {
    %mul3A = arith.constant 2 : i32
    %mul3A_0 = arith.muli %arg1, %mul3A : i32
    %add3A = arith.addi %mul3A_0, %arg0 : i32
    %mul3A_1 = arith.constant 1204224 : i32
    %mul3A_2 = arith.muli %add3A, %mul3A_1 : i32
    %iota3A = tpu.iota {dimensions = array<i32: 0>} : vector<16xi32>
    %broadcast_in_dim3A = arith.constant 1 : i32
    %broadcast_in_dim3A_3 = vector.broadcast %broadcast_in_dim3A : i32 to vector<16xi32>
    %broadcast_in_dim3A_4 = arith.constant 0 : i32
    %broadcast_in_dim3A_5 = vector.broadcast %broadcast_in_dim3A_4 : i32 to vector<16xi32>
    %parallel_loop3A = arith.constant 0 : i32
    %parallel_loop3A_6 = arith.constant 65536 : i32
    %parallel_loop3A_7 = arith.constant 16 : i32
    scf.for %parallel_loop3A_31 = %parallel_loop3A to %parallel_loop3A_6 step %parallel_loop3A_7  : i32 {
      %parallel_loop3A_32 = arith.index_cast %parallel_loop3A_31 : i32 to index
      %parallel_loop3A_33 = tpu.vector_load %arg8[%parallel_loop3A_32] {strides = array<i32>} : memref<65536xi32, #tpu.memory_space<vmem>>, vector<16xi32>,
      tpu.vector_store %arg8[%parallel_loop3A_32], %broadcast_in_dim3A_5 {strides = array<i32>} : memref<65536xi32, #tpu.memory_space<vmem>>, vector<16xi32>,
    } {sc.loop_unroll_factor = 8 : i64, sc.parallel_access}
    "tpu.region"() ({
      %run_scoped3A = tpu.sem_alloc : memref<!tpu.dma_semaphore, #tpu.memory_space<semaphore_mem>>
      %dma_start3A_31 = arith.constant 0 : i32
      %dma_start3A_32 = tpu.memref_slice %arg3[%add3A, %dma_start3A_31] : memref<32x128xi32, #tpu.memory_space<hbm>> -> memref<1x128xi32, #tpu.memory_space<hbm>>
      %dma_start3A_33 = tpu.memref_squeeze %dma_start3A_32 : memref<1x128xi32, #tpu.memory_space<hbm>> -> memref<128xi32, #tpu.memory_space<hbm>>
      %dma_start3A_34 = arith.constant 0 : i32
      %dma_start3A_35 = tpu.memref_slice %arg3[%add3A, %dma_start3A_34] : memref<32x128xi32, #tpu.memory_space<hbm>> -> memref<1x128xi32, #tpu.memory_space<hbm>>
      %dma_start3A_36 = tpu.memref_squeeze %dma_start3A_35 : memref<1x128xi32, #tpu.memory_space<hbm>> -> memref<128xi32, #tpu.memory_space<hbm>>
      tpu.enqueue_dma source(%dma_start3A_36 : memref<128xi32, #tpu.memory_space<hbm>>) target(%arg10 : memref<128xi32, #tpu.memory_space<vmem>>) target_semaphore(%run_scoped3A : memref<!tpu.dma_semaphore, #tpu.memory_space<semaphore_mem>>)
      %dma_wait3A = arith.constant 0 : i32
      %dma_wait3A_37 = tpu.memref_slice %arg3[%add3A, %dma_wait3A] : memref<32x128xi32, #tpu.memory_space<hbm>> -> memref<1x128xi32, #tpu.memory_space<hbm>>
      %dma_wait3A_38 = tpu.memref_squeeze %dma_wait3A_37 : memref<1x128xi32, #tpu.memory_space<hbm>> -> memref<128xi32, #tpu.memory_space<hbm>>
      %dma_wait3A_39 = arith.constant 0 : i32
      %dma_wait3A_40 = tpu.memref_slice %arg3[%add3A, %dma_wait3A_39] : memref<32x128xi32, #tpu.memory_space<hbm>> -> memref<1x128xi32, #tpu.memory_space<hbm>>
      %dma_wait3A_41 = tpu.memref_squeeze %dma_wait3A_40 : memref<1x128xi32, #tpu.memory_space<hbm>> -> memref<128xi32, #tpu.memory_space<hbm>>
      tpu.wait_dma2 semaphore(%run_scoped3A : memref<!tpu.dma_semaphore, #tpu.memory_space<semaphore_mem>>) src(%dma_wait3A_41 : memref<128xi32, #tpu.memory_space<hbm>>) dst(%arg10 : memref<128xi32, #tpu.memory_space<vmem>>)
      tpu.yield
    }) : () -> ()
    %get3A = arith.constant 0 : index
    %get3A_8 = tpu.vector_load %arg10[%get3A] {strides = array<i32>} : memref<128xi32, #tpu.memory_space<vmem>>, vector<16xi32>,
    %add3A_9 = arith.constant 0 : i32
    %add3A_10 = arith.addi %mul3A_2, %add3A_9 : i32
    %dma_start3A = tpu.memref_slice %arg2[%add3A_10] : memref<38535168xf32, #tpu.memory_space<hbm>> -> memref<8192xf32, #tpu.memory_space<hbm>>
    %dma_start3A_11 = tpu.memref_slice %arg2[%add3A_10] : memref<38535168xf32, #tpu.memory_space<hbm>> -> memref<8192xf32, #tpu.memory_space<hbm>>
    tpu.enqueue_dma source(%dma_start3A_11 : memref<8192xf32, #tpu.memory_space<hbm>>) target(%arg5 : memref<8192xf32, #tpu.memory_space<vmem>>) target_semaphore(%arg11 : memref<!tpu.dma_semaphore, #tpu.memory_space<semaphore_mem>>)
    %add3A_12 = arith.constant 8192 : i32
    %add3A_13 = arith.addi %mul3A_2, %add3A_12 : i32
    %dma_start3A_14 = tpu.memref_slice %arg2[%add3A_13] : memref<38535168xf32, #tpu.memory_space<hbm>> -> memref<8192xf32, #tpu.memory_space<hbm>>
    %dma_start3A_15 = tpu.memref_slice %arg2[%add3A_13] : memref<38535168xf32, #tpu.memory_space<hbm>> -> memref<8192xf32, #tpu.memory_space<hbm>>
    tpu.enqueue_dma source(%dma_start3A_15 : memref<8192xf32, #tpu.memory_space<hbm>>) target(%arg6 : memref<8192xf32, #tpu.memory_space<vmem>>) target_semaphore(%arg12 : memref<!tpu.dma_semaphore, #tpu.memory_space<semaphore_mem>>)
    %add3A_16 = arith.constant 16384 : i32
    %add3A_17 = arith.addi %mul3A_2, %add3A_16 : i32
    %dma_start3A_18 = tpu.memref_slice %arg2[%add3A_17] : memref<38535168xf32, #tpu.memory_space<hbm>> -> memref<8192xf32, #tpu.memory_space<hbm>>
    %dma_start3A_19 = tpu.memref_slice %arg2[%add3A_17] : memref<38535168xf32, #tpu.memory_space<hbm>> -> memref<8192xf32, #tpu.memory_space<hbm>>
    tpu.enqueue_dma source(%dma_start3A_19 : memref<8192xf32, #tpu.memory_space<hbm>>) target(%arg7 : memref<8192xf32, #tpu.memory_space<vmem>>) target_semaphore(%arg13 : memref<!tpu.dma_semaphore, #tpu.memory_space<semaphore_mem>>)
    %scan3A = arith.constant 0 : i32
    %scan3A_20 = arith.constant 0 : i32
    %scan3A_21 = arith.constant 49 : i32
    %scan3A_22 = arith.addi %scan3A_20, %scan3A_21 : i32
    %scan3A_23 = arith.constant 1 : i32
    scf.for %scan3A_31 = %scan3A_20 to %scan3A_22 step %scan3A_23  : i32 {
      %mul3A_32 = arith.constant 3 : i32
      %mul3A_33 = arith.muli %scan3A_31, %mul3A_32 : i32
      %add3A_34 = arith.constant 0 : i32
      %add3A_35 = arith.addi %mul3A_33, %add3A_34 : i32
      %mul3A_36 = arith.constant 8192 : i32
      %mul3A_37 = arith.muli %add3A_35, %mul3A_36 : i32
      %add3A_38 = arith.addi %mul3A_2, %mul3A_37 : i32
      %dma_wait3A = tpu.memref_slice %arg2[%add3A_38] : memref<38535168xf32, #tpu.memory_space<hbm>> -> memref<8192xf32, #tpu.memory_space<hbm>>
      %dma_wait3A_39 = tpu.memref_slice %arg2[%add3A_38] : memref<38535168xf32, #tpu.memory_space<hbm>> -> memref<8192xf32, #tpu.memory_space<hbm>>
      tpu.wait_dma2 semaphore(%arg11 : memref<!tpu.dma_semaphore, #tpu.memory_space<semaphore_mem>>) src(%dma_wait3A_39 : memref<8192xf32, #tpu.memory_space<hbm>>) dst(%arg5 : memref<8192xf32, #tpu.memory_space<vmem>>)
      %parallel_loop3A_40 = arith.constant 0 : i32
      %parallel_loop3A_41 = arith.constant 8192 : i32
      %parallel_loop3A_42 = arith.constant 16 : i32
      scf.for %parallel_loop3A_85 = %parallel_loop3A_40 to %parallel_loop3A_41 step %parallel_loop3A_42  : i32 {
        %parallel_loop3A_86 = arith.index_cast %parallel_loop3A_85 : i32 to index
        %parallel_loop3A_87 = tpu.vector_load %arg5[%parallel_loop3A_86] {strides = array<i32>} : memref<8192xf32, #tpu.memory_space<vmem>>, vector<16xf32>,
        %parallel_loop3A_88 = vector.bitcast %parallel_loop3A_87 : vector<16xf32> to vector<16xi32>
        %parallel_loop3A_89 = arith.constant 20 : i32
        %parallel_loop3A_90 = vector.broadcast %parallel_loop3A_89 : i32 to vector<16xi32>
        %parallel_loop3A_91 = arith.shrsi %parallel_loop3A_88, %parallel_loop3A_90 : vector<16xi32>
        %parallel_loop3A_92 = arith.cmpi eq, %parallel_loop3A_91, %get3A_8 : vector<16xi32>
        %parallel_loop3A_93 = arith.constant 4 : i32
        %parallel_loop3A_94 = vector.broadcast %parallel_loop3A_93 : i32 to vector<16xi32>
        %parallel_loop3A_95 = arith.shrsi %parallel_loop3A_88, %parallel_loop3A_94 : vector<16xi32>
        %parallel_loop3A_96 = arith.constant 65520 : i32
        %parallel_loop3A_97 = vector.broadcast %parallel_loop3A_96 : i32 to vector<16xi32>
        %parallel_loop3A_98 = arith.andi %parallel_loop3A_95, %parallel_loop3A_97 : vector<16xi32>
        %parallel_loop3A_99 = arith.addi %parallel_loop3A_98, %iota3A : vector<16xi32>
        tpu.vector_store_idx %arg8[%parallel_loop3A_99], %broadcast_in_dim3A_3 masked %parallel_loop3A_92 {add = true} : memref<65536xi32, #tpu.memory_space<vmem>>[vector<16xi32>], vector<16xi32>, vector<16xi1>
      } {sc.loop_unroll_factor = 16 : i64, sc.parallel_access}
      %add3A_43 = arith.constant 3 : i32
      %add3A_44 = arith.addi %add3A_35, %add3A_43 : i32
      %lt3A = arith.constant 147 : i32
      %lt3A_45 = arith.cmpi slt, %add3A_44, %lt3A : i32
      %convert_element_type3A = arith.extui %lt3A_45 : i1 to i32
      %cond3A = arith.constant 0 : i32
      %cond3A_46 = arith.cmpi ne, %convert_element_type3A, %cond3A : i32
      scf.if %cond3A_46 {
        %mul3A_85 = arith.constant 8192 : i32
        %mul3A_86 = arith.muli %add3A_44, %mul3A_85 : i32
        %add3A_87 = arith.addi %mul3A_2, %mul3A_86 : i32
        %dma_start3A_88 = tpu.memref_slice %arg2[%add3A_87] : memref<38535168xf32, #tpu.memory_space<hbm>> -> memref<8192xf32, #tpu.memory_space<hbm>>
        %dma_start3A_89 = tpu.memref_slice %arg2[%add3A_87] : memref<38535168xf32, #tpu.memory_space<hbm>> -> memref<8192xf32, #tpu.memory_space<hbm>>
        tpu.enqueue_dma source(%dma_start3A_89 : memref<8192xf32, #tpu.memory_space<hbm>>) target(%arg5 : memref<8192xf32, #tpu.memory_space<vmem>>) target_semaphore(%arg11 : memref<!tpu.dma_semaphore, #tpu.memory_space<semaphore_mem>>)
      } else {
      }
      %mul3A_47 = arith.constant 3 : i32
      %mul3A_48 = arith.muli %scan3A_31, %mul3A_47 : i32
      %add3A_49 = arith.constant 1 : i32
      %add3A_50 = arith.addi %mul3A_48, %add3A_49 : i32
      %mul3A_51 = arith.constant 8192 : i32
      %mul3A_52 = arith.muli %add3A_50, %mul3A_51 : i32
      %add3A_53 = arith.addi %mul3A_2, %mul3A_52 : i32
      %dma_wait3A_54 = tpu.memref_slice %arg2[%add3A_53] : memref<38535168xf32, #tpu.memory_space<hbm>> -> memref<8192xf32, #tpu.memory_space<hbm>>
      %dma_wait3A_55 = tpu.memref_slice %arg2[%add3A_53] : memref<38535168xf32, #tpu.memory_space<hbm>> -> memref<8192xf32, #tpu.memory_space<hbm>>
      tpu.wait_dma2 semaphore(%arg12 : memref<!tpu.dma_semaphore, #tpu.memory_space<semaphore_mem>>) src(%dma_wait3A_55 : memref<8192xf32, #tpu.memory_space<hbm>>) dst(%arg6 : memref<8192xf32, #tpu.memory_space<vmem>>)
      %parallel_loop3A_56 = arith.constant 0 : i32
      %parallel_loop3A_57 = arith.constant 8192 : i32
      %parallel_loop3A_58 = arith.constant 16 : i32
      scf.for %parallel_loop3A_85 = %parallel_loop3A_56 to %parallel_loop3A_57 step %parallel_loop3A_58  : i32 {
        %parallel_loop3A_86 = arith.index_cast %parallel_loop3A_85 : i32 to index
        %parallel_loop3A_87 = tpu.vector_load %arg6[%parallel_loop3A_86] {strides = array<i32>} : memref<8192xf32, #tpu.memory_space<vmem>>, vector<16xf32>,
        %parallel_loop3A_88 = vector.bitcast %parallel_loop3A_87 : vector<16xf32> to vector<16xi32>
        %parallel_loop3A_89 = arith.constant 20 : i32
        %parallel_loop3A_90 = vector.broadcast %parallel_loop3A_89 : i32 to vector<16xi32>
        %parallel_loop3A_91 = arith.shrsi %parallel_loop3A_88, %parallel_loop3A_90 : vector<16xi32>
        %parallel_loop3A_92 = arith.cmpi eq, %parallel_loop3A_91, %get3A_8 : vector<16xi32>
        %parallel_loop3A_93 = arith.constant 4 : i32
        %parallel_loop3A_94 = vector.broadcast %parallel_loop3A_93 : i32 to vector<16xi32>
        %parallel_loop3A_95 = arith.shrsi %parallel_loop3A_88, %parallel_loop3A_94 : vector<16xi32>
        %parallel_loop3A_96 = arith.constant 65520 : i32
        %parallel_loop3A_97 = vector.broadcast %parallel_loop3A_96 : i32 to vector<16xi32>
        %parallel_loop3A_98 = arith.andi %parallel_loop3A_95, %parallel_loop3A_97 : vector<16xi32>
        %parallel_loop3A_99 = arith.addi %parallel_loop3A_98, %iota3A : vector<16xi32>
        tpu.vector_store_idx %arg8[%parallel_loop3A_99], %broadcast_in_dim3A_3 masked %parallel_loop3A_92 {add = true} : memref<65536xi32, #tpu.memory_space<vmem>>[vector<16xi32>], vector<16xi32>, vector<16xi1>
      } {sc.loop_unroll_factor = 16 : i64, sc.parallel_access}
      %add3A_59 = arith.constant 3 : i32
      %add3A_60 = arith.addi %add3A_50, %add3A_59 : i32
      %lt3A_61 = arith.constant 147 : i32
      %lt3A_62 = arith.cmpi slt, %add3A_60, %lt3A_61 : i32
      %convert_element_type3A_63 = arith.extui %lt3A_62 : i1 to i32
      %cond3A_64 = arith.constant 0 : i32
      %cond3A_65 = arith.cmpi ne, %convert_element_type3A_63, %cond3A_64 : i32
      scf.if %cond3A_65 {
        %mul3A_85 = arith.constant 8192 : i32
        %mul3A_86 = arith.muli %add3A_60, %mul3A_85 : i32
        %add3A_87 = arith.addi %mul3A_2, %mul3A_86 : i32
        %dma_start3A_88 = tpu.memref_slice %arg2[%add3A_87] : memref<38535168xf32, #tpu.memory_space<hbm>> -> memref<8192xf32, #tpu.memory_space<hbm>>
        %dma_start3A_89 = tpu.memref_slice %arg2[%add3A_87] : memref<38535168xf32, #tpu.memory_space<hbm>> -> memref<8192xf32, #tpu.memory_space<hbm>>
        tpu.enqueue_dma source(%dma_start3A_89 : memref<8192xf32, #tpu.memory_space<hbm>>) target(%arg6 : memref<8192xf32, #tpu.memory_space<vmem>>) target_semaphore(%arg12 : memref<!tpu.dma_semaphore, #tpu.memory_space<semaphore_mem>>)
      } else {
      }
      %mul3A_66 = arith.constant 3 : i32
      %mul3A_67 = arith.muli %scan3A_31, %mul3A_66 : i32
      %add3A_68 = arith.constant 2 : i32
      %add3A_69 = arith.addi %mul3A_67, %add3A_68 : i32
      %mul3A_70 = arith.constant 8192 : i32
      %mul3A_71 = arith.muli %add3A_69, %mul3A_70 : i32
      %add3A_72 = arith.addi %mul3A_2, %mul3A_71 : i32
      %dma_wait3A_73 = tpu.memref_slice %arg2[%add3A_72] : memref<38535168xf32, #tpu.memory_space<hbm>> -> memref<8192xf32, #tpu.memory_space<hbm>>
      %dma_wait3A_74 = tpu.memref_slice %arg2[%add3A_72] : memref<38535168xf32, #tpu.memory_space<hbm>> -> memref<8192xf32, #tpu.memory_space<hbm>>
      tpu.wait_dma2 semaphore(%arg13 : memref<!tpu.dma_semaphore, #tpu.memory_space<semaphore_mem>>) src(%dma_wait3A_74 : memref<8192xf32, #tpu.memory_space<hbm>>) dst(%arg7 : memref<8192xf32, #tpu.memory_space<vmem>>)
      %parallel_loop3A_75 = arith.constant 0 : i32
      %parallel_loop3A_76 = arith.constant 8192 : i32
      %parallel_loop3A_77 = arith.constant 16 : i32
      scf.for %parallel_loop3A_85 = %parallel_loop3A_75 to %parallel_loop3A_76 step %parallel_loop3A_77  : i32 {
        %parallel_loop3A_86 = arith.index_cast %parallel_loop3A_85 : i32 to index
        %parallel_loop3A_87 = tpu.vector_load %arg7[%parallel_loop3A_86] {strides = array<i32>} : memref<8192xf32, #tpu.memory_space<vmem>>, vector<16xf32>,
        %parallel_loop3A_88 = vector.bitcast %parallel_loop3A_87 : vector<16xf32> to vector<16xi32>
        %parallel_loop3A_89 = arith.constant 20 : i32
        %parallel_loop3A_90 = vector.broadcast %parallel_loop3A_89 : i32 to vector<16xi32>
        %parallel_loop3A_91 = arith.shrsi %parallel_loop3A_88, %parallel_loop3A_90 : vector<16xi32>
        %parallel_loop3A_92 = arith.cmpi eq, %parallel_loop3A_91, %get3A_8 : vector<16xi32>
        %parallel_loop3A_93 = arith.constant 4 : i32
        %parallel_loop3A_94 = vector.broadcast %parallel_loop3A_93 : i32 to vector<16xi32>
        %parallel_loop3A_95 = arith.shrsi %parallel_loop3A_88, %parallel_loop3A_94 : vector<16xi32>
        %parallel_loop3A_96 = arith.constant 65520 : i32
        %parallel_loop3A_97 = vector.broadcast %parallel_loop3A_96 : i32 to vector<16xi32>
        %parallel_loop3A_98 = arith.andi %parallel_loop3A_95, %parallel_loop3A_97 : vector<16xi32>
        %parallel_loop3A_99 = arith.addi %parallel_loop3A_98, %iota3A : vector<16xi32>
        tpu.vector_store_idx %arg8[%parallel_loop3A_99], %broadcast_in_dim3A_3 masked %parallel_loop3A_92 {add = true} : memref<65536xi32, #tpu.memory_space<vmem>>[vector<16xi32>], vector<16xi32>, vector<16xi1>
      } {sc.loop_unroll_factor = 16 : i64, sc.parallel_access}
      %add3A_78 = arith.constant 3 : i32
      %add3A_79 = arith.addi %add3A_69, %add3A_78 : i32
      %lt3A_80 = arith.constant 147 : i32
      %lt3A_81 = arith.cmpi slt, %add3A_79, %lt3A_80 : i32
      %convert_element_type3A_82 = arith.extui %lt3A_81 : i1 to i32
      %cond3A_83 = arith.constant 0 : i32
      %cond3A_84 = arith.cmpi ne, %convert_element_type3A_82, %cond3A_83 : i32
      scf.if %cond3A_84 {
        %mul3A_85 = arith.constant 8192 : i32
        %mul3A_86 = arith.muli %add3A_79, %mul3A_85 : i32
        %add3A_87 = arith.addi %mul3A_2, %mul3A_86 : i32
        %dma_start3A_88 = tpu.memref_slice %arg2[%add3A_87] : memref<38535168xf32, #tpu.memory_space<hbm>> -> memref<8192xf32, #tpu.memory_space<hbm>>
        %dma_start3A_89 = tpu.memref_slice %arg2[%add3A_87] : memref<38535168xf32, #tpu.memory_space<hbm>> -> memref<8192xf32, #tpu.memory_space<hbm>>
        tpu.enqueue_dma source(%dma_start3A_89 : memref<8192xf32, #tpu.memory_space<hbm>>) target(%arg7 : memref<8192xf32, #tpu.memory_space<vmem>>) target_semaphore(%arg13 : memref<!tpu.dma_semaphore, #tpu.memory_space<semaphore_mem>>)
      } else {
      }
    }
    %scan3A_24 = arith.constant 49 : i32
    %mul3A_25 = arith.constant 16 : i32
    %mul3A_26 = vector.broadcast %mul3A_25 : i32 to vector<16xi32>
    %mul3A_27 = arith.muli %iota3A, %mul3A_26 : vector<16xi32>
    %parallel_loop3A_28 = arith.constant 0 : i32
    %parallel_loop3A_29 = arith.constant 4096 : i32
    %parallel_loop3A_30 = arith.constant 16 : i32
    scf.for %parallel_loop3A_31 = %parallel_loop3A_28 to %parallel_loop3A_29 step %parallel_loop3A_30  : i32 {
      %parallel_loop3A_32 = arith.constant 16 : i32
      %parallel_loop3A_33 = arith.muli %parallel_loop3A_31, %parallel_loop3A_32 : i32
      %parallel_loop3A_34 = vector.broadcast %parallel_loop3A_33 : i32 to vector<16xi32>
      %parallel_loop3A_35 = arith.addi %parallel_loop3A_34, %mul3A_27 : vector<16xi32>
      %parallel_loop3A_36 = arith.constant 0 : i32
      %parallel_loop3A_37 = vector.broadcast %parallel_loop3A_36 : i32 to vector<16xi32>
      %parallel_loop3A_38 = arith.addi %parallel_loop3A_35, %parallel_loop3A_37 : vector<16xi32>
      %parallel_loop3A_39 = tpu.vector_load_idx %arg8[%parallel_loop3A_38] : memref<65536xi32, #tpu.memory_space<vmem>>[vector<16xi32>], vector<16xi32>,
      %parallel_loop3A_40 = arith.addi %broadcast_in_dim3A_5, %parallel_loop3A_39 : vector<16xi32>
      %parallel_loop3A_41 = vector.broadcast %parallel_loop3A_33 : i32 to vector<16xi32>
      %parallel_loop3A_42 = arith.addi %parallel_loop3A_41, %mul3A_27 : vector<16xi32>
      %parallel_loop3A_43 = arith.constant 1 : i32
      %parallel_loop3A_44 = vector.broadcast %parallel_loop3A_43 : i32 to vector<16xi32>
      %parallel_loop3A_45 = arith.addi %parallel_loop3A_42, %parallel_loop3A_44 : vector<16xi32>
      %parallel_loop3A_46 = tpu.vector_load_idx %arg8[%parallel_loop3A_45] : memref<65536xi32, #tpu.memory_space<vmem>>[vector<16xi32>], vector<16xi32>,
      %parallel_loop3A_47 = arith.addi %parallel_loop3A_40, %parallel_loop3A_46 : vector<16xi32>
      %parallel_loop3A_48 = vector.broadcast %parallel_loop3A_33 : i32 to vector<16xi32>
      %parallel_loop3A_49 = arith.addi %parallel_loop3A_48, %mul3A_27 : vector<16xi32>
      %parallel_loop3A_50 = arith.constant 2 : i32
      %parallel_loop3A_51 = vector.broadcast %parallel_loop3A_50 : i32 to vector<16xi32>
      %parallel_loop3A_52 = arith.addi %parallel_loop3A_49, %parallel_loop3A_51 : vector<16xi32>
      %parallel_loop3A_53 = tpu.vector_load_idx %arg8[%parallel_loop3A_52] : memref<65536xi32, #tpu.memory_space<vmem>>[vector<16xi32>], vector<16xi32>,
      %parallel_loop3A_54 = arith.addi %parallel_loop3A_47, %parallel_loop3A_53 : vector<16xi32>
      %parallel_loop3A_55 = vector.broadcast %parallel_loop3A_33 : i32 to vector<16xi32>
      %parallel_loop3A_56 = arith.addi %parallel_loop3A_55, %mul3A_27 : vector<16xi32>
      %parallel_loop3A_57 = arith.constant 3 : i32
      %parallel_loop3A_58 = vector.broadcast %parallel_loop3A_57 : i32 to vector<16xi32>
      %parallel_loop3A_59 = arith.addi %parallel_loop3A_56, %parallel_loop3A_58 : vector<16xi32>
      %parallel_loop3A_60 = tpu.vector_load_idx %arg8[%parallel_loop3A_59] : memref<65536xi32, #tpu.memory_space<vmem>>[vector<16xi32>], vector<16xi32>,
      %parallel_loop3A_61 = arith.addi %parallel_loop3A_54, %parallel_loop3A_60 : vector<16xi32>
      %parallel_loop3A_62 = vector.broadcast %parallel_loop3A_33 : i32 to vector<16xi32>
      %parallel_loop3A_63 = arith.addi %parallel_loop3A_62, %mul3A_27 : vector<16xi32>
      %parallel_loop3A_64 = arith.constant 4 : i32
      %parallel_loop3A_65 = vector.broadcast %parallel_loop3A_64 : i32 to vector<16xi32>
      %parallel_loop3A_66 = arith.addi %parallel_loop3A_63, %parallel_loop3A_65 : vector<16xi32>
      %parallel_loop3A_67 = tpu.vector_load_idx %arg8[%parallel_loop3A_66] : memref<65536xi32, #tpu.memory_space<vmem>>[vector<16xi32>], vector<16xi32>,
      %parallel_loop3A_68 = arith.addi %parallel_loop3A_61, %parallel_loop3A_67 : vector<16xi32>
      %parallel_loop3A_69 = vector.broadcast %parallel_loop3A_33 : i32 to vector<16xi32>
      %parallel_loop3A_70 = arith.addi %parallel_loop3A_69, %mul3A_27 : vector<16xi32>
      %parallel_loop3A_71 = arith.constant 5 : i32
      %parallel_loop3A_72 = vector.broadcast %parallel_loop3A_71 : i32 to vector<16xi32>
      %parallel_loop3A_73 = arith.addi %parallel_loop3A_70, %parallel_loop3A_72 : vector<16xi32>
      %parallel_loop3A_74 = tpu.vector_load_idx %arg8[%parallel_loop3A_73] : memref<65536xi32, #tpu.memory_space<vmem>>[vector<16xi32>], vector<16xi32>,
      %parallel_loop3A_75 = arith.addi %parallel_loop3A_68, %parallel_loop3A_74 : vector<16xi32>
      %parallel_loop3A_76 = vector.broadcast %parallel_loop3A_33 : i32 to vector<16xi32>
      %parallel_loop3A_77 = arith.addi %parallel_loop3A_76, %mul3A_27 : vector<16xi32>
      %parallel_loop3A_78 = arith.constant 6 : i32
      %parallel_loop3A_79 = vector.broadcast %parallel_loop3A_78 : i32 to vector<16xi32>
      %parallel_loop3A_80 = arith.addi %parallel_loop3A_77, %parallel_loop3A_79 : vector<16xi32>
      %parallel_loop3A_81 = tpu.vector_load_idx %arg8[%parallel_loop3A_80] : memref<65536xi32, #tpu.memory_space<vmem>>[vector<16xi32>], vector<16xi32>,
      %parallel_loop3A_82 = arith.addi %parallel_loop3A_75, %parallel_loop3A_81 : vector<16xi32>
      %parallel_loop3A_83 = vector.broadcast %parallel_loop3A_33 : i32 to vector<16xi32>
      %parallel_loop3A_84 = arith.addi %parallel_loop3A_83, %mul3A_27 : vector<16xi32>
      %parallel_loop3A_85 = arith.constant 7 : i32
      %parallel_loop3A_86 = vector.broadcast %parallel_loop3A_85 : i32 to vector<16xi32>
      %parallel_loop3A_87 = arith.addi %parallel_loop3A_84, %parallel_loop3A_86 : vector<16xi32>
      %parallel_loop3A_88 = tpu.vector_load_idx %arg8[%parallel_loop3A_87] : memref<65536xi32, #tpu.memory_space<vmem>>[vector<16xi32>], vector<16xi32>,
      %parallel_loop3A_89 = arith.addi %parallel_loop3A_82, %parallel_loop3A_88 : vector<16xi32>
      %parallel_loop3A_90 = vector.broadcast %parallel_loop3A_33 : i32 to vector<16xi32>
      %parallel_loop3A_91 = arith.addi %parallel_loop3A_90, %mul3A_27 : vector<16xi32>
      %parallel_loop3A_92 = arith.constant 8 : i32
      %parallel_loop3A_93 = vector.broadcast %parallel_loop3A_92 : i32 to vector<16xi32>
      %parallel_loop3A_94 = arith.addi %parallel_loop3A_91, %parallel_loop3A_93 : vector<16xi32>
      %parallel_loop3A_95 = tpu.vector_load_idx %arg8[%parallel_loop3A_94] : memref<65536xi32, #tpu.memory_space<vmem>>[vector<16xi32>], vector<16xi32>,
      %parallel_loop3A_96 = arith.addi %parallel_loop3A_89, %parallel_loop3A_95 : vector<16xi32>
      %parallel_loop3A_97 = vector.broadcast %parallel_loop3A_33 : i32 to vector<16xi32>
      %parallel_loop3A_98 = arith.addi %parallel_loop3A_97, %mul3A_27 : vector<16xi32>
      %parallel_loop3A_99 = arith.constant 9 : i32
      %parallel_loop3A_100 = vector.broadcast %parallel_loop3A_99 : i32 to vector<16xi32>
      %parallel_loop3A_101 = arith.addi %parallel_loop3A_98, %parallel_loop3A_100 : vector<16xi32>
      %parallel_loop3A_102 = tpu.vector_load_idx %arg8[%parallel_loop3A_101] : memref<65536xi32, #tpu.memory_space<vmem>>[vector<16xi32>], vector<16xi32>,
      %parallel_loop3A_103 = arith.addi %parallel_loop3A_96, %parallel_loop3A_102 : vector<16xi32>
      %parallel_loop3A_104 = vector.broadcast %parallel_loop3A_33 : i32 to vector<16xi32>
      %parallel_loop3A_105 = arith.addi %parallel_loop3A_104, %mul3A_27 : vector<16xi32>
      %parallel_loop3A_106 = arith.constant 10 : i32
      %parallel_loop3A_107 = vector.broadcast %parallel_loop3A_106 : i32 to vector<16xi32>
      %parallel_loop3A_108 = arith.addi %parallel_loop3A_105, %parallel_loop3A_107 : vector<16xi32>
      %parallel_loop3A_109 = tpu.vector_load_idx %arg8[%parallel_loop3A_108] : memref<65536xi32, #tpu.memory_space<vmem>>[vector<16xi32>], vector<16xi32>,
      %parallel_loop3A_110 = arith.addi %parallel_loop3A_103, %parallel_loop3A_109 : vector<16xi32>
      %parallel_loop3A_111 = vector.broadcast %parallel_loop3A_33 : i32 to vector<16xi32>
      %parallel_loop3A_112 = arith.addi %parallel_loop3A_111, %mul3A_27 : vector<16xi32>
      %parallel_loop3A_113 = arith.constant 11 : i32
      %parallel_loop3A_114 = vector.broadcast %parallel_loop3A_113 : i32 to vector<16xi32>
      %parallel_loop3A_115 = arith.addi %parallel_loop3A_112, %parallel_loop3A_114 : vector<16xi32>
      %parallel_loop3A_116 = tpu.vector_load_idx %arg8[%parallel_loop3A_115] : memref<65536xi32, #tpu.memory_space<vmem>>[vector<16xi32>], vector<16xi32>,
      %parallel_loop3A_117 = arith.addi %parallel_loop3A_110, %parallel_loop3A_116 : vector<16xi32>
      %parallel_loop3A_118 = vector.broadcast %parallel_loop3A_33 : i32 to vector<16xi32>
      %parallel_loop3A_119 = arith.addi %parallel_loop3A_118, %mul3A_27 : vector<16xi32>
      %parallel_loop3A_120 = arith.constant 12 : i32
      %parallel_loop3A_121 = vector.broadcast %parallel_loop3A_120 : i32 to vector<16xi32>
      %parallel_loop3A_122 = arith.addi %parallel_loop3A_119, %parallel_loop3A_121 : vector<16xi32>
      %parallel_loop3A_123 = tpu.vector_load_idx %arg8[%parallel_loop3A_122] : memref<65536xi32, #tpu.memory_space<vmem>>[vector<16xi32>], vector<16xi32>,
      %parallel_loop3A_124 = arith.addi %parallel_loop3A_117, %parallel_loop3A_123 : vector<16xi32>
      %parallel_loop3A_125 = vector.broadcast %parallel_loop3A_33 : i32 to vector<16xi32>
      %parallel_loop3A_126 = arith.addi %parallel_loop3A_125, %mul3A_27 : vector<16xi32>
      %parallel_loop3A_127 = arith.constant 13 : i32
      %parallel_loop3A_128 = vector.broadcast %parallel_loop3A_127 : i32 to vector<16xi32>
      %parallel_loop3A_129 = arith.addi %parallel_loop3A_126, %parallel_loop3A_128 : vector<16xi32>
      %parallel_loop3A_130 = tpu.vector_load_idx %arg8[%parallel_loop3A_129] : memref<65536xi32, #tpu.memory_space<vmem>>[vector<16xi32>], vector<16xi32>,
      %parallel_loop3A_131 = arith.addi %parallel_loop3A_124, %parallel_loop3A_130 : vector<16xi32>
      %parallel_loop3A_132 = vector.broadcast %parallel_loop3A_33 : i32 to vector<16xi32>
      %parallel_loop3A_133 = arith.addi %parallel_loop3A_132, %mul3A_27 : vector<16xi32>
      %parallel_loop3A_134 = arith.constant 14 : i32
      %parallel_loop3A_135 = vector.broadcast %parallel_loop3A_134 : i32 to vector<16xi32>
      %parallel_loop3A_136 = arith.addi %parallel_loop3A_133, %parallel_loop3A_135 : vector<16xi32>
      %parallel_loop3A_137 = tpu.vector_load_idx %arg8[%parallel_loop3A_136] : memref<65536xi32, #tpu.memory_space<vmem>>[vector<16xi32>], vector<16xi32>,
      %parallel_loop3A_138 = arith.addi %parallel_loop3A_131, %parallel_loop3A_137 : vector<16xi32>
      %parallel_loop3A_139 = vector.broadcast %parallel_loop3A_33 : i32 to vector<16xi32>
      %parallel_loop3A_140 = arith.addi %parallel_loop3A_139, %mul3A_27 : vector<16xi32>
      %parallel_loop3A_141 = arith.constant 15 : i32
      %parallel_loop3A_142 = vector.broadcast %parallel_loop3A_141 : i32 to vector<16xi32>
      %parallel_loop3A_143 = arith.addi %parallel_loop3A_140, %parallel_loop3A_142 : vector<16xi32>
      %parallel_loop3A_144 = tpu.vector_load_idx %arg8[%parallel_loop3A_143] : memref<65536xi32, #tpu.memory_space<vmem>>[vector<16xi32>], vector<16xi32>,
      %parallel_loop3A_145 = arith.addi %parallel_loop3A_138, %parallel_loop3A_144 : vector<16xi32>
      %parallel_loop3A_146 = arith.index_cast %parallel_loop3A_31 : i32 to index
      %parallel_loop3A_147 = tpu.vector_load %arg9[%parallel_loop3A_146] {strides = array<i32>} : memref<4096xi32, #tpu.memory_space<vmem>>, vector<16xi32>,
      tpu.vector_store %arg9[%parallel_loop3A_146], %parallel_loop3A_145 {strides = array<i32>} : memref<4096xi32, #tpu.memory_space<vmem>>, vector<16xi32>,
    } {sc.loop_unroll_factor = 2 : i64, sc.parallel_access}
    "tpu.region"() ({
      %run_scoped3A = tpu.sem_alloc : memref<!tpu.dma_semaphore, #tpu.memory_space<semaphore_mem>>
      %dma_start3A_31 = arith.constant 0 : i32
      %dma_start3A_32 = tpu.memref_slice %arg4[%add3A, %dma_start3A_31] : memref<32x4096xi32, #tpu.memory_space<hbm>> -> memref<1x4096xi32, #tpu.memory_space<hbm>>
      %dma_start3A_33 = tpu.memref_squeeze %dma_start3A_32 : memref<1x4096xi32, #tpu.memory_space<hbm>> -> memref<4096xi32, #tpu.memory_space<hbm>>
      %dma_start3A_34 = arith.constant 0 : i32
      %dma_start3A_35 = tpu.memref_slice %arg4[%add3A, %dma_start3A_34] : memref<32x4096xi32, #tpu.memory_space<hbm>> -> memref<1x4096xi32, #tpu.memory_space<hbm>>
      %dma_start3A_36 = tpu.memref_squeeze %dma_start3A_35 : memref<1x4096xi32, #tpu.memory_space<hbm>> -> memref<4096xi32, #tpu.memory_space<hbm>>
      tpu.enqueue_dma source(%arg9 : memref<4096xi32, #tpu.memory_space<vmem>>) target(%dma_start3A_36 : memref<4096xi32, #tpu.memory_space<hbm>>) target_semaphore(%run_scoped3A : memref<!tpu.dma_semaphore, #tpu.memory_space<semaphore_mem>>)
      %dma_wait3A = arith.constant 0 : i32
      %dma_wait3A_37 = tpu.memref_slice %arg4[%add3A, %dma_wait3A] : memref<32x4096xi32, #tpu.memory_space<hbm>> -> memref<1x4096xi32, #tpu.memory_space<hbm>>
      %dma_wait3A_38 = tpu.memref_squeeze %dma_wait3A_37 : memref<1x4096xi32, #tpu.memory_space<hbm>> -> memref<4096xi32, #tpu.memory_space<hbm>>
      %dma_wait3A_39 = arith.constant 0 : i32
      %dma_wait3A_40 = tpu.memref_slice %arg4[%add3A, %dma_wait3A_39] : memref<32x4096xi32, #tpu.memory_space<hbm>> -> memref<1x4096xi32, #tpu.memory_space<hbm>>
      %dma_wait3A_41 = tpu.memref_squeeze %dma_wait3A_40 : memref<1x4096xi32, #tpu.memory_space<hbm>> -> memref<4096xi32, #tpu.memory_space<hbm>>
      tpu.wait_dma2 semaphore(%run_scoped3A : memref<!tpu.dma_semaphore, #tpu.memory_space<semaphore_mem>>) src(%arg9 : memref<4096xi32, #tpu.memory_space<vmem>>) dst(%dma_wait3A_41 : memref<4096xi32, #tpu.memory_space<hbm>>)
      tpu.yield
    }) : () -> ()
    return
  }
}

#map = affine_map<(d0, d1) -> (0)>
#map1 = affine_map<(d0, d1) -> (0, 0)>
module attributes {stable_mosaic.version = 14 : i64} {
  func.func @kwta_hist1(%arg0: i32, %arg1: i32, %arg2: memref<38535168xf32, #tpu.memory_space<hbm>>, %arg3: memref<32x4096xi32, #tpu.memory_space<hbm>>, %arg4: memref<8192xf32, #tpu.memory_space<vmem>>, %arg5: memref<8192xf32, #tpu.memory_space<vmem>>, %arg6: memref<8192xf32, #tpu.memory_space<vmem>>, %arg7: memref<65536xi32, #tpu.memory_space<vmem>>, %arg8: memref<4096xi32, #tpu.memory_space<vmem>>, %arg9: memref<!tpu.dma_semaphore, #tpu.memory_space<semaphore_mem>>, %arg10: memref<!tpu.dma_semaphore, #tpu.memory_space<semaphore_mem>>, %arg11: memref<!tpu.dma_semaphore, #tpu.memory_space<semaphore_mem>>) attributes {dimension_semantics = [#tpu.dimension_semantics<core_parallel>, #tpu.dimension_semantics<subcore_parallel>], iteration_bounds = array<i64: 2, 16>, scalar_prefetch = 0 : i64, scratch_operands = 8 : i64, tpu.core_type = #tpu.core_type<sc_vector_subcore>, window_params = [{transform_indices = #map}, {transform_indices = #map1}]} {
    %mul3A = arith.constant 2 : i32
    %mul3A_0 = arith.muli %arg1, %mul3A : i32
    %add3A = arith.addi %mul3A_0, %arg0 : i32
    %mul3A_1 = arith.constant 1204224 : i32
    %mul3A_2 = arith.muli %add3A, %mul3A_1 : i32
    %iota3A = tpu.iota {dimensions = array<i32: 0>} : vector<16xi32>
    %broadcast_in_dim3A = arith.constant 1 : i32
    %broadcast_in_dim3A_3 = vector.broadcast %broadcast_in_dim3A : i32 to vector<16xi32>
    %broadcast_in_dim3A_4 = arith.constant 0 : i32
    %broadcast_in_dim3A_5 = vector.broadcast %broadcast_in_dim3A_4 : i32 to vector<16xi32>
    %parallel_loop3A = arith.constant 0 : i32
    %parallel_loop3A_6 = arith.constant 65536 : i32
    %parallel_loop3A_7 = arith.constant 16 : i32
    scf.for %parallel_loop3A_30 = %parallel_loop3A to %parallel_loop3A_6 step %parallel_loop3A_7  : i32 {
      %parallel_loop3A_31 = arith.index_cast %parallel_loop3A_30 : i32 to index
      %parallel_loop3A_32 = tpu.vector_load %arg7[%parallel_loop3A_31] {strides = array<i32>} : memref<65536xi32, #tpu.memory_space<vmem>>, vector<16xi32>,
      tpu.vector_store %arg7[%parallel_loop3A_31], %broadcast_in_dim3A_5 {strides = array<i32>} : memref<65536xi32, #tpu.memory_space<vmem>>, vector<16xi32>,
    } {sc.loop_unroll_factor = 8 : i64, sc.parallel_access}
    %add3A_8 = arith.constant 0 : i32
    %add3A_9 = arith.addi %mul3A_2, %add3A_8 : i32
    %dma_start3A = tpu.memref_slice %arg2[%add3A_9] : memref<38535168xf32, #tpu.memory_space<hbm>> -> memref<8192xf32, #tpu.memory_space<hbm>>
    %dma_start3A_10 = tpu.memref_slice %arg2[%add3A_9] : memref<38535168xf32, #tpu.memory_space<hbm>> -> memref<8192xf32, #tpu.memory_space<hbm>>
    tpu.enqueue_dma source(%dma_start3A_10 : memref<8192xf32, #tpu.memory_space<hbm>>) target(%arg4 : memref<8192xf32, #tpu.memory_space<vmem>>) target_semaphore(%arg9 : memref<!tpu.dma_semaphore, #tpu.memory_space<semaphore_mem>>)
    %add3A_11 = arith.constant 8192 : i32
    %add3A_12 = arith.addi %mul3A_2, %add3A_11 : i32
    %dma_start3A_13 = tpu.memref_slice %arg2[%add3A_12] : memref<38535168xf32, #tpu.memory_space<hbm>> -> memref<8192xf32, #tpu.memory_space<hbm>>
    %dma_start3A_14 = tpu.memref_slice %arg2[%add3A_12] : memref<38535168xf32, #tpu.memory_space<hbm>> -> memref<8192xf32, #tpu.memory_space<hbm>>
    tpu.enqueue_dma source(%dma_start3A_14 : memref<8192xf32, #tpu.memory_space<hbm>>) target(%arg5 : memref<8192xf32, #tpu.memory_space<vmem>>) target_semaphore(%arg10 : memref<!tpu.dma_semaphore, #tpu.memory_space<semaphore_mem>>)
    %add3A_15 = arith.constant 16384 : i32
    %add3A_16 = arith.addi %mul3A_2, %add3A_15 : i32
    %dma_start3A_17 = tpu.memref_slice %arg2[%add3A_16] : memref<38535168xf32, #tpu.memory_space<hbm>> -> memref<8192xf32, #tpu.memory_space<hbm>>
    %dma_start3A_18 = tpu.memref_slice %arg2[%add3A_16] : memref<38535168xf32, #tpu.memory_space<hbm>> -> memref<8192xf32, #tpu.memory_space<hbm>>
    tpu.enqueue_dma source(%dma_start3A_18 : memref<8192xf32, #tpu.memory_space<hbm>>) target(%arg6 : memref<8192xf32, #tpu.memory_space<vmem>>) target_semaphore(%arg11 : memref<!tpu.dma_semaphore, #tpu.memory_space<semaphore_mem>>)
    %scan3A = arith.constant 0 : i32
    %scan3A_19 = arith.constant 0 : i32
    %scan3A_20 = arith.constant 49 : i32
    %scan3A_21 = arith.addi %scan3A_19, %scan3A_20 : i32
    %scan3A_22 = arith.constant 1 : i32
    scf.for %scan3A_30 = %scan3A_19 to %scan3A_21 step %scan3A_22  : i32 {
      %mul3A_31 = arith.constant 3 : i32
      %mul3A_32 = arith.muli %scan3A_30, %mul3A_31 : i32
      %add3A_33 = arith.constant 0 : i32
      %add3A_34 = arith.addi %mul3A_32, %add3A_33 : i32
      %mul3A_35 = arith.constant 8192 : i32
      %mul3A_36 = arith.muli %add3A_34, %mul3A_35 : i32
      %add3A_37 = arith.addi %mul3A_2, %mul3A_36 : i32
      %dma_wait3A = tpu.memref_slice %arg2[%add3A_37] : memref<38535168xf32, #tpu.memory_space<hbm>> -> memref<8192xf32, #tpu.memory_space<hbm>>
      %dma_wait3A_38 = tpu.memref_slice %arg2[%add3A_37] : memref<38535168xf32, #tpu.memory_space<hbm>> -> memref<8192xf32, #tpu.memory_space<hbm>>
      tpu.wait_dma2 semaphore(%arg9 : memref<!tpu.dma_semaphore, #tpu.memory_space<semaphore_mem>>) src(%dma_wait3A_38 : memref<8192xf32, #tpu.memory_space<hbm>>) dst(%arg4 : memref<8192xf32, #tpu.memory_space<vmem>>)
      %parallel_loop3A_39 = arith.constant 0 : i32
      %parallel_loop3A_40 = arith.constant 8192 : i32
      %parallel_loop3A_41 = arith.constant 16 : i32
      scf.for %parallel_loop3A_84 = %parallel_loop3A_39 to %parallel_loop3A_40 step %parallel_loop3A_41  : i32 {
        %parallel_loop3A_85 = arith.index_cast %parallel_loop3A_84 : i32 to index
        %parallel_loop3A_86 = tpu.vector_load %arg4[%parallel_loop3A_85] {strides = array<i32>} : memref<8192xf32, #tpu.memory_space<vmem>>, vector<16xf32>,
        %parallel_loop3A_87 = vector.bitcast %parallel_loop3A_86 : vector<16xf32> to vector<16xi32>
        %parallel_loop3A_88 = arith.constant 16 : i32
        %parallel_loop3A_89 = vector.broadcast %parallel_loop3A_88 : i32 to vector<16xi32>
        %parallel_loop3A_90 = arith.shrsi %parallel_loop3A_87, %parallel_loop3A_89 : vector<16xi32>
        %parallel_loop3A_91 = arith.constant 65520 : i32
        %parallel_loop3A_92 = vector.broadcast %parallel_loop3A_91 : i32 to vector<16xi32>
        %parallel_loop3A_93 = arith.andi %parallel_loop3A_90, %parallel_loop3A_92 : vector<16xi32>
        %parallel_loop3A_94 = arith.addi %parallel_loop3A_93, %iota3A : vector<16xi32>
        tpu.vector_store_idx %arg7[%parallel_loop3A_94], %broadcast_in_dim3A_3 {add = true} : memref<65536xi32, #tpu.memory_space<vmem>>[vector<16xi32>], vector<16xi32>,
      } {sc.loop_unroll_factor = 16 : i64, sc.parallel_access}
      %add3A_42 = arith.constant 3 : i32
      %add3A_43 = arith.addi %add3A_34, %add3A_42 : i32
      %lt3A = arith.constant 147 : i32
      %lt3A_44 = arith.cmpi slt, %add3A_43, %lt3A : i32
      %convert_element_type3A = arith.extui %lt3A_44 : i1 to i32
      %cond3A = arith.constant 0 : i32
      %cond3A_45 = arith.cmpi ne, %convert_element_type3A, %cond3A : i32
      scf.if %cond3A_45 {
        %mul3A_84 = arith.constant 8192 : i32
        %mul3A_85 = arith.muli %add3A_43, %mul3A_84 : i32
        %add3A_86 = arith.addi %mul3A_2, %mul3A_85 : i32
        %dma_start3A_87 = tpu.memref_slice %arg2[%add3A_86] : memref<38535168xf32, #tpu.memory_space<hbm>> -> memref<8192xf32, #tpu.memory_space<hbm>>
        %dma_start3A_88 = tpu.memref_slice %arg2[%add3A_86] : memref<38535168xf32, #tpu.memory_space<hbm>> -> memref<8192xf32, #tpu.memory_space<hbm>>
        tpu.enqueue_dma source(%dma_start3A_88 : memref<8192xf32, #tpu.memory_space<hbm>>) target(%arg4 : memref<8192xf32, #tpu.memory_space<vmem>>) target_semaphore(%arg9 : memref<!tpu.dma_semaphore, #tpu.memory_space<semaphore_mem>>)
      } else {
      }
      %mul3A_46 = arith.constant 3 : i32
      %mul3A_47 = arith.muli %scan3A_30, %mul3A_46 : i32
      %add3A_48 = arith.constant 1 : i32
      %add3A_49 = arith.addi %mul3A_47, %add3A_48 : i32
      %mul3A_50 = arith.constant 8192 : i32
      %mul3A_51 = arith.muli %add3A_49, %mul3A_50 : i32
      %add3A_52 = arith.addi %mul3A_2, %mul3A_51 : i32
      %dma_wait3A_53 = tpu.memref_slice %arg2[%add3A_52] : memref<38535168xf32, #tpu.memory_space<hbm>> -> memref<8192xf32, #tpu.memory_space<hbm>>
      %dma_wait3A_54 = tpu.memref_slice %arg2[%add3A_52] : memref<38535168xf32, #tpu.memory_space<hbm>> -> memref<8192xf32, #tpu.memory_space<hbm>>
      tpu.wait_dma2 semaphore(%arg10 : memref<!tpu.dma_semaphore, #tpu.memory_space<semaphore_mem>>) src(%dma_wait3A_54 : memref<8192xf32, #tpu.memory_space<hbm>>) dst(%arg5 : memref<8192xf32, #tpu.memory_space<vmem>>)
      %parallel_loop3A_55 = arith.constant 0 : i32
      %parallel_loop3A_56 = arith.constant 8192 : i32
      %parallel_loop3A_57 = arith.constant 16 : i32
      scf.for %parallel_loop3A_84 = %parallel_loop3A_55 to %parallel_loop3A_56 step %parallel_loop3A_57  : i32 {
        %parallel_loop3A_85 = arith.index_cast %parallel_loop3A_84 : i32 to index
        %parallel_loop3A_86 = tpu.vector_load %arg5[%parallel_loop3A_85] {strides = array<i32>} : memref<8192xf32, #tpu.memory_space<vmem>>, vector<16xf32>,
        %parallel_loop3A_87 = vector.bitcast %parallel_loop3A_86 : vector<16xf32> to vector<16xi32>
        %parallel_loop3A_88 = arith.constant 16 : i32
        %parallel_loop3A_89 = vector.broadcast %parallel_loop3A_88 : i32 to vector<16xi32>
        %parallel_loop3A_90 = arith.shrsi %parallel_loop3A_87, %parallel_loop3A_89 : vector<16xi32>
        %parallel_loop3A_91 = arith.constant 65520 : i32
        %parallel_loop3A_92 = vector.broadcast %parallel_loop3A_91 : i32 to vector<16xi32>
        %parallel_loop3A_93 = arith.andi %parallel_loop3A_90, %parallel_loop3A_92 : vector<16xi32>
        %parallel_loop3A_94 = arith.addi %parallel_loop3A_93, %iota3A : vector<16xi32>
        tpu.vector_store_idx %arg7[%parallel_loop3A_94], %broadcast_in_dim3A_3 {add = true} : memref<65536xi32, #tpu.memory_space<vmem>>[vector<16xi32>], vector<16xi32>,
      } {sc.loop_unroll_factor = 16 : i64, sc.parallel_access}
      %add3A_58 = arith.constant 3 : i32
      %add3A_59 = arith.addi %add3A_49, %add3A_58 : i32
      %lt3A_60 = arith.constant 147 : i32
      %lt3A_61 = arith.cmpi slt, %add3A_59, %lt3A_60 : i32
      %convert_element_type3A_62 = arith.extui %lt3A_61 : i1 to i32
      %cond3A_63 = arith.constant 0 : i32
      %cond3A_64 = arith.cmpi ne, %convert_element_type3A_62, %cond3A_63 : i32
      scf.if %cond3A_64 {
        %mul3A_84 = arith.constant 8192 : i32
        %mul3A_85 = arith.muli %add3A_59, %mul3A_84 : i32
        %add3A_86 = arith.addi %mul3A_2, %mul3A_85 : i32
        %dma_start3A_87 = tpu.memref_slice %arg2[%add3A_86] : memref<38535168xf32, #tpu.memory_space<hbm>> -> memref<8192xf32, #tpu.memory_space<hbm>>
        %dma_start3A_88 = tpu.memref_slice %arg2[%add3A_86] : memref<38535168xf32, #tpu.memory_space<hbm>> -> memref<8192xf32, #tpu.memory_space<hbm>>
        tpu.enqueue_dma source(%dma_start3A_88 : memref<8192xf32, #tpu.memory_space<hbm>>) target(%arg5 : memref<8192xf32, #tpu.memory_space<vmem>>) target_semaphore(%arg10 : memref<!tpu.dma_semaphore, #tpu.memory_space<semaphore_mem>>)
      } else {
      }
      %mul3A_65 = arith.constant 3 : i32
      %mul3A_66 = arith.muli %scan3A_30, %mul3A_65 : i32
      %add3A_67 = arith.constant 2 : i32
      %add3A_68 = arith.addi %mul3A_66, %add3A_67 : i32
      %mul3A_69 = arith.constant 8192 : i32
      %mul3A_70 = arith.muli %add3A_68, %mul3A_69 : i32
      %add3A_71 = arith.addi %mul3A_2, %mul3A_70 : i32
      %dma_wait3A_72 = tpu.memref_slice %arg2[%add3A_71] : memref<38535168xf32, #tpu.memory_space<hbm>> -> memref<8192xf32, #tpu.memory_space<hbm>>
      %dma_wait3A_73 = tpu.memref_slice %arg2[%add3A_71] : memref<38535168xf32, #tpu.memory_space<hbm>> -> memref<8192xf32, #tpu.memory_space<hbm>>
      tpu.wait_dma2 semaphore(%arg11 : memref<!tpu.dma_semaphore, #tpu.memory_space<semaphore_mem>>) src(%dma_wait3A_73 : memref<8192xf32, #tpu.memory_space<hbm>>) dst(%arg6 : memref<8192xf32, #tpu.memory_space<vmem>>)
      %parallel_loop3A_74 = arith.constant 0 : i32
      %parallel_loop3A_75 = arith.constant 8192 : i32
      %parallel_loop3A_76 = arith.constant 16 : i32
      scf.for %parallel_loop3A_84 = %parallel_loop3A_74 to %parallel_loop3A_75 step %parallel_loop3A_76  : i32 {
        %parallel_loop3A_85 = arith.index_cast %parallel_loop3A_84 : i32 to index
        %parallel_loop3A_86 = tpu.vector_load %arg6[%parallel_loop3A_85] {strides = array<i32>} : memref<8192xf32, #tpu.memory_space<vmem>>, vector<16xf32>,
        %parallel_loop3A_87 = vector.bitcast %parallel_loop3A_86 : vector<16xf32> to vector<16xi32>
        %parallel_loop3A_88 = arith.constant 16 : i32
        %parallel_loop3A_89 = vector.broadcast %parallel_loop3A_88 : i32 to vector<16xi32>
        %parallel_loop3A_90 = arith.shrsi %parallel_loop3A_87, %parallel_loop3A_89 : vector<16xi32>
        %parallel_loop3A_91 = arith.constant 65520 : i32
        %parallel_loop3A_92 = vector.broadcast %parallel_loop3A_91 : i32 to vector<16xi32>
        %parallel_loop3A_93 = arith.andi %parallel_loop3A_90, %parallel_loop3A_92 : vector<16xi32>
        %parallel_loop3A_94 = arith.addi %parallel_loop3A_93, %iota3A : vector<16xi32>
        tpu.vector_store_idx %arg7[%parallel_loop3A_94], %broadcast_in_dim3A_3 {add = true} : memref<65536xi32, #tpu.memory_space<vmem>>[vector<16xi32>], vector<16xi32>,
      } {sc.loop_unroll_factor = 16 : i64, sc.parallel_access}
      %add3A_77 = arith.constant 3 : i32
      %add3A_78 = arith.addi %add3A_68, %add3A_77 : i32
      %lt3A_79 = arith.constant 147 : i32
      %lt3A_80 = arith.cmpi slt, %add3A_78, %lt3A_79 : i32
      %convert_element_type3A_81 = arith.extui %lt3A_80 : i1 to i32
      %cond3A_82 = arith.constant 0 : i32
      %cond3A_83 = arith.cmpi ne, %convert_element_type3A_81, %cond3A_82 : i32
      scf.if %cond3A_83 {
        %mul3A_84 = arith.constant 8192 : i32
        %mul3A_85 = arith.muli %add3A_78, %mul3A_84 : i32
        %add3A_86 = arith.addi %mul3A_2, %mul3A_85 : i32
        %dma_start3A_87 = tpu.memref_slice %arg2[%add3A_86] : memref<38535168xf32, #tpu.memory_space<hbm>> -> memref<8192xf32, #tpu.memory_space<hbm>>
        %dma_start3A_88 = tpu.memref_slice %arg2[%add3A_86] : memref<38535168xf32, #tpu.memory_space<hbm>> -> memref<8192xf32, #tpu.memory_space<hbm>>
        tpu.enqueue_dma source(%dma_start3A_88 : memref<8192xf32, #tpu.memory_space<hbm>>) target(%arg6 : memref<8192xf32, #tpu.memory_space<vmem>>) target_semaphore(%arg11 : memref<!tpu.dma_semaphore, #tpu.memory_space<semaphore_mem>>)
      } else {
      }
    }
    %scan3A_23 = arith.constant 49 : i32
    %mul3A_24 = arith.constant 16 : i32
    %mul3A_25 = vector.broadcast %mul3A_24 : i32 to vector<16xi32>
    %mul3A_26 = arith.muli %iota3A, %mul3A_25 : vector<16xi32>
    %parallel_loop3A_27 = arith.constant 0 : i32
    %parallel_loop3A_28 = arith.constant 4096 : i32
    %parallel_loop3A_29 = arith.constant 16 : i32
    scf.for %parallel_loop3A_30 = %parallel_loop3A_27 to %parallel_loop3A_28 step %parallel_loop3A_29  : i32 {
      %parallel_loop3A_31 = arith.constant 16 : i32
      %parallel_loop3A_32 = arith.muli %parallel_loop3A_30, %parallel_loop3A_31 : i32
      %parallel_loop3A_33 = vector.broadcast %parallel_loop3A_32 : i32 to vector<16xi32>
      %parallel_loop3A_34 = arith.addi %parallel_loop3A_33, %mul3A_26 : vector<16xi32>
      %parallel_loop3A_35 = arith.constant 0 : i32
      %parallel_loop3A_36 = vector.broadcast %parallel_loop3A_35 : i32 to vector<16xi32>
      %parallel_loop3A_37 = arith.addi %parallel_loop3A_34, %parallel_loop3A_36 : vector<16xi32>
      %parallel_loop3A_38 = tpu.vector_load_idx %arg7[%parallel_loop3A_37] : memref<65536xi32, #tpu.memory_space<vmem>>[vector<16xi32>], vector<16xi32>,
      %parallel_loop3A_39 = arith.addi %broadcast_in_dim3A_5, %parallel_loop3A_38 : vector<16xi32>
      %parallel_loop3A_40 = vector.broadcast %parallel_loop3A_32 : i32 to vector<16xi32>
      %parallel_loop3A_41 = arith.addi %parallel_loop3A_40, %mul3A_26 : vector<16xi32>
      %parallel_loop3A_42 = arith.constant 1 : i32
      %parallel_loop3A_43 = vector.broadcast %parallel_loop3A_42 : i32 to vector<16xi32>
      %parallel_loop3A_44 = arith.addi %parallel_loop3A_41, %parallel_loop3A_43 : vector<16xi32>
      %parallel_loop3A_45 = tpu.vector_load_idx %arg7[%parallel_loop3A_44] : memref<65536xi32, #tpu.memory_space<vmem>>[vector<16xi32>], vector<16xi32>,
      %parallel_loop3A_46 = arith.addi %parallel_loop3A_39, %parallel_loop3A_45 : vector<16xi32>
      %parallel_loop3A_47 = vector.broadcast %parallel_loop3A_32 : i32 to vector<16xi32>
      %parallel_loop3A_48 = arith.addi %parallel_loop3A_47, %mul3A_26 : vector<16xi32>
      %parallel_loop3A_49 = arith.constant 2 : i32
      %parallel_loop3A_50 = vector.broadcast %parallel_loop3A_49 : i32 to vector<16xi32>
      %parallel_loop3A_51 = arith.addi %parallel_loop3A_48, %parallel_loop3A_50 : vector<16xi32>
      %parallel_loop3A_52 = tpu.vector_load_idx %arg7[%parallel_loop3A_51] : memref<65536xi32, #tpu.memory_space<vmem>>[vector<16xi32>], vector<16xi32>,
      %parallel_loop3A_53 = arith.addi %parallel_loop3A_46, %parallel_loop3A_52 : vector<16xi32>
      %parallel_loop3A_54 = vector.broadcast %parallel_loop3A_32 : i32 to vector<16xi32>
      %parallel_loop3A_55 = arith.addi %parallel_loop3A_54, %mul3A_26 : vector<16xi32>
      %parallel_loop3A_56 = arith.constant 3 : i32
      %parallel_loop3A_57 = vector.broadcast %parallel_loop3A_56 : i32 to vector<16xi32>
      %parallel_loop3A_58 = arith.addi %parallel_loop3A_55, %parallel_loop3A_57 : vector<16xi32>
      %parallel_loop3A_59 = tpu.vector_load_idx %arg7[%parallel_loop3A_58] : memref<65536xi32, #tpu.memory_space<vmem>>[vector<16xi32>], vector<16xi32>,
      %parallel_loop3A_60 = arith.addi %parallel_loop3A_53, %parallel_loop3A_59 : vector<16xi32>
      %parallel_loop3A_61 = vector.broadcast %parallel_loop3A_32 : i32 to vector<16xi32>
      %parallel_loop3A_62 = arith.addi %parallel_loop3A_61, %mul3A_26 : vector<16xi32>
      %parallel_loop3A_63 = arith.constant 4 : i32
      %parallel_loop3A_64 = vector.broadcast %parallel_loop3A_63 : i32 to vector<16xi32>
      %parallel_loop3A_65 = arith.addi %parallel_loop3A_62, %parallel_loop3A_64 : vector<16xi32>
      %parallel_loop3A_66 = tpu.vector_load_idx %arg7[%parallel_loop3A_65] : memref<65536xi32, #tpu.memory_space<vmem>>[vector<16xi32>], vector<16xi32>,
      %parallel_loop3A_67 = arith.addi %parallel_loop3A_60, %parallel_loop3A_66 : vector<16xi32>
      %parallel_loop3A_68 = vector.broadcast %parallel_loop3A_32 : i32 to vector<16xi32>
      %parallel_loop3A_69 = arith.addi %parallel_loop3A_68, %mul3A_26 : vector<16xi32>
      %parallel_loop3A_70 = arith.constant 5 : i32
      %parallel_loop3A_71 = vector.broadcast %parallel_loop3A_70 : i32 to vector<16xi32>
      %parallel_loop3A_72 = arith.addi %parallel_loop3A_69, %parallel_loop3A_71 : vector<16xi32>
      %parallel_loop3A_73 = tpu.vector_load_idx %arg7[%parallel_loop3A_72] : memref<65536xi32, #tpu.memory_space<vmem>>[vector<16xi32>], vector<16xi32>,
      %parallel_loop3A_74 = arith.addi %parallel_loop3A_67, %parallel_loop3A_73 : vector<16xi32>
      %parallel_loop3A_75 = vector.broadcast %parallel_loop3A_32 : i32 to vector<16xi32>
      %parallel_loop3A_76 = arith.addi %parallel_loop3A_75, %mul3A_26 : vector<16xi32>
      %parallel_loop3A_77 = arith.constant 6 : i32
      %parallel_loop3A_78 = vector.broadcast %parallel_loop3A_77 : i32 to vector<16xi32>
      %parallel_loop3A_79 = arith.addi %parallel_loop3A_76, %parallel_loop3A_78 : vector<16xi32>
      %parallel_loop3A_80 = tpu.vector_load_idx %arg7[%parallel_loop3A_79] : memref<65536xi32, #tpu.memory_space<vmem>>[vector<16xi32>], vector<16xi32>,
      %parallel_loop3A_81 = arith.addi %parallel_loop3A_74, %parallel_loop3A_80 : vector<16xi32>
      %parallel_loop3A_82 = vector.broadcast %parallel_loop3A_32 : i32 to vector<16xi32>
      %parallel_loop3A_83 = arith.addi %parallel_loop3A_82, %mul3A_26 : vector<16xi32>
      %parallel_loop3A_84 = arith.constant 7 : i32
      %parallel_loop3A_85 = vector.broadcast %parallel_loop3A_84 : i32 to vector<16xi32>
      %parallel_loop3A_86 = arith.addi %parallel_loop3A_83, %parallel_loop3A_85 : vector<16xi32>
      %parallel_loop3A_87 = tpu.vector_load_idx %arg7[%parallel_loop3A_86] : memref<65536xi32, #tpu.memory_space<vmem>>[vector<16xi32>], vector<16xi32>,
      %parallel_loop3A_88 = arith.addi %parallel_loop3A_81, %parallel_loop3A_87 : vector<16xi32>
      %parallel_loop3A_89 = vector.broadcast %parallel_loop3A_32 : i32 to vector<16xi32>
      %parallel_loop3A_90 = arith.addi %parallel_loop3A_89, %mul3A_26 : vector<16xi32>
      %parallel_loop3A_91 = arith.constant 8 : i32
      %parallel_loop3A_92 = vector.broadcast %parallel_loop3A_91 : i32 to vector<16xi32>
      %parallel_loop3A_93 = arith.addi %parallel_loop3A_90, %parallel_loop3A_92 : vector<16xi32>
      %parallel_loop3A_94 = tpu.vector_load_idx %arg7[%parallel_loop3A_93] : memref<65536xi32, #tpu.memory_space<vmem>>[vector<16xi32>], vector<16xi32>,
      %parallel_loop3A_95 = arith.addi %parallel_loop3A_88, %parallel_loop3A_94 : vector<16xi32>
      %parallel_loop3A_96 = vector.broadcast %parallel_loop3A_32 : i32 to vector<16xi32>
      %parallel_loop3A_97 = arith.addi %parallel_loop3A_96, %mul3A_26 : vector<16xi32>
      %parallel_loop3A_98 = arith.constant 9 : i32
      %parallel_loop3A_99 = vector.broadcast %parallel_loop3A_98 : i32 to vector<16xi32>
      %parallel_loop3A_100 = arith.addi %parallel_loop3A_97, %parallel_loop3A_99 : vector<16xi32>
      %parallel_loop3A_101 = tpu.vector_load_idx %arg7[%parallel_loop3A_100] : memref<65536xi32, #tpu.memory_space<vmem>>[vector<16xi32>], vector<16xi32>,
      %parallel_loop3A_102 = arith.addi %parallel_loop3A_95, %parallel_loop3A_101 : vector<16xi32>
      %parallel_loop3A_103 = vector.broadcast %parallel_loop3A_32 : i32 to vector<16xi32>
      %parallel_loop3A_104 = arith.addi %parallel_loop3A_103, %mul3A_26 : vector<16xi32>
      %parallel_loop3A_105 = arith.constant 10 : i32
      %parallel_loop3A_106 = vector.broadcast %parallel_loop3A_105 : i32 to vector<16xi32>
      %parallel_loop3A_107 = arith.addi %parallel_loop3A_104, %parallel_loop3A_106 : vector<16xi32>
      %parallel_loop3A_108 = tpu.vector_load_idx %arg7[%parallel_loop3A_107] : memref<65536xi32, #tpu.memory_space<vmem>>[vector<16xi32>], vector<16xi32>,
      %parallel_loop3A_109 = arith.addi %parallel_loop3A_102, %parallel_loop3A_108 : vector<16xi32>
      %parallel_loop3A_110 = vector.broadcast %parallel_loop3A_32 : i32 to vector<16xi32>
      %parallel_loop3A_111 = arith.addi %parallel_loop3A_110, %mul3A_26 : vector<16xi32>
      %parallel_loop3A_112 = arith.constant 11 : i32
      %parallel_loop3A_113 = vector.broadcast %parallel_loop3A_112 : i32 to vector<16xi32>
      %parallel_loop3A_114 = arith.addi %parallel_loop3A_111, %parallel_loop3A_113 : vector<16xi32>
      %parallel_loop3A_115 = tpu.vector_load_idx %arg7[%parallel_loop3A_114] : memref<65536xi32, #tpu.memory_space<vmem>>[vector<16xi32>], vector<16xi32>,
      %parallel_loop3A_116 = arith.addi %parallel_loop3A_109, %parallel_loop3A_115 : vector<16xi32>
      %parallel_loop3A_117 = vector.broadcast %parallel_loop3A_32 : i32 to vector<16xi32>
      %parallel_loop3A_118 = arith.addi %parallel_loop3A_117, %mul3A_26 : vector<16xi32>
      %parallel_loop3A_119 = arith.constant 12 : i32
      %parallel_loop3A_120 = vector.broadcast %parallel_loop3A_119 : i32 to vector<16xi32>
      %parallel_loop3A_121 = arith.addi %parallel_loop3A_118, %parallel_loop3A_120 : vector<16xi32>
      %parallel_loop3A_122 = tpu.vector_load_idx %arg7[%parallel_loop3A_121] : memref<65536xi32, #tpu.memory_space<vmem>>[vector<16xi32>], vector<16xi32>,
      %parallel_loop3A_123 = arith.addi %parallel_loop3A_116, %parallel_loop3A_122 : vector<16xi32>
      %parallel_loop3A_124 = vector.broadcast %parallel_loop3A_32 : i32 to vector<16xi32>
      %parallel_loop3A_125 = arith.addi %parallel_loop3A_124, %mul3A_26 : vector<16xi32>
      %parallel_loop3A_126 = arith.constant 13 : i32
      %parallel_loop3A_127 = vector.broadcast %parallel_loop3A_126 : i32 to vector<16xi32>
      %parallel_loop3A_128 = arith.addi %parallel_loop3A_125, %parallel_loop3A_127 : vector<16xi32>
      %parallel_loop3A_129 = tpu.vector_load_idx %arg7[%parallel_loop3A_128] : memref<65536xi32, #tpu.memory_space<vmem>>[vector<16xi32>], vector<16xi32>,
      %parallel_loop3A_130 = arith.addi %parallel_loop3A_123, %parallel_loop3A_129 : vector<16xi32>
      %parallel_loop3A_131 = vector.broadcast %parallel_loop3A_32 : i32 to vector<16xi32>
      %parallel_loop3A_132 = arith.addi %parallel_loop3A_131, %mul3A_26 : vector<16xi32>
      %parallel_loop3A_133 = arith.constant 14 : i32
      %parallel_loop3A_134 = vector.broadcast %parallel_loop3A_133 : i32 to vector<16xi32>
      %parallel_loop3A_135 = arith.addi %parallel_loop3A_132, %parallel_loop3A_134 : vector<16xi32>
      %parallel_loop3A_136 = tpu.vector_load_idx %arg7[%parallel_loop3A_135] : memref<65536xi32, #tpu.memory_space<vmem>>[vector<16xi32>], vector<16xi32>,
      %parallel_loop3A_137 = arith.addi %parallel_loop3A_130, %parallel_loop3A_136 : vector<16xi32>
      %parallel_loop3A_138 = vector.broadcast %parallel_loop3A_32 : i32 to vector<16xi32>
      %parallel_loop3A_139 = arith.addi %parallel_loop3A_138, %mul3A_26 : vector<16xi32>
      %parallel_loop3A_140 = arith.constant 15 : i32
      %parallel_loop3A_141 = vector.broadcast %parallel_loop3A_140 : i32 to vector<16xi32>
      %parallel_loop3A_142 = arith.addi %parallel_loop3A_139, %parallel_loop3A_141 : vector<16xi32>
      %parallel_loop3A_143 = tpu.vector_load_idx %arg7[%parallel_loop3A_142] : memref<65536xi32, #tpu.memory_space<vmem>>[vector<16xi32>], vector<16xi32>,
      %parallel_loop3A_144 = arith.addi %parallel_loop3A_137, %parallel_loop3A_143 : vector<16xi32>
      %parallel_loop3A_145 = arith.index_cast %parallel_loop3A_30 : i32 to index
      %parallel_loop3A_146 = tpu.vector_load %arg8[%parallel_loop3A_145] {strides = array<i32>} : memref<4096xi32, #tpu.memory_space<vmem>>, vector<16xi32>,
      tpu.vector_store %arg8[%parallel_loop3A_145], %parallel_loop3A_144 {strides = array<i32>} : memref<4096xi32, #tpu.memory_space<vmem>>, vector<16xi32>,
    } {sc.loop_unroll_factor = 2 : i64, sc.parallel_access}
    "tpu.region"() ({
      %run_scoped3A = tpu.sem_alloc : memref<!tpu.dma_semaphore, #tpu.memory_space<semaphore_mem>>
      %dma_start3A_30 = arith.constant 0 : i32
      %dma_start3A_31 = tpu.memref_slice %arg3[%add3A, %dma_start3A_30] : memref<32x4096xi32, #tpu.memory_space<hbm>> -> memref<1x4096xi32, #tpu.memory_space<hbm>>
      %dma_start3A_32 = tpu.memref_squeeze %dma_start3A_31 : memref<1x4096xi32, #tpu.memory_space<hbm>> -> memref<4096xi32, #tpu.memory_space<hbm>>
      %dma_start3A_33 = arith.constant 0 : i32
      %dma_start3A_34 = tpu.memref_slice %arg3[%add3A, %dma_start3A_33] : memref<32x4096xi32, #tpu.memory_space<hbm>> -> memref<1x4096xi32, #tpu.memory_space<hbm>>
      %dma_start3A_35 = tpu.memref_squeeze %dma_start3A_34 : memref<1x4096xi32, #tpu.memory_space<hbm>> -> memref<4096xi32, #tpu.memory_space<hbm>>
      tpu.enqueue_dma source(%arg8 : memref<4096xi32, #tpu.memory_space<vmem>>) target(%dma_start3A_35 : memref<4096xi32, #tpu.memory_space<hbm>>) target_semaphore(%run_scoped3A : memref<!tpu.dma_semaphore, #tpu.memory_space<semaphore_mem>>)
      %dma_wait3A = arith.constant 0 : i32
      %dma_wait3A_36 = tpu.memref_slice %arg3[%add3A, %dma_wait3A] : memref<32x4096xi32, #tpu.memory_space<hbm>> -> memref<1x4096xi32, #tpu.memory_space<hbm>>
      %dma_wait3A_37 = tpu.memref_squeeze %dma_wait3A_36 : memref<1x4096xi32, #tpu.memory_space<hbm>> -> memref<4096xi32, #tpu.memory_space<hbm>>
      %dma_wait3A_38 = arith.constant 0 : i32
      %dma_wait3A_39 = tpu.memref_slice %arg3[%add3A, %dma_wait3A_38] : memref<32x4096xi32, #tpu.memory_space<hbm>> -> memref<1x4096xi32, #tpu.memory_space<hbm>>
      %dma_wait3A_40 = tpu.memref_squeeze %dma_wait3A_39 : memref<1x4096xi32, #tpu.memory_space<hbm>> -> memref<4096xi32, #tpu.memory_space<hbm>>
      tpu.wait_dma2 semaphore(%run_scoped3A : memref<!tpu.dma_semaphore, #tpu.memory_space<semaphore_mem>>) src(%arg8 : memref<4096xi32, #tpu.memory_space<vmem>>) dst(%dma_wait3A_40 : memref<4096xi32, #tpu.memory_space<hbm>>)
      tpu.yield
    }) : () -> ()
    return
  }
}

module attributes {stable_mosaic.version = 14 : i64} {
  func.func @kwta_select2(%arg0: memref<32x4096xi32, #tpu.memory_space<vmem>>, %arg1: memref<8x128xi32, #tpu.memory_space<vmem>>, %arg2: memref<32x128xi32, #tpu.memory_space<vmem>>, %arg3: memref<8x128xi32, #tpu.memory_space<vmem>>) attributes {dimension_semantics = [], scalar_prefetch = 0 : i64, scratch_operands = 0 : i64, tpu.core_type = #tpu.core_type<tc>} {
    %get3A = arith.constant 0 : index
    %get3A_0 = arith.constant 0 : index
    %get3A_1 = vector.load %arg0[%get3A, %get3A_0] : memref<32x4096xi32, #tpu.memory_space<vmem>>, vector<32x4096xi32>
    %convert_element_type3A = arith.sitofp %get3A_1 : vector<32x4096xi32> to vector<32x4096xf32>
    %reshape3A = vector.shape_cast %convert_element_type3A : vector<32x4096xf32> to vector<8x4x4096xf32>
    %reduce_sum3A = arith.constant dense<0.000000e+00> : vector<8x4096xf32>
    %reduce_sum3A_2 = vector.multi_reduction <add>, %reshape3A, %reduce_sum3A [1] : vector<8x4x4096xf32> to vector<8x4096xf32>
    %reshape3A_3 = vector.shape_cast %reduce_sum3A_2 : vector<8x4096xf32> to vector<8x32x128xf32>
    %reduce_sum3A_4 = arith.constant dense<0.000000e+00> : vector<8x32xf32>
    %reduce_sum3A_5 = vector.multi_reduction <add>, %reshape3A_3, %reduce_sum3A_4 [2] : vector<8x32x128xf32> to vector<8x32xf32>
    %reshape3A_6 = vector.shape_cast %reshape3A_3 : vector<8x32x128xf32> to vector<256x128xf32>
    %iota3A = tpu.iota {dimensions = array<i32: 0>} : vector<128x128xi32>
    %iota3A_7 = tpu.iota {dimensions = array<i32: 1>} : vector<128x128xi32>
    %gt3A = arith.cmpi sgt, %iota3A, %iota3A_7 : vector<128x128xi32>
    %convert_element_type3A_8 = arith.extui %gt3A : vector<128x128xi1> to vector<128x128xi32>
    %convert_element_type3A_9 = arith.sitofp %convert_element_type3A_8 : vector<128x128xi32> to vector<128x128xf32>
    %dot_general3A = arith.constant dense<0.000000e+00> : vector<256x128xf32>
    %dot_general3A_10 = tpu.matmul %reshape3A_6, %convert_element_type3A_9, %dot_general3A {dimension_numbers = #tpu.dot_dimension_numbers<[1], [0], [0], [1], [0, 0, 1, 1], [], []>, precision = #tpu.contract_precision<fp32>, transpose_lhs_hint = false} : vector<256x128xf32>, vector<128x128xf32>, vector<256x128xf32> -> vector<256x128xf32>
    %reshape3A_11 = vector.shape_cast %dot_general3A_10 : vector<256x128xf32> to vector<8x32x128xf32>
    %reshape3A_12 = vector.shape_cast %reshape3A_3 : vector<8x32x128xf32> to vector<256x128xf32>
    %iota3A_13 = tpu.iota {dimensions = array<i32: 0>} : vector<128x128xi32>
    %iota3A_14 = tpu.iota {dimensions = array<i32: 1>} : vector<128x128xi32>
    %lt3A = arith.cmpi slt, %iota3A_13, %iota3A_14 : vector<128x128xi32>
    %convert_element_type3A_15 = arith.extui %lt3A : vector<128x128xi1> to vector<128x128xi32>
    %convert_element_type3A_16 = arith.sitofp %convert_element_type3A_15 : vector<128x128xi32> to vector<128x128xf32>
    %dot_general3A_17 = arith.constant dense<0.000000e+00> : vector<256x128xf32>
    %dot_general3A_18 = tpu.matmul %reshape3A_12, %convert_element_type3A_16, %dot_general3A_17 {dimension_numbers = #tpu.dot_dimension_numbers<[1], [0], [0], [1], [0, 0, 1, 1], [], []>, precision = #tpu.contract_precision<fp32>, transpose_lhs_hint = false} : vector<256x128xf32>, vector<128x128xf32>, vector<256x128xf32> -> vector<256x128xf32>
    %reshape3A_19 = vector.shape_cast %dot_general3A_18 : vector<256x128xf32> to vector<8x32x128xf32>
    %iota3A_20 = tpu.iota {dimensions = array<i32: 0>} : vector<32x32xi32>
    %iota3A_21 = tpu.iota {dimensions = array<i32: 1>} : vector<32x32xi32>
    %gt3A_22 = arith.cmpi sgt, %iota3A_20, %iota3A_21 : vector<32x32xi32>
    %convert_element_type3A_23 = arith.extui %gt3A_22 : vector<32x32xi1> to vector<32x32xi32>
    %convert_element_type3A_24 = arith.sitofp %convert_element_type3A_23 : vector<32x32xi32> to vector<32x32xf32>
    %dot_general3A_25 = arith.constant dense<0.000000e+00> : vector<8x32xf32>
    %dot_general3A_26 = tpu.matmul %reduce_sum3A_5, %convert_element_type3A_24, %dot_general3A_25 {dimension_numbers = #tpu.dot_dimension_numbers<[1], [0], [0], [1], [0, 0, 1, 1], [], []>, precision = #tpu.contract_precision<fp32>, transpose_lhs_hint = false} : vector<8x32xf32>, vector<32x32xf32>, vector<8x32xf32> -> vector<8x32xf32>
    %iota3A_27 = tpu.iota {dimensions = array<i32: 0>} : vector<32x32xi32>
    %iota3A_28 = tpu.iota {dimensions = array<i32: 1>} : vector<32x32xi32>
    %lt3A_29 = arith.cmpi slt, %iota3A_27, %iota3A_28 : vector<32x32xi32>
    %convert_element_type3A_30 = arith.extui %lt3A_29 : vector<32x32xi1> to vector<32x32xi32>
    %convert_element_type3A_31 = arith.sitofp %convert_element_type3A_30 : vector<32x32xi32> to vector<32x32xf32>
    %dot_general3A_32 = arith.constant dense<0.000000e+00> : vector<8x32xf32>
    %dot_general3A_33 = tpu.matmul %reduce_sum3A_5, %convert_element_type3A_31, %dot_general3A_32 {dimension_numbers = #tpu.dot_dimension_numbers<[1], [0], [0], [1], [0, 0, 1, 1], [], []>, precision = #tpu.contract_precision<fp32>, transpose_lhs_hint = false} : vector<8x32xf32>, vector<32x32xf32>, vector<8x32xf32> -> vector<8x32xf32>
    %get3A_34 = arith.constant 0 : index
    %get3A_35 = arith.constant 0 : index
    %get3A_36 = vector.load %arg1[%get3A_34, %get3A_35] : memref<8x128xi32, #tpu.memory_space<vmem>>, vector<8x128xi32>
    %slice3A = vector.extract_strided_slice %get3A_36 {offsets = [0, 0], sizes = [8, 1], strides = [1, 1]} : vector<8x128xi32> to vector<8x1xi32>
    %ge3A = arith.constant 2048 : i32
    %ge3A_37 = vector.broadcast %ge3A : i32 to vector<8x1xi32>
    %ge3A_38 = arith.cmpi sge, %slice3A, %ge3A_37 : vector<8x1xi32>
    %broadcast_in_dim3A = vector.shape_cast %ge3A_38 : vector<8x1xi1> to vector<8x1x1xi1>
    %broadcast_in_dim3A_39 = vector.shape_cast %dot_general3A_33 : vector<8x32xf32> to vector<8x32x1xf32>
    %add3A = vector.broadcast %broadcast_in_dim3A_39 : vector<8x32x1xf32> to vector<8x32x128xf32>
    %add3A_40 = arith.addf %add3A, %reshape3A_19 : vector<8x32x128xf32>
    %broadcast_in_dim3A_41 = vector.shape_cast %dot_general3A_26 : vector<8x32xf32> to vector<8x32x1xf32>
    %add3A_42 = vector.broadcast %broadcast_in_dim3A_41 : vector<8x32x1xf32> to vector<8x32x128xf32>
    %add3A_43 = arith.addf %add3A_42, %reshape3A_11 : vector<8x32x128xf32>
    %broadcast_in_dim3A_44 = vector.shape_cast %broadcast_in_dim3A : vector<8x1x1xi1> to vector<8x1x1xi1>
    %broadcast_in_dim3A_45 = vector.broadcast %broadcast_in_dim3A_44 : vector<8x1x1xi1> to vector<8x32x128xi1>
    %select_n3A = arith.select %broadcast_in_dim3A_45, %add3A_40, %add3A_43 : vector<8x32x128xi1>, vector<8x32x128xf32>
    %get3A_46 = arith.constant 0 : index
    %get3A_47 = arith.constant 0 : index
    %get3A_48 = vector.load %arg1[%get3A_46, %get3A_47] : memref<8x128xi32, #tpu.memory_space<vmem>>, vector<8x128xi32>
    %slice3A_49 = vector.extract_strided_slice %get3A_48 {offsets = [0, 1], sizes = [8, 1], strides = [1, 1]} : vector<8x128xi32> to vector<8x1xi32>
    %convert_element_type3A_50 = arith.sitofp %slice3A_49 : vector<8x1xi32> to vector<8x1xf32>
    %broadcast_in_dim3A_51 = vector.shape_cast %convert_element_type3A_50 : vector<8x1xf32> to vector<8x1x1xf32>
    %lt3A_52 = vector.broadcast %broadcast_in_dim3A_51 : vector<8x1x1xf32> to vector<8x32x128xf32>
    %lt3A_53 = arith.cmpf olt, %select_n3A, %lt3A_52 : vector<8x32x128xf32>
    %add3A_54 = arith.addf %select_n3A, %reshape3A_3 : vector<8x32x128xf32>
    %ge3A_55 = vector.broadcast %broadcast_in_dim3A_51 : vector<8x1x1xf32> to vector<8x32x128xf32>
    %ge3A_56 = arith.cmpf oge, %add3A_54, %ge3A_55 : vector<8x32x128xf32>
    %and3A = arith.andi %lt3A_53, %ge3A_56 : vector<8x32x128xi1>
    %iota3A_57 = tpu.iota {dimensions = array<i32: 1>} : vector<8x32x128xi32>
    %mul3A = arith.constant 128 : i32
    %mul3A_58 = vector.broadcast %mul3A : i32 to vector<8x32x128xi32>
    %mul3A_59 = arith.muli %iota3A_57, %mul3A_58 : vector<8x32x128xi32>
    %iota3A_60 = tpu.iota {dimensions = array<i32: 2>} : vector<8x32x128xi32>
    %add3A_61 = arith.addi %mul3A_59, %iota3A_60 : vector<8x32x128xi32>
    %convert_element_type3A_62 = arith.sitofp %add3A_61 : vector<8x32x128xi32> to vector<8x32x128xf32>
    %jit3A = arith.constant 0.000000e+00 : f32
    %broadcast_in_dim3A_63 = vector.broadcast %jit3A : f32 to vector<8x32x128xf32>
    %select_n3A_64 = arith.select %and3A, %convert_element_type3A_62, %broadcast_in_dim3A_63 : vector<8x32x128xi1>, vector<8x32x128xf32>
    %reduce_sum3A_65 = arith.constant dense<0.000000e+00> : vector<8x32xf32>
    %reduce_sum3A_66 = vector.multi_reduction <add>, %select_n3A_64, %reduce_sum3A_65 [2] : vector<8x32x128xf32> to vector<8x32xf32>
    %reduce_sum3A_67 = arith.constant dense<0.000000e+00> : vector<8xf32>
    %reduce_sum3A_68 = vector.multi_reduction <add>, %reduce_sum3A_66, %reduce_sum3A_67 [1] : vector<8x32xf32> to vector<8xf32>
    %broadcast_in_dim3A_69 = vector.shape_cast %reduce_sum3A_68 : vector<8xf32> to vector<8x1xf32>
    %sub3A = vector.broadcast %broadcast_in_dim3A_51 : vector<8x1x1xf32> to vector<8x32x128xf32>
    %sub3A_70 = arith.subf %sub3A, %select_n3A : vector<8x32x128xf32>
    %jit3A_71 = arith.constant 0.000000e+00 : f32
    %broadcast_in_dim3A_72 = vector.broadcast %jit3A_71 : f32 to vector<8x32x128xf32>
    %select_n3A_73 = arith.select %and3A, %sub3A_70, %broadcast_in_dim3A_72 : vector<8x32x128xi1>, vector<8x32x128xf32>
    %reduce_sum3A_74 = arith.constant dense<0.000000e+00> : vector<8x32xf32>
    %reduce_sum3A_75 = vector.multi_reduction <add>, %select_n3A_73, %reduce_sum3A_74 [2] : vector<8x32x128xf32> to vector<8x32xf32>
    %reduce_sum3A_76 = arith.constant dense<0.000000e+00> : vector<8xf32>
    %reduce_sum3A_77 = vector.multi_reduction <add>, %reduce_sum3A_75, %reduce_sum3A_76 [1] : vector<8x32xf32> to vector<8xf32>
    %broadcast_in_dim3A_78 = vector.shape_cast %reduce_sum3A_77 : vector<8xf32> to vector<8x1xf32>
    %convert_element_type3A_79 = arith.fptosi %broadcast_in_dim3A_69 : vector<8x1xf32> to vector<8x1xi32>
    %convert_element_type3A_80 = arith.fptosi %broadcast_in_dim3A_78 : vector<8x1xf32> to vector<8x1xi32>
    %get3A_81 = arith.constant 0 : index
    %get3A_82 = arith.constant 0 : index
    %get3A_83 = vector.load %arg1[%get3A_81, %get3A_82] : memref<8x128xi32, #tpu.memory_space<vmem>>, vector<8x128xi32>
    %slice3A_84 = vector.extract_strided_slice %get3A_83 {offsets = [0, 0], sizes = [8, 1], strides = [1, 1]} : vector<8x128xi32> to vector<8x1xi32>
    %mul3A_85 = arith.constant 4096 : i32
    %mul3A_86 = vector.broadcast %mul3A_85 : i32 to vector<8x1xi32>
    %mul3A_87 = arith.muli %slice3A_84, %mul3A_86 : vector<8x1xi32>
    %add3A_88 = arith.addi %mul3A_87, %convert_element_type3A_79 : vector<8x1xi32>
    %ge3A_89 = arith.constant 8388608 : i32
    %ge3A_90 = vector.broadcast %ge3A_89 : i32 to vector<8x1xi32>
    %ge3A_91 = arith.cmpi sge, %add3A_88, %ge3A_90 : vector<8x1xi32>
    %sub3A_92 = arith.constant 16777216 : i32
    %sub3A_93 = vector.broadcast %sub3A_92 : i32 to vector<8x1xi32>
    %sub3A_94 = arith.subi %add3A_88, %sub3A_93 : vector<8x1xi32>
    %select_n3A_95 = arith.select %ge3A_91, %sub3A_94, %add3A_88 : vector<8x1xi1>, vector<8x1xi32>
    %broadcast_in_dim3A_96 = vector.shape_cast %select_n3A_95 : vector<8x1xi32> to vector<8x1x1xi32>
    %broadcast_in_dim3A_97 = vector.shape_cast %broadcast_in_dim3A_96 : vector<8x1x1xi32> to vector<8x1x1xi32>
    %broadcast_in_dim3A_98 = vector.broadcast %broadcast_in_dim3A_97 : vector<8x1x1xi32> to vector<8x4x128xi32>
    %reshape3A_99 = vector.shape_cast %broadcast_in_dim3A_98 : vector<8x4x128xi32> to vector<32x128xi32>
    %swap3A = arith.constant 0 : index
    %swap3A_100 = arith.constant 0 : index
    %swap3A_101 = vector.load %arg2[%swap3A, %swap3A_100] : memref<32x128xi32, #tpu.memory_space<vmem>>, vector<32x128xi32>
    tpu.vector_store %arg2[%swap3A, %swap3A_100], %reshape3A_99 {strides = array<i32>} : memref<32x128xi32, #tpu.memory_space<vmem>>, vector<32x128xi32>,
    %iota3A_102 = tpu.iota {dimensions = array<i32: 1>} : vector<8x128xi32>
    %eq3A = arith.constant 0 : i32
    %eq3A_103 = vector.broadcast %eq3A : i32 to vector<8x128xi32>
    %eq3A_104 = arith.cmpi eq, %iota3A_102, %eq3A_103 : vector<8x128xi32>
    %broadcast_in_dim3A_105 = vector.shape_cast %add3A_88 : vector<8x1xi32> to vector<8x1xi32>
    %broadcast_in_dim3A_106 = vector.broadcast %broadcast_in_dim3A_105 : vector<8x1xi32> to vector<8x128xi32>
    %eq3A_107 = arith.constant 1 : i32
    %eq3A_108 = vector.broadcast %eq3A_107 : i32 to vector<8x128xi32>
    %eq3A_109 = arith.cmpi eq, %iota3A_102, %eq3A_108 : vector<8x128xi32>
    %broadcast_in_dim3A_110 = vector.shape_cast %convert_element_type3A_80 : vector<8x1xi32> to vector<8x1xi32>
    %broadcast_in_dim3A_111 = vector.broadcast %broadcast_in_dim3A_110 : vector<8x1xi32> to vector<8x128xi32>
    %jit3A_112 = arith.constant 0 : i32
    %broadcast_in_dim3A_113 = vector.broadcast %jit3A_112 : i32 to vector<8x128xi32>
    %select_n3A_114 = arith.select %eq3A_109, %broadcast_in_dim3A_111, %broadcast_in_dim3A_113 : vector<8x128xi1>, vector<8x128xi32>
    %select_n3A_115 = arith.select %eq3A_104, %broadcast_in_dim3A_106, %select_n3A_114 : vector<8x128xi1>, vector<8x128xi32>
    %swap3A_116 = arith.constant 0 : index
    %swap3A_117 = arith.constant 0 : index
    %swap3A_118 = vector.load %arg3[%swap3A_116, %swap3A_117] : memref<8x128xi32, #tpu.memory_space<vmem>>, vector<8x128xi32>
    tpu.vector_store %arg3[%swap3A_116, %swap3A_117], %select_n3A_115 {strides = array<i32>} : memref<8x128xi32, #tpu.memory_space<vmem>>, vector<8x128xi32>,
    return
  }
}

module attributes {stable_mosaic.version = 14 : i64} {
  func.func @kwta_select1(%arg0: memref<32x4096xi32, #tpu.memory_space<vmem>>, %arg1: memref<32x128xi32, #tpu.memory_space<vmem>>, %arg2: memref<8x128xi32, #tpu.memory_space<vmem>>) attributes {dimension_semantics = [], scalar_prefetch = 0 : i64, scratch_operands = 0 : i64, tpu.core_type = #tpu.core_type<tc>} {
    %get3A = arith.constant 0 : index
    %get3A_0 = arith.constant 0 : index
    %get3A_1 = vector.load %arg0[%get3A, %get3A_0] : memref<32x4096xi32, #tpu.memory_space<vmem>>, vector<32x4096xi32>
    %convert_element_type3A = arith.sitofp %get3A_1 : vector<32x4096xi32> to vector<32x4096xf32>
    %reshape3A = vector.shape_cast %convert_element_type3A : vector<32x4096xf32> to vector<8x4x4096xf32>
    %reduce_sum3A = arith.constant dense<0.000000e+00> : vector<8x4096xf32>
    %reduce_sum3A_2 = vector.multi_reduction <add>, %reshape3A, %reduce_sum3A [1] : vector<8x4x4096xf32> to vector<8x4096xf32>
    %reshape3A_3 = vector.shape_cast %reduce_sum3A_2 : vector<8x4096xf32> to vector<8x32x128xf32>
    %reduce_sum3A_4 = arith.constant dense<0.000000e+00> : vector<8x32xf32>
    %reduce_sum3A_5 = vector.multi_reduction <add>, %reshape3A_3, %reduce_sum3A_4 [2] : vector<8x32x128xf32> to vector<8x32xf32>
    %reshape3A_6 = vector.shape_cast %reshape3A_3 : vector<8x32x128xf32> to vector<256x128xf32>
    %iota3A = tpu.iota {dimensions = array<i32: 0>} : vector<128x128xi32>
    %iota3A_7 = tpu.iota {dimensions = array<i32: 1>} : vector<128x128xi32>
    %gt3A = arith.cmpi sgt, %iota3A, %iota3A_7 : vector<128x128xi32>
    %convert_element_type3A_8 = arith.extui %gt3A : vector<128x128xi1> to vector<128x128xi32>
    %convert_element_type3A_9 = arith.sitofp %convert_element_type3A_8 : vector<128x128xi32> to vector<128x128xf32>
    %dot_general3A = arith.constant dense<0.000000e+00> : vector<256x128xf32>
    %dot_general3A_10 = tpu.matmul %reshape3A_6, %convert_element_type3A_9, %dot_general3A {dimension_numbers = #tpu.dot_dimension_numbers<[1], [0], [0], [1], [0, 0, 1, 1], [], []>, precision = #tpu.contract_precision<fp32>, transpose_lhs_hint = false} : vector<256x128xf32>, vector<128x128xf32>, vector<256x128xf32> -> vector<256x128xf32>
    %reshape3A_11 = vector.shape_cast %dot_general3A_10 : vector<256x128xf32> to vector<8x32x128xf32>
    %reshape3A_12 = vector.shape_cast %reshape3A_3 : vector<8x32x128xf32> to vector<256x128xf32>
    %iota3A_13 = tpu.iota {dimensions = array<i32: 0>} : vector<128x128xi32>
    %iota3A_14 = tpu.iota {dimensions = array<i32: 1>} : vector<128x128xi32>
    %lt3A = arith.cmpi slt, %iota3A_13, %iota3A_14 : vector<128x128xi32>
    %convert_element_type3A_15 = arith.extui %lt3A : vector<128x128xi1> to vector<128x128xi32>
    %convert_element_type3A_16 = arith.sitofp %convert_element_type3A_15 : vector<128x128xi32> to vector<128x128xf32>
    %dot_general3A_17 = arith.constant dense<0.000000e+00> : vector<256x128xf32>
    %dot_general3A_18 = tpu.matmul %reshape3A_12, %convert_element_type3A_16, %dot_general3A_17 {dimension_numbers = #tpu.dot_dimension_numbers<[1], [0], [0], [1], [0, 0, 1, 1], [], []>, precision = #tpu.contract_precision<fp32>, transpose_lhs_hint = false} : vector<256x128xf32>, vector<128x128xf32>, vector<256x128xf32> -> vector<256x128xf32>
    %reshape3A_19 = vector.shape_cast %dot_general3A_18 : vector<256x128xf32> to vector<8x32x128xf32>
    %iota3A_20 = tpu.iota {dimensions = array<i32: 0>} : vector<32x32xi32>
    %iota3A_21 = tpu.iota {dimensions = array<i32: 1>} : vector<32x32xi32>
    %lt3A_22 = arith.constant 16 : i32
    %lt3A_23 = vector.broadcast %lt3A_22 : i32 to vector<32x32xi32>
    %lt3A_24 = arith.cmpi slt, %iota3A_20, %lt3A_23 : vector<32x32xi32>
    %lt3A_25 = arith.constant 16 : i32
    %lt3A_26 = vector.broadcast %lt3A_25 : i32 to vector<32x32xi32>
    %lt3A_27 = arith.cmpi slt, %iota3A_21, %lt3A_26 : vector<32x32xi32>
    %and3A = arith.andi %lt3A_27, %lt3A_24 : vector<32x32xi1>
    %gt3A_28 = arith.cmpi sgt, %iota3A_20, %iota3A_21 : vector<32x32xi32>
    %and3A_29 = arith.andi %and3A, %gt3A_28 : vector<32x32xi1>
    %not3A = arith.constant dense<true> : vector<32x32xi1>
    %not3A_30 = arith.xori %lt3A_27, %not3A : vector<32x32xi1>
    %not3A_31 = arith.constant dense<true> : vector<32x32xi1>
    %not3A_32 = arith.xori %lt3A_24, %not3A_31 : vector<32x32xi1>
    %lt3A_33 = arith.cmpi slt, %iota3A_20, %iota3A_21 : vector<32x32xi32>
    %and3A_34 = arith.andi %not3A_32, %lt3A_33 : vector<32x32xi1>
    %or3A = arith.ori %lt3A_24, %and3A_34 : vector<32x32xi1>
    %and3A_35 = arith.andi %not3A_30, %or3A : vector<32x32xi1>
    %or3A_36 = arith.ori %and3A_29, %and3A_35 : vector<32x32xi1>
    %convert_element_type3A_37 = arith.extui %or3A_36 : vector<32x32xi1> to vector<32x32xi32>
    %convert_element_type3A_38 = arith.sitofp %convert_element_type3A_37 : vector<32x32xi32> to vector<32x32xf32>
    %dot_general3A_39 = arith.constant dense<0.000000e+00> : vector<8x32xf32>
    %dot_general3A_40 = tpu.matmul %reduce_sum3A_5, %convert_element_type3A_38, %dot_general3A_39 {dimension_numbers = #tpu.dot_dimension_numbers<[1], [0], [0], [1], [0, 0, 1, 1], [], []>, precision = #tpu.contract_precision<fp32>, transpose_lhs_hint = false} : vector<8x32xf32>, vector<32x32xf32>, vector<8x32xf32> -> vector<8x32xf32>
    %iota3A_41 = tpu.iota {dimensions = array<i32: 1>} : vector<1x32x1xi32>
    %lt3A_42 = arith.constant 16 : i32
    %lt3A_43 = vector.broadcast %lt3A_42 : i32 to vector<1x32x1xi32>
    %lt3A_44 = arith.cmpi slt, %iota3A_41, %lt3A_43 : vector<1x32x1xi32>
    %broadcast_in_dim3A = vector.shape_cast %dot_general3A_40 : vector<8x32xf32> to vector<8x32x1xf32>
    %broadcast_in_dim3A_45 = vector.shape_cast %lt3A_44 : vector<1x32x1xi1> to vector<1x32x1xi1>
    %broadcast_in_dim3A_46 = vector.broadcast %broadcast_in_dim3A_45 : vector<1x32x1xi1> to vector<8x32x128xi1>
    %select_n3A = arith.select %broadcast_in_dim3A_46, %reshape3A_11, %reshape3A_19 : vector<8x32x128xi1>, vector<8x32x128xf32>
    %add3A = vector.broadcast %broadcast_in_dim3A : vector<8x32x1xf32> to vector<8x32x128xf32>
    %add3A_47 = arith.addf %add3A, %select_n3A : vector<8x32x128xf32>
    %broadcast_in_dim3A_48 = arith.constant 4.816890e+05 : f32
    %broadcast_in_dim3A_49 = vector.broadcast %broadcast_in_dim3A_48 : f32 to vector<8x1x1xf32>
    %lt3A_50 = vector.broadcast %broadcast_in_dim3A_49 : vector<8x1x1xf32> to vector<8x32x128xf32>
    %lt3A_51 = arith.cmpf olt, %add3A_47, %lt3A_50 : vector<8x32x128xf32>
    %add3A_52 = arith.addf %add3A_47, %reshape3A_3 : vector<8x32x128xf32>
    %ge3A = vector.broadcast %broadcast_in_dim3A_49 : vector<8x1x1xf32> to vector<8x32x128xf32>
    %ge3A_53 = arith.cmpf oge, %add3A_52, %ge3A : vector<8x32x128xf32>
    %and3A_54 = arith.andi %lt3A_51, %ge3A_53 : vector<8x32x128xi1>
    %iota3A_55 = tpu.iota {dimensions = array<i32: 1>} : vector<8x32x128xi32>
    %mul3A = arith.constant 128 : i32
    %mul3A_56 = vector.broadcast %mul3A : i32 to vector<8x32x128xi32>
    %mul3A_57 = arith.muli %iota3A_55, %mul3A_56 : vector<8x32x128xi32>
    %iota3A_58 = tpu.iota {dimensions = array<i32: 2>} : vector<8x32x128xi32>
    %add3A_59 = arith.addi %mul3A_57, %iota3A_58 : vector<8x32x128xi32>
    %convert_element_type3A_60 = arith.sitofp %add3A_59 : vector<8x32x128xi32> to vector<8x32x128xf32>
    %jit3A = arith.constant 0.000000e+00 : f32
    %broadcast_in_dim3A_61 = vector.broadcast %jit3A : f32 to vector<8x32x128xf32>
    %select_n3A_62 = arith.select %and3A_54, %convert_element_type3A_60, %broadcast_in_dim3A_61 : vector<8x32x128xi1>, vector<8x32x128xf32>
    %reduce_sum3A_63 = arith.constant dense<0.000000e+00> : vector<8x32xf32>
    %reduce_sum3A_64 = vector.multi_reduction <add>, %select_n3A_62, %reduce_sum3A_63 [2] : vector<8x32x128xf32> to vector<8x32xf32>
    %reduce_sum3A_65 = arith.constant dense<0.000000e+00> : vector<8xf32>
    %reduce_sum3A_66 = vector.multi_reduction <add>, %reduce_sum3A_64, %reduce_sum3A_65 [1] : vector<8x32xf32> to vector<8xf32>
    %broadcast_in_dim3A_67 = vector.shape_cast %reduce_sum3A_66 : vector<8xf32> to vector<8x1xf32>
    %sub3A = vector.broadcast %broadcast_in_dim3A_49 : vector<8x1x1xf32> to vector<8x32x128xf32>
    %sub3A_68 = arith.subf %sub3A, %add3A_47 : vector<8x32x128xf32>
    %jit3A_69 = arith.constant 0.000000e+00 : f32
    %broadcast_in_dim3A_70 = vector.broadcast %jit3A_69 : f32 to vector<8x32x128xf32>
    %select_n3A_71 = arith.select %and3A_54, %sub3A_68, %broadcast_in_dim3A_70 : vector<8x32x128xi1>, vector<8x32x128xf32>
    %reduce_sum3A_72 = arith.constant dense<0.000000e+00> : vector<8x32xf32>
    %reduce_sum3A_73 = vector.multi_reduction <add>, %select_n3A_71, %reduce_sum3A_72 [2] : vector<8x32x128xf32> to vector<8x32xf32>
    %reduce_sum3A_74 = arith.constant dense<0.000000e+00> : vector<8xf32>
    %reduce_sum3A_75 = vector.multi_reduction <add>, %reduce_sum3A_73, %reduce_sum3A_74 [1] : vector<8x32xf32> to vector<8xf32>
    %broadcast_in_dim3A_76 = vector.shape_cast %reduce_sum3A_75 : vector<8xf32> to vector<8x1xf32>
    %convert_element_type3A_77 = arith.fptosi %broadcast_in_dim3A_67 : vector<8x1xf32> to vector<8x1xi32>
    %convert_element_type3A_78 = arith.fptosi %broadcast_in_dim3A_76 : vector<8x1xf32> to vector<8x1xi32>
    %ge3A_79 = arith.constant 2048 : i32
    %ge3A_80 = vector.broadcast %ge3A_79 : i32 to vector<8x1xi32>
    %ge3A_81 = arith.cmpi sge, %convert_element_type3A_77, %ge3A_80 : vector<8x1xi32>
    %sub3A_82 = arith.constant 4096 : i32
    %sub3A_83 = vector.broadcast %sub3A_82 : i32 to vector<8x1xi32>
    %sub3A_84 = arith.subi %convert_element_type3A_77, %sub3A_83 : vector<8x1xi32>
    %select_n3A_85 = arith.select %ge3A_81, %sub3A_84, %convert_element_type3A_77 : vector<8x1xi1>, vector<8x1xi32>
    %broadcast_in_dim3A_86 = vector.shape_cast %select_n3A_85 : vector<8x1xi32> to vector<8x1x1xi32>
    %broadcast_in_dim3A_87 = vector.shape_cast %broadcast_in_dim3A_86 : vector<8x1x1xi32> to vector<8x1x1xi32>
    %broadcast_in_dim3A_88 = vector.broadcast %broadcast_in_dim3A_87 : vector<8x1x1xi32> to vector<8x4x128xi32>
    %reshape3A_89 = vector.shape_cast %broadcast_in_dim3A_88 : vector<8x4x128xi32> to vector<32x128xi32>
    %swap3A = arith.constant 0 : index
    %swap3A_90 = arith.constant 0 : index
    %swap3A_91 = vector.load %arg1[%swap3A, %swap3A_90] : memref<32x128xi32, #tpu.memory_space<vmem>>, vector<32x128xi32>
    tpu.vector_store %arg1[%swap3A, %swap3A_90], %reshape3A_89 {strides = array<i32>} : memref<32x128xi32, #tpu.memory_space<vmem>>, vector<32x128xi32>,
    %iota3A_92 = tpu.iota {dimensions = array<i32: 1>} : vector<8x128xi32>
    %eq3A = arith.constant 0 : i32
    %eq3A_93 = vector.broadcast %eq3A : i32 to vector<8x128xi32>
    %eq3A_94 = arith.cmpi eq, %iota3A_92, %eq3A_93 : vector<8x128xi32>
    %broadcast_in_dim3A_95 = vector.shape_cast %convert_element_type3A_77 : vector<8x1xi32> to vector<8x1xi32>
    %broadcast_in_dim3A_96 = vector.broadcast %broadcast_in_dim3A_95 : vector<8x1xi32> to vector<8x128xi32>
    %eq3A_97 = arith.constant 1 : i32
    %eq3A_98 = vector.broadcast %eq3A_97 : i32 to vector<8x128xi32>
    %eq3A_99 = arith.cmpi eq, %iota3A_92, %eq3A_98 : vector<8x128xi32>
    %broadcast_in_dim3A_100 = vector.shape_cast %convert_element_type3A_78 : vector<8x1xi32> to vector<8x1xi32>
    %broadcast_in_dim3A_101 = vector.broadcast %broadcast_in_dim3A_100 : vector<8x1xi32> to vector<8x128xi32>
    %jit3A_102 = arith.constant 0 : i32
    %broadcast_in_dim3A_103 = vector.broadcast %jit3A_102 : i32 to vector<8x128xi32>
    %select_n3A_104 = arith.select %eq3A_99, %broadcast_in_dim3A_101, %broadcast_in_dim3A_103 : vector<8x128xi1>, vector<8x128xi32>
    %select_n3A_105 = arith.select %eq3A_94, %broadcast_in_dim3A_96, %select_n3A_104 : vector<8x128xi1>, vector<8x128xi32>
    %swap3A_106 = arith.constant 0 : index
    %swap3A_107 = arith.constant 0 : index
    %swap3A_108 = vector.load %arg2[%swap3A_106, %swap3A_107] : memref<8x128xi32, #tpu.memory_space<vmem>>, vector<8x128xi32>
    tpu.vector_store %arg2[%swap3A_106, %swap3A_107], %select_n3A_105 {strides = array<i32>} : memref<8x128xi32, #tpu.memory_space<vmem>>, vector<8x128xi32>,
    return
  }
}

module attributes {stable_mosaic.version = 14 : i64} {
  func.func @kwta_select3(%arg0: memref<32x256xi32, #tpu.memory_space<vmem>>, %arg1: memref<8x128xi32, #tpu.memory_space<vmem>>, %arg2: memref<8x128xf32, #tpu.memory_space<vmem>>) attributes {dimension_semantics = [], scalar_prefetch = 0 : i64, scratch_operands = 0 : i64, tpu.core_type = #tpu.core_type<tc>} {
    %get3A = arith.constant 0 : index
    %get3A_0 = arith.constant 0 : index
    %get3A_1 = vector.load %arg0[%get3A, %get3A_0] : memref<32x256xi32, #tpu.memory_space<vmem>>, vector<32x256xi32>
    %convert_element_type3A = arith.sitofp %get3A_1 : vector<32x256xi32> to vector<32x256xf32>
    %reshape3A = vector.shape_cast %convert_element_type3A : vector<32x256xf32> to vector<8x4x256xf32>
    %reduce_sum3A = arith.constant dense<0.000000e+00> : vector<8x256xf32>
    %reduce_sum3A_2 = vector.multi_reduction <add>, %reshape3A, %reduce_sum3A [1] : vector<8x4x256xf32> to vector<8x256xf32>
    %reshape3A_3 = vector.shape_cast %reduce_sum3A_2 : vector<8x256xf32> to vector<8x2x128xf32>
    %reduce_sum3A_4 = arith.constant dense<0.000000e+00> : vector<8x2xf32>
    %reduce_sum3A_5 = vector.multi_reduction <add>, %reshape3A_3, %reduce_sum3A_4 [2] : vector<8x2x128xf32> to vector<8x2xf32>
    %reshape3A_6 = vector.shape_cast %reshape3A_3 : vector<8x2x128xf32> to vector<16x128xf32>
    %iota3A = tpu.iota {dimensions = array<i32: 0>} : vector<128x128xi32>
    %iota3A_7 = tpu.iota {dimensions = array<i32: 1>} : vector<128x128xi32>
    %gt3A = arith.cmpi sgt, %iota3A, %iota3A_7 : vector<128x128xi32>
    %convert_element_type3A_8 = arith.extui %gt3A : vector<128x128xi1> to vector<128x128xi32>
    %convert_element_type3A_9 = arith.sitofp %convert_element_type3A_8 : vector<128x128xi32> to vector<128x128xf32>
    %dot_general3A = arith.constant dense<0.000000e+00> : vector<16x128xf32>
    %dot_general3A_10 = tpu.matmul %reshape3A_6, %convert_element_type3A_9, %dot_general3A {dimension_numbers = #tpu.dot_dimension_numbers<[1], [0], [0], [1], [0, 0, 1, 1], [], []>, precision = #tpu.contract_precision<fp32>, transpose_lhs_hint = false} : vector<16x128xf32>, vector<128x128xf32>, vector<16x128xf32> -> vector<16x128xf32>
    %reshape3A_11 = vector.shape_cast %dot_general3A_10 : vector<16x128xf32> to vector<8x2x128xf32>
    %reshape3A_12 = vector.shape_cast %reshape3A_3 : vector<8x2x128xf32> to vector<16x128xf32>
    %iota3A_13 = tpu.iota {dimensions = array<i32: 0>} : vector<128x128xi32>
    %iota3A_14 = tpu.iota {dimensions = array<i32: 1>} : vector<128x128xi32>
    %lt3A = arith.cmpi slt, %iota3A_13, %iota3A_14 : vector<128x128xi32>
    %convert_element_type3A_15 = arith.extui %lt3A : vector<128x128xi1> to vector<128x128xi32>
    %convert_element_type3A_16 = arith.sitofp %convert_element_type3A_15 : vector<128x128xi32> to vector<128x128xf32>
    %dot_general3A_17 = arith.constant dense<0.000000e+00> : vector<16x128xf32>
    %dot_general3A_18 = tpu.matmul %reshape3A_12, %convert_element_type3A_16, %dot_general3A_17 {dimension_numbers = #tpu.dot_dimension_numbers<[1], [0], [0], [1], [0, 0, 1, 1], [], []>, precision = #tpu.contract_precision<fp32>, transpose_lhs_hint = false} : vector<16x128xf32>, vector<128x128xf32>, vector<16x128xf32> -> vector<16x128xf32>
    %reshape3A_19 = vector.shape_cast %dot_general3A_18 : vector<16x128xf32> to vector<8x2x128xf32>
    %iota3A_20 = tpu.iota {dimensions = array<i32: 0>} : vector<2x2xi32>
    %iota3A_21 = tpu.iota {dimensions = array<i32: 1>} : vector<2x2xi32>
    %gt3A_22 = arith.cmpi sgt, %iota3A_20, %iota3A_21 : vector<2x2xi32>
    %convert_element_type3A_23 = arith.extui %gt3A_22 : vector<2x2xi1> to vector<2x2xi32>
    %convert_element_type3A_24 = arith.sitofp %convert_element_type3A_23 : vector<2x2xi32> to vector<2x2xf32>
    %dot_general3A_25 = arith.constant dense<0.000000e+00> : vector<8x2xf32>
    %dot_general3A_26 = tpu.matmul %reduce_sum3A_5, %convert_element_type3A_24, %dot_general3A_25 {dimension_numbers = #tpu.dot_dimension_numbers<[1], [0], [0], [1], [0, 0, 1, 1], [], []>, precision = #tpu.contract_precision<fp32>, transpose_lhs_hint = false} : vector<8x2xf32>, vector<2x2xf32>, vector<8x2xf32> -> vector<8x2xf32>
    %iota3A_27 = tpu.iota {dimensions = array<i32: 0>} : vector<2x2xi32>
    %iota3A_28 = tpu.iota {dimensions = array<i32: 1>} : vector<2x2xi32>
    %lt3A_29 = arith.cmpi slt, %iota3A_27, %iota3A_28 : vector<2x2xi32>
    %convert_element_type3A_30 = arith.extui %lt3A_29 : vector<2x2xi1> to vector<2x2xi32>
    %convert_element_type3A_31 = arith.sitofp %convert_element_type3A_30 : vector<2x2xi32> to vector<2x2xf32>
    %dot_general3A_32 = arith.constant dense<0.000000e+00> : vector<8x2xf32>
    %dot_general3A_33 = tpu.matmul %reduce_sum3A_5, %convert_element_type3A_31, %dot_general3A_32 {dimension_numbers = #tpu.dot_dimension_numbers<[1], [0], [0], [1], [0, 0, 1, 1], [], []>, precision = #tpu.contract_precision<fp32>, transpose_lhs_hint = false} : vector<8x2xf32>, vector<2x2xf32>, vector<8x2xf32> -> vector<8x2xf32>
    %get3A_34 = arith.constant 0 : index
    %get3A_35 = arith.constant 0 : index
    %get3A_36 = vector.load %arg1[%get3A_34, %get3A_35] : memref<8x128xi32, #tpu.memory_space<vmem>>, vector<8x128xi32>
    %slice3A = vector.extract_strided_slice %get3A_36 {offsets = [0, 0], sizes = [8, 1], strides = [1, 1]} : vector<8x128xi32> to vector<8x1xi32>
    %ge3A = arith.constant 8388608 : i32
    %ge3A_37 = vector.broadcast %ge3A : i32 to vector<8x1xi32>
    %ge3A_38 = arith.cmpi sge, %slice3A, %ge3A_37 : vector<8x1xi32>
    %broadcast_in_dim3A = vector.shape_cast %ge3A_38 : vector<8x1xi1> to vector<8x1x1xi1>
    %broadcast_in_dim3A_39 = vector.shape_cast %dot_general3A_33 : vector<8x2xf32> to vector<8x2x1xf32>
    %add3A = vector.broadcast %broadcast_in_dim3A_39 : vector<8x2x1xf32> to vector<8x2x128xf32>
    %add3A_40 = arith.addf %add3A, %reshape3A_19 : vector<8x2x128xf32>
    %broadcast_in_dim3A_41 = vector.shape_cast %dot_general3A_26 : vector<8x2xf32> to vector<8x2x1xf32>
    %add3A_42 = vector.broadcast %broadcast_in_dim3A_41 : vector<8x2x1xf32> to vector<8x2x128xf32>
    %add3A_43 = arith.addf %add3A_42, %reshape3A_11 : vector<8x2x128xf32>
    %broadcast_in_dim3A_44 = vector.shape_cast %broadcast_in_dim3A : vector<8x1x1xi1> to vector<8x1x1xi1>
    %broadcast_in_dim3A_45 = vector.broadcast %broadcast_in_dim3A_44 : vector<8x1x1xi1> to vector<8x2x128xi1>
    %select_n3A = arith.select %broadcast_in_dim3A_45, %add3A_40, %add3A_43 : vector<8x2x128xi1>, vector<8x2x128xf32>
    %get3A_46 = arith.constant 0 : index
    %get3A_47 = arith.constant 0 : index
    %get3A_48 = vector.load %arg1[%get3A_46, %get3A_47] : memref<8x128xi32, #tpu.memory_space<vmem>>, vector<8x128xi32>
    %slice3A_49 = vector.extract_strided_slice %get3A_48 {offsets = [0, 1], sizes = [8, 1], strides = [1, 1]} : vector<8x128xi32> to vector<8x1xi32>
    %convert_element_type3A_50 = arith.sitofp %slice3A_49 : vector<8x1xi32> to vector<8x1xf32>
    %broadcast_in_dim3A_51 = vector.shape_cast %convert_element_type3A_50 : vector<8x1xf32> to vector<8x1x1xf32>
    %lt3A_52 = vector.broadcast %broadcast_in_dim3A_51 : vector<8x1x1xf32> to vector<8x2x128xf32>
    %lt3A_53 = arith.cmpf olt, %select_n3A, %lt3A_52 : vector<8x2x128xf32>
    %add3A_54 = arith.addf %select_n3A, %reshape3A_3 : vector<8x2x128xf32>
    %ge3A_55 = vector.broadcast %broadcast_in_dim3A_51 : vector<8x1x1xf32> to vector<8x2x128xf32>
    %ge3A_56 = arith.cmpf oge, %add3A_54, %ge3A_55 : vector<8x2x128xf32>
    %and3A = arith.andi %lt3A_53, %ge3A_56 : vector<8x2x128xi1>
    %iota3A_57 = tpu.iota {dimensions = array<i32: 1>} : vector<8x2x128xi32>
    %mul3A = arith.constant 128 : i32
    %mul3A_58 = vector.broadcast %mul3A : i32 to vector<8x2x128xi32>
    %mul3A_59 = arith.muli %iota3A_57, %mul3A_58 : vector<8x2x128xi32>
    %iota3A_60 = tpu.iota {dimensions = array<i32: 2>} : vector<8x2x128xi32>
    %add3A_61 = arith.addi %mul3A_59, %iota3A_60 : vector<8x2x128xi32>
    %convert_element_type3A_62 = arith.sitofp %add3A_61 : vector<8x2x128xi32> to vector<8x2x128xf32>
    %jit3A = arith.constant 0.000000e+00 : f32
    %broadcast_in_dim3A_63 = vector.broadcast %jit3A : f32 to vector<8x2x128xf32>
    %select_n3A_64 = arith.select %and3A, %convert_element_type3A_62, %broadcast_in_dim3A_63 : vector<8x2x128xi1>, vector<8x2x128xf32>
    %reduce_sum3A_65 = arith.constant dense<0.000000e+00> : vector<8x2xf32>
    %reduce_sum3A_66 = vector.multi_reduction <add>, %select_n3A_64, %reduce_sum3A_65 [2] : vector<8x2x128xf32> to vector<8x2xf32>
    %reduce_sum3A_67 = arith.constant dense<0.000000e+00> : vector<8xf32>
    %reduce_sum3A_68 = vector.multi_reduction <add>, %reduce_sum3A_66, %reduce_sum3A_67 [1] : vector<8x2xf32> to vector<8xf32>
    %broadcast_in_dim3A_69 = vector.shape_cast %reduce_sum3A_68 : vector<8xf32> to vector<8x1xf32>
    %convert_element_type3A_70 = arith.fptosi %broadcast_in_dim3A_69 : vector<8x1xf32> to vector<8x1xi32>
    %get3A_71 = arith.constant 0 : index
    %get3A_72 = arith.constant 0 : index
    %get3A_73 = vector.load %arg1[%get3A_71, %get3A_72] : memref<8x128xi32, #tpu.memory_space<vmem>>, vector<8x128xi32>
    %slice3A_74 = vector.extract_strided_slice %get3A_73 {offsets = [0, 0], sizes = [8, 1], strides = [1, 1]} : vector<8x128xi32> to vector<8x1xi32>
    %mul3A_75 = arith.constant 256 : i32
    %mul3A_76 = vector.broadcast %mul3A_75 : i32 to vector<8x1xi32>
    %mul3A_77 = arith.muli %slice3A_74, %mul3A_76 : vector<8x1xi32>
    %add3A_78 = arith.addi %mul3A_77, %convert_element_type3A_70 : vector<8x1xi32>
    %bitcast_convert_type3A = tpu.bitcast %add3A_78 : vector<8x1xi32> -> vector<8x1xf32>
    %broadcast_in_dim3A_79 = vector.shape_cast %bitcast_convert_type3A : vector<8x1xf32> to vector<8x1xf32>
    %broadcast_in_dim3A_80 = vector.broadcast %broadcast_in_dim3A_79 : vector<8x1xf32> to vector<8x128xf32>
    %swap3A = arith.constant 0 : index
    %swap3A_81 = arith.constant 0 : index
    %swap3A_82 = vector.load %arg2[%swap3A, %swap3A_81] : memref<8x128xf32, #tpu.memory_space<vmem>>, vector<8x128xf32>
    tpu.vector_store %arg2[%swap3A, %swap3A_81], %broadcast_in_dim3A_80 {strides = array<i32>} : memref<8x128xf32, #tpu.memory_space<vmem>>, vector<8x128xf32>,
    return
  }
}

module attributes {stable_mosaic.version = 14 : i64} {
  func.func @kwta_mask(%arg0: i32, %arg1: i32, %arg2: memref<8x128xf32, #tpu.memory_space<vmem>>, %arg3: memref<1x24x224x224xf32, #tpu.memory_space<vmem>>, %arg4: memref<1x24x224x224xf32, #tpu.memory_space<vmem>>) attributes {dimension_semantics = [#tpu.dimension_semantics<arbitrary>, #tpu.dimension_semantics<arbitrary>], iteration_bounds = array<i64: 8, 4>, scalar_prefetch = 0 : i64, scratch_operands = 0 : i64, tpu.core_type = #tpu.core_type<tc>, window_params = [{pipeline_mode = #tpu.pipeline_mode<synchronous>, transform_indices = @transform_0, window_bounds = array<i64: 8, 128>}, {transform_indices = @transform_1, window_bounds = array<i64: 1, 24, 224, 224>}, {transform_indices = @transform_2, window_bounds = array<i64: 1, 24, 224, 224>}]} {
    %get3A = arith.index_cast %arg0 : i32 to index
    %get3A_0 = arith.constant 0 : index
    %get3A_1 = vector.load %arg2[%get3A, %get3A_0] : memref<8x128xf32, #tpu.memory_space<vmem>>, vector<1x1xf32>
    %get3A_2 = vector.extract %get3A_1[0, 0] : f32 from vector<1x1xf32>
    %get3A_3 = arith.constant 0 : index
    %get3A_4 = arith.constant 0 : index
    %get3A_5 = arith.constant 0 : index
    %get3A_6 = arith.constant 0 : index
    %get3A_7 = vector.load %arg3[%get3A_3, %get3A_4, %get3A_5, %get3A_6] : memref<1x24x224x224xf32, #tpu.memory_space<vmem>>, vector<1x24x224x224xf32>
    %ge3A = vector.broadcast %get3A_2 : f32 to vector<1x24x224x224xf32>
    %ge3A_8 = arith.cmpf oge, %get3A_7, %ge3A : vector<1x24x224x224xf32>
    %jit3A = arith.constant 0.000000e+00 : f32
    %broadcast_in_dim3A = vector.broadcast %jit3A : f32 to vector<1x24x224x224xf32>
    %select_n3A = arith.select %ge3A_8, %get3A_7, %broadcast_in_dim3A : vector<1x24x224x224xi1>, vector<1x24x224x224xf32>
    %swap3A = arith.constant 0 : index
    %swap3A_9 = arith.constant 0 : index
    %swap3A_10 = arith.constant 0 : index
    %swap3A_11 = arith.constant 0 : index
    %swap3A_12 = vector.load %arg4[%swap3A, %swap3A_9, %swap3A_10, %swap3A_11] : memref<1x24x224x224xf32, #tpu.memory_space<vmem>>, vector<1x24x224x224xf32>
    tpu.vector_store %arg4[%swap3A, %swap3A_9, %swap3A_10, %swap3A_11], %select_n3A {strides = array<i32>} : memref<1x24x224x224xf32, #tpu.memory_space<vmem>>, vector<1x24x224x224xf32>,
    return
  }
  func.func @transform_0(%arg0: i32, %arg1: i32) -> (i32, i32) {
    %c0_i32 = arith.constant 0 : i32
    %c0_i32_0 = arith.constant 0 : i32
    %c0_i32_1 = arith.constant 0 : i32
    return %c0_i32, %c0_i32_0 : i32, i32
  }
  func.func @transform_1(%arg0: i32, %arg1: i32) -> (i32, i32, i32, i32) {
    %c0_i32 = arith.constant 0 : i32
    %c0_i32_0 = arith.constant 0 : i32
    %c0_i32_1 = arith.constant 0 : i32
    return %arg0, %arg1, %c0_i32, %c0_i32_0 : i32, i32, i32, i32
  }
  func.func @transform_2(%arg0: i32, %arg1: i32) -> (i32, i32, i32, i32) {
    %c0_i32 = arith.constant 0 : i32
    %c0_i32_0 = arith.constant 0 : i32
    %c0_i32_1 = arith.constant 0 : i32
    return %arg0, %arg1, %c0_i32, %c0_i32_0 : i32, i32, i32, i32
  }
}

</mosaic_0001>

<sc_bundles>
// kernel: kwta_hist1.3.cloned.1.call-start
scs
__scs_entry_jumppad:
0x0: {  	(pc) =	sbr.rel $0x88, $3  }
0x1: {  	(tag) =	ssettag $0x0;
	lr =	simm.s32 $0x1  }
0x2: {  	[smem:$0x3FA0] =	sst lr;
	_ =	strace $0xD0000000  }
0x3: {  	_ = 	snop  }
0x4: {  	_ = 	snop  }
0x5: {  	_ = 	snop  }
0x6: {  	_ = 	snop  }
0x7: {  	_ = 	snop  }
__scs_overlays_trampoline_lowered:
0x8: {  	[smem:$0x3FAF] =	sst s0  }
0x9: {  	[smem:$0x3FB0] =	sst s1  }
0xa: {  	[smem:$0x3FB1] =	sst s2  }
0xb: {  	[smem:$0x3FB2] =	sst s3  }
0xc: {  	[smem:$0x3FB3] =	sst s4  }
0xd: {  	[smem:$0x3FB4] =	sst s5  }
0xe: {  	[smem:$0x3FB5] =	sst s6  }
0xf: {  	[smem:$0x3FB6] =	sst s7  }
0x10: {  	[smem:$0x3FB7] =	sst s8  }
0x11: {  	[smem:$0x3FB8] =	sst s9;
	s0 =	simm.s32 @!p0 $0x0  }
0x12: {  	s1 =	sld [smem:$0x3F9E];
	s0 =	simm.s32 @p0 $0x1  }
0x13: {  	[smem:$0x3FB9] =	sst s0;
	s0 =	simm.s32 @!p1 $0x0  }
0x14: {  	s2 =	sld [smem:$0x3F9D];
	s0 =	simm.s32 @p1 $0x1  }
0x15: {  	[smem:$0x3FBA] =	sst s0;
	s0 =	simm.s32 @!p2 $0x0  }
0x16: {  	s3 =	sld [smem:$0x3FDB];
	s0 =	simm.s32 @p2 $0x1  }
0x17: {  	s4 =	simm.s32 $0x1BF5;
	[smem:$0x3FBC] =	sst s0  }
0x18: {  	s0 =	sld [smem:$0x3F9F];
	_ =	swait.ge [sflag:s4], $0x0  }
0x19: {  	s7 =	sld [smem:$0x3FA0]  }
0x1a: {  	s8 =	sadd.s32 $0xFFFFE003, lr  }
0x1b: {  	s9 =	sadd.s32 $0xFFFFFEF7, lr;
	s5 =	simm.s32 $0xFFFFFFFF;
	p2 =	slt.u32 s8, $0xFFFFF086  }
0x1c: {  	p1 =	slt.u32 s9, $0xF7A;
	s5 =	simm.s32 @!p2 $0x0  }
0x1d: {  	s5 =	simm.s32 @p1 $0x1;
	p0 =	seq.s32 s7, s2  }
0x1e: {  	s7 =	smul.u32 @!p0 $0xF7A, s2;
	p2 =	seq.s32 @!p0 s5, $0x0  }
0x1f: {  	s9 =	smul.u32 $0xF7A, s1;
	s8 =	simm.s32 @!p0 $0x1BF5;
	p2 =	por !p2, p0  }
0x20: {  	[sflag:s8] =	ssyncset.s32 @!p0 $0xFFFFF086;
	s6 =	sadd.s32 @!p0 s3, s7;
	s7 =	simm.s32 @!p0 $0x108  }
0x21: {  	s3 =	sadd.s32 s3, s9;
	s6 =	sadd.s32 @!p0 $0x88, s6;
	s7 =	simm.s32 @p2 $0x1082  }
0x22: {  	[simem:s7], [sflag:s8] =	dma.local @!p0 [hbm:s6], $0xF7A  }
0x23: {  	s9 =	sor.u32 $0xD0000000, s2;
	s6 =	simm.s32 $0x108;
	_ =	swait.ge @!p0 [sflag:s8], $0x0  }
0x24: {  	s3 =	sadd.s32 $0x88, s3;
	s6 =	simm.s32 @!p1 $0x1082;
	[sflag:s4] =	ssyncset.s32 $0xFFFFF086  }
0x25: {  	[simem:s6], [sflag:s4] =	dma.local [hbm:s3], $0xF7A  }
0x26: {  	[smem:$0x3FA0] =	sst s1;
	(tag) =	ssettag s2;
	_ =	strace s9  }
0x27: {  	s1 =	sld [smem:$0x3FB0]  }
0x28: {  	s2 =	sld [smem:$0x3FB1]  }
0x29: {  	s4 =	sld [smem:$0x3FB3]  }
0x2a: {  	p0 =	seq.s32 s5, $0x0;
	s5 =	sld [smem:$0x3FB4]  }
0x2b: {  	s6 =	sld [smem:$0x3FB5]  }
0x2c: {  	s7 =	sld [smem:$0x3FB6]  }
0x2d: {  	s3 =	simm.s32 $0x108;
	s8 =	sld [smem:$0x3FB7]  }
0x2e: {  	s3 =	simm.s32 @!p0 $0x1082;
	s9 =	sld [smem:$0x3FB8]  }
0x2f: {  	lr =	sadd.s32 s0, s3;
	s0 =	sld [smem:$0x3FAF]  }
0x30: {  	s3 =	sld [smem:$0x3FB2]  }
0x31: {  	[smem:$0x3FBB] =	sst s10  }
0x32: {  	s10 =	sld [smem:$0x3FB9];
	_ =	sdelay $0x3  }
0x33: {  	p0 =	seq.s32 s10, $0x1;
	s10 =	sld [smem:$0x3FBB];
	_ =	sdelay $0x3  }
0x34: {  	[smem:$0x3FBB] =	sst s10  }
0x35: {  	s10 =	sld [smem:$0x3FBA];
	_ =	sdelay $0x3  }
0x36: {  	p1 =	seq.s32 s10, $0x1;
	s10 =	sld [smem:$0x3FBB];
	_ =	sdelay $0x3  }
0x37: {  	[smem:$0x3FBB] =	sst s10  }
0x38: {  	s10 =	sld [smem:$0x3FBC]  }
0x39: {  	_ = 	snop;
	(pc) =	sbr.ind lr, $3  }
0x3a: {  	_ = 	snop  }
0x3b: {  	_ = 	snop  }
0x3c: {  	p2 =	seq.s32 s10, $0x1;
	s10 =	sld [smem:$0x3FBB]  }
0x3d: {  	_ =	shalt  }
0x3e: {  	_ =	shalt  }
0x3f: {  	_ =	shalt  }
0x40: {  	_ =	shalt  }
0x41: {  	_ =	shalt  }
0x42: {  	_ =	shalt  }
0x43: {  	_ =	shalt  }
0x44: {  	_ =	shalt  }
0x45: {  	_ =	shalt  }
0x46: {  	_ =	shalt  }
0x47: {  	_ =	shalt  }
0x48: {  	_ =	shalt  }
0x49: {  	_ =	shalt  }
0x4a: {  	_ =	shalt  }
0x4b: {  	_ =	shalt  }
0x4c: {  	_ =	shalt  }
0x4d: {  	_ =	shalt  }
0x4e: {  	_ =	shalt  }
0x4f: {  	_ =	shalt  }
0x50: {  	_ =	shalt  }
0x51: {  	_ =	shalt  }
0x52: {  	_ =	shalt  }
0x53: {  	_ =	shalt  }
0x54: {  	_ =	shalt  }
0x55: {  	_ =	shalt  }
0x56: {  	_ =	shalt  }
0x57: {  	_ =	shalt  }
0x58: {  	_ =	shalt  }
0x59: {  	_ =	shalt  }
0x5a: {  	_ =	shalt  }
0x5b: {  	_ =	shalt  }
0x5c: {  	_ =	shalt  }
0x5d: {  	_ =	shalt  }
0x5e: {  	_ =	shalt  }
0x5f: {  	_ =	shalt  }
0x60: {  	_ =	shalt  }
0x61: {  	_ =	shalt  }
0x62: {  	_ =	shalt  }
0x63: {  	_ =	shalt  }
0x64: {  	_ =	shalt  }
0x65: {  	_ =	shalt  }
0x66: {  	_ =	shalt  }
0x67: {  	_ =	shalt  }
0x68: {  	_ =	shalt  }
0x69: {  	_ =	shalt  }
0x6a: {  	_ =	shalt  }
0x6b: {  	_ =	shalt  }
0x6c: {  	_ =	shalt  }
0x6d: {  	_ =	shalt  }
0x6e: {  	_ =	shalt  }
0x6f: {  	_ =	shalt  }
0x70: {  	_ =	shalt  }
0x71: {  	_ =	shalt  }
0x72: {  	_ =	shalt  }
0x73: {  	_ =	shalt  }
0x74: {  	_ =	shalt  }
0x75: {  	_ =	shalt  }
0x76: {  	_ =	shalt  }
0x77: {  	_ =	shalt  }
0x78: {  	_ =	shalt  }
0x79: {  	_ =	shalt  }
0x7a: {  	_ =	shalt  }
0x7b: {  	_ =	shalt  }
0x7c: {  	_ =	shalt  }
0x7d: {  	_ =	shalt  }
0x7e: {  	_ =	shalt  }
0x7f: {  	_ =	shalt  }
0x80: {  	_ =	shalt  }
0x81: {  	_ =	shalt  }
0x82: {  	_ =	shalt  }
0x83: {  	_ =	shalt  }
0x84: {  	_ =	shalt  }
0x85: {  	_ =	shalt  }
0x86: {  	_ =	shalt  }
0x87: {  	_ =	shalt  }
.Lfunc_end0:
.L_simem_size_0:
called_computation_lowered:
.L_overlay_start_0:
0x88: {  	s2 =	sld [smem:$0x3FD9]  }
0x89: {  	s3 =	sld [smem:$0x3FFE];
	_ =	sdelay $0x1  }
0x8a: {  	s1 =	srdreg.scid  }
0x8b: {  	s0 =	sand.u32 $0x1, s1  }
0x8c: {  	s17 =	sshll.u32 s0, $0xA;
	s2 =	sadd.s32 s3, s2  }
0x8d: {  	s2 =	sadd.s32 s2, s17  }
0x8e: {  	[smem:$0x3FC7] =	sst s2  }
0x8f: {  	_ = 	snop  }
0x90: {  	s2 =	sld [smem:$0x3FD0];
	(tm) =	ssettm $0x1  }
0x91: {  	s18 =	sld [smem:$0x3FFB];
	_ =	sdelay $0x3  }
0x92: {  	_ =	strace s18  }
0x93: {  	s3 =	sld [smem:$0x3FFC];
	_ =	sdelay $0x3  }
0x94: {  	_ =	strace s3  }
0x95: {  	s3 =	sld [smem:$0x3FFD];
	_ =	sdelay $0x3  }
0x96: {  	_ =	strace s3  }
0x97: {  	_ =	strace $0x8FFFFFFF  }
0x98: {  	s19 =	sld [smem:$0x3FDB];
	_ =	sdelay $0x1  }
0x99: {  	s4 =	simm.s32 $_scs_section_size  }
0x9a: {  	s5 =	simm.s32 $_size__tile_overlayer_lowered;
	s6 =	simm.s32 $_tile_overlayer_lowered  }
0x9b: {  	s22 =	simm.s32 $0x1BFF;
	s21 =	sshll.u32 s6, $0x1;
	s3 =	sadd.s32 s4, s19  }
0x9c: {  	s7 =	simm.s32 $0x0;
	s20 =	sshll.u32 s5, $0x1;
	s5 =	sadd.s32 s21, s3  }
0x9d: {  	[timem:s7], [sflag:s22] =	dma.local [hbm:s5], s20  }
0x9e: {  	_ =	swait.ge [sflag:s22], s20  }
0x9f: {  	s4 =	ssub.s32 $0x0, s20;
	[sflag:s22] =	ssyncset.done $0x0  }
0xa0: {  	[sflag:s22] =	ssyncadd.s32 s4;
	_ =	sdelay $0x1  }
0xa1: {  	s23 =	simm.s32 $0x1B8B  }
0xa2: {  	_ =	swait.ge [sflag:s23], $0x1  }
0xa3: {  	[sflag:s23] =	ssyncset.done $0x0  }
0xa4: {  	s25 =	simm.s32 $0x1B8E;
	s24 =	sld [smem:$0x3FFE];
	[sflag:s23] =	ssyncadd.s32 $0xFFFFFFFF  }
0xa5: {  	s26 =	simm.s32 $execute0_lowered;
	[smem:$0x3FD2] =	sst s25  }
0xa6: {  	s5 =	sshll.u32 s26, $0x1;
	_ =	strace $0x80000046;
	[dreg:$0x1] =	wrdreg $0xFFFFFFFF  }
0xa7: {  	s28 =	simm.s32 $_size_execute0_lowered;
	s3 =	sadd.s32 s3, s5;
	[dreg:$0x0] =	wrdreg $0x0  }
0xa8: {  	s5 =	sshll.u32 s28, $0x1;
	[dreg:$0x2] =	wrdreg s3  }
0xa9: {  	[dreg:$0x3] =	wrdreg s5  }
0xaa: {  	[dreg:$0x4] =	wrdreg $0xC0  }
0xab: {  	_ =	task [dreg:s7], $0x5FFFF  }
0xac: {  	[dreg:$0x1] =	wrdreg $0xFFFFFFFF  }
0xad: {  	[dreg:$0x0] =	wrdreg $0x60  }
0xae: {  	[dreg:$0x2] =	wrdreg s2  }
0xaf: {  	[dreg:$0x3] =	wrdreg s24  }
0xb0: {  	[dreg:$0x4] =	wrdreg $0x9  }
0xb1: {  	_ =	task.clear_ibuf [dreg:s7], $0x5FFFF;
	_ =	strace $0x90000046  }
0xb2: {  	s29 =	simm.s32 $0x9;
	_ =	strace $0x80000048  }
0xb3: {  	_ =	swait.ge [sflag:s29], $0x1  }
0xb4: {  	[sflag:s29] =	ssyncadd.s32 $0xFFFFFFFF  }
0xb5: {  	_ =	strace $0x90000048  }
0xb6: {  	_ =	sfence  }
0xb7: {  	s30 =	sld [smem:$0x0];
	_ =	sdelay $0x2  }
0xb8: {  	s31 =	sshll.u32 s1, $0xD;
	s1 =	sshrl.u32 s1, $0x2  }
0xb9: {  	s3 =	sand.u32 $0x4000, s31;
	s1 =	sadd.s32 s1, s30  }
0xba: {  	s0 =	sor.u32 s3, s0;
	s1 =	sshll.u32 s1, $0x11  }
0xbb: {  	s0 =	sor.u32 s1, s0  }
0xbc: {  	s0 =	sadd.s32 $0x8F2B, s0  }
0xbd: {  	[sflag:s0] =	ssyncadd.remote.s32 $0x1  }
0xbe: {  	_ =	sfence.sel $0xFFFF  }
0xbf: {  	[dreg:$0x0] =	wrdreg $0xFFFFFFFF;
	(pc) =	sbr.abs _section_cstart, $3  }
0xc0: {  	[dreg:$0x1] =	wrdreg $0xFFFFFFFF  }
0xc1: {  	_ =	task.clear_ibuf [dreg:s7], $0x2FFFF;
	_ =	strace $0x9FFFFFFF  }
0xc2: {  	(tm) =	ssettm $0x7FFFFFFF  }
0xc3: {  	_ =	shalt  }
tec
execute0_lowered:
.L_overlay_start_1:
0x0: {  	(tag) =	ssettag $0x1  }
0x1: {  	s1 =	srdreg.scid;
	s2 =	rddreg [dreg:$0x0]  }
0x2: {  	s0 =	stileid.u32;
	s5 =	rddreg [dreg:$0x1];
	s3 =	simm.s32 $0x0  }
0x3: {  	s12 =	simm.s32 $0x2000;
	s13 =	simm.s32 $0x4000;
	s14 =	simm.s32 $0x1  }
0x4: {  	s15 =	simm.s32 $0x6000;
	s16 =	simm.s32 $0x2;
	s17 =	simm.s32 $0x3  }
0x5: {  	v0 =	vlaneseq.u32;
	s18 =	simm.s32 $0x16000;
	s19 =	simm.s32 $0x4;
	s20 =	simm.s32 $0x0  }
0x6: {  	s4 =	sand.u32 $0x1, s1;
	s30 =	sshll.u32 s0, $0x1;
	s1 =	rddreg [dreg:$0x2];
	v1 =	vmul.u32 $0x10, v0  }
0x7: {  	v2 =	vimm.s32 $0x0;
	v3 =	vimm.s32 $0x1;
	[smem:$0x7FF] =	sst s3;
	s6 =	sor.u32 s4, s30;
	s7 =	ssub.s32 $0x2, s4  }
0x8: {  	s9 =	smul.u32 $0x126000, s6;
	s6 =	sshll.u32 s6, $0x9;
	s8 =	sshrl.u32 s7, $0x1;
	v4 =	vor.u32 $0x1, v1;
	v5 =	vor.u32 $0x2, v1;
	v6 =	vor.u32 $0x3, v1  }
0x9: {  	_ =	strace $0x80000047;
	v7 =	vor.u32 $0x4, v1;
	v8 =	vor.u32 $0x5, v1;
	v9 =	vor.u32 $0x6, v1;
	s10 =	sadd.s32 s6, s5;
	s11 =	ssub.s32 s7, s8  }
0xa: {  	v10 =	vor.u32 $0x7, v1;
	v11 =	vor.u32 $0x8, v1;
	v12 =	vor.u32 $0x9, v1;
	s31 =	sshrl.u32 s9, $0x3;
	s7 =	sadd.s32 $0x6000, s9;
	s8 =	sadd.s32 $0x8000, s9  }
0xb: {  	v13 =	vor.u32 $0xA, v1;
	v14 =	vor.u32 $0xB, v1;
	v15 =	vor.u32 $0xC, v1;
	s9 =	sadd.s32 $0xA000, s9;
	s10 =	sadd.s32 $0x1400, s10;
	s4 =	sadd.s32 s2, s31  }
0xc: {  	v16 =	vor.u32 $0xD, v1;
	v17 =	vor.u32 $0xE, v1;
	v18 =	vor.u32 $0xF, v1;
	s11 =	smax.u32 s11, $0x1;
	s5 =	sadd.s32 $0x400, s4;
	s6 =	sadd.s32 $0x800, s4  }
.LBB2_1:
0xd: {  	s21 =	simm.s32 $0x6040  }
0xe: {  	[tilespmem:s21+$0xFFFFFFC0] =	vst v2  }
0xf: {  	[tilespmem:s21+$0x30] =	vst v2  }
0x10: {  	[tilespmem:s21+$0x20] =	vst v2  }
0x11: {  	[tilespmem:s21+$0x10] =	vst v2  }
0x12: {  	[tilespmem:s21+$0x0] =	vst v2  }
0x13: {  	[tilespmem:s21+$0xFFFFFFF0] =	vst v2  }
0x14: {  	s22 =	simm.s32 $0x0;
	[tilespmem:s21+$0xFFFFFFE0] =	vst v2  }
.LBB2_2:
0x15: {  	s22 =	sadd.s32 $0x80, s22;
	[tilespmem:s21+$0xFFFFFFD0] =	vst v2;
	s21 =	sadd.s32 $0x80, s21  }
0x16: {  	[tilespmem:s21+$0xFFFFFFC0] =	vst v2;
	p0 =	slt.u32 s22, $0xFF80  }
0x17: {  	[tilespmem:s21+$0x30] =	vst v2  }
.Ltmp0:
0x18: {  	[tilespmem:s21+$0x20] =	vst v2;
	(pc) =	sbr.rel @p0 .LBB2_2-.Ltmp0, $4  }
0x19: {  	[tilespmem:s21+$0x10] =	vst v2  }
0x1a: {  	[tilespmem:s21+$0x0] =	vst v2  }
0x1b: {  	[tilespmem:s21+$0xFFFFFFF0] =	vst v2  }
0x1c: {  	[tilespmem:s21+$0xFFFFFFE0] =	vst v2  }
0x1d: {  	[tilespmem:s21+$0xFFFFFFD0] =	vst v2;
	s21 =	simm.s32 $0x0  }
0x1e: {  	[tilespmem:s21], [sflag:$0x1] =	stream.linear.gather [hbm4b:s4+s21], $0x2000, $0x38;
	[tilespmem:$0x17000] =	vst v63  }
0x1f: {  	_ = 	snop  }
0x20: {  	[tilespmem:s12], [sflag:$0x2] =	stream.linear.gather [hbm4b:s5+s21], $0x2000, $0x38;
	[tilespmem:$0x17000] =	vst v63  }
0x21: {  	_ = 	snop  }
0x22: {  	[tilespmem:s13], [sflag:$0x3] =	stream.linear.gather [hbm4b:s6+s21], $0x2000, $0x38;
	[tilespmem:$0x17000] =	vst v63  }
.LBB2_4:
0x23: {  	_ =	swait.ge [sflag:s14], $0x2000  }
0x24: {  	[sflag:s14] =	ssyncset.done $0x0  }
0x25: {  	s22 =	simm.s32 $0x80;
	[sflag:s14] =	ssyncadd.s32 $0xFFFFE000  }
0x26: {  	v19 =	vld [tilespmem:s22+$0xFFFFFF80]  }
0x27: {  	v20 =	vld [tilespmem:s22+$0xFFFFFFB0]  }
0x28: {  	v21 =	vld [tilespmem:s22+$0x70]  }
0x29: {  	v22 =	vld [tilespmem:s22+$0x60]  }
0x2a: {  	v24 =	vld [tilespmem:s22+$0x40]  }
0x2b: {  	v25 =	vld [tilespmem:s22+$0x30]  }
0x2c: {  	v23 =	vld [tilespmem:s22+$0x50]  }
0x2d: {  	v26 =	vld [tilespmem:s22+$0x20];
	v21 =	vshrl.u32 v21, $0x10  }
0x2e: {  	v29 =	vld [tilespmem:s22+$0xFFFFFFF0];
	v21 =	vand.u32 $0xFFF0, v21  }
0x2f: {  	v27 =	vld [tilespmem:s22+$0x10];
	v21 =	vor.u32 v0, v21  }
0x30: {  	v30 =	vld [tilespmem:s22+$0xFFFFFFE0];
	v24 =	vshrl.u32 v24, $0x10;
	v25 =	vshrl.u32 v25, $0x10  }
0x31: {  	v32 =	vld [tilespmem:s22+$0xFFFFFFC0];
	v23 =	vshrl.u32 v23, $0x10;
	v22 =	vshrl.u32 v22, $0x10;
	v24 =	vand.u32 $0xFFF0, v24  }
0x32: {  	v28 =	vld [tilespmem:s22+$0x0];
	v19 =	vshrl.u32 v19, $0x10;
	v22 =	vand.u32 $0xFFF0, v22;
	v24 =	vor.u32 v0, v24  }
0x33: {  	v31 =	vld [tilespmem:s22+$0xFFFFFFD0];
	v29 =	vshrl.u32 v29, $0x10;
	v25 =	vand.u32 $0xFFF0, v25;
	v22 =	vor.u32 v0, v22  }
0x34: {  	v23 =	vand.u32 $0xFFF0, v23;
	v25 =	vor.u32 v0, v25;
	[tilespmem:v21+s15+$0x0] =	vst.idx.add.s32.msk $0xffff, v3;
	v21 =	vshrl.u32 v26, $0x10  }
0x35: {  	v57 =	vld [tilespmem:s22+$0xFFFFFFA0];
	v30 =	vshrl.u32 v30, $0x10;
	v23 =	vor.u32 v0, v23;
	v21 =	vand.u32 $0xFFF0, v21  }
0x36: {  	v33 =	vld [tilespmem:s22+$0xFFFFFF90];
	v60 =	vshrl.u32 v32, $0x10;
	v19 =	vand.u32 $0xFFF0, v19;
	v21 =	vor.u32 v0, v21  }
0x37: {  	v58 =	vshrl.u32 v28, $0x10;
	v61 =	vand.u32 $0xFFF0, v60;
	v19 =	vor.u32 v0, v19;
	[tilespmem:v24+s15+$0x0] =	vst.idx.add.s32.msk $0xffff, v3  }
0x38: {  	v20 =	vshrl.u32 v20, $0x10;
	v29 =	vand.u32 $0xFFF0, v29;
	[tilespmem:v22+s15+$0x0] =	vst.idx.add.s32.msk $0xffff, v3;
	v22 =	vor.u32 v0, v61  }
0x39: {  	v59 =	vand.u32 $0xFFF0, v30;
	v20 =	vand.u32 $0xFFF0, v20;
	v29 =	vor.u32 v0, v29;
	[tilespmem:v25+s15+$0x0] =	vst.idx.add.s32.msk $0xffff, v3  }
0x3a: {  	v28 =	vor.u32 v0, v59;
	v62 =	vor.u32 v0, v20;
	v20 =	vshrl.u32 v31, $0x10;
	[tilespmem:v23+s15+$0x0] =	vst.idx.add.s32.msk $0xffff, v3  }
0x3b: {  	v63 =	vand.u32 $0xFFF0, v20;
	v24 =	vand.u32 $0xFFF0, v58;
	[tilespmem:v21+s15+$0x0] =	vst.idx.add.s32.msk $0xffff, v3;
	v21 =	vshrl.u32 v33, $0x10  }
0x3c: {  	[tilespmem:v19+s15+$0x0] =	vst.idx.add.s32.msk $0xffff, v3;
	v23 =	vor.u32 v0, v24;
	v20 =	vand.u32 $0xFFF0, v21;
	v21 =	vshrl.u32 v57, $0x10  }
0x3d: {  	[tilespmem:v22+s15+$0x0] =	vst.idx.add.s32.msk $0xffff, v3;
	v22 =	vor.u32 v0, v63;
	v21 =	vand.u32 $0xFFF0, v21  }
0x3e: {  	v19 =	vshrl.u32 v27, $0x10;
	[tilespmem:v29+s15+$0x0] =	vst.idx.add.s32.msk $0xffff, v3;
	v21 =	vor.u32 v0, v21  }
0x3f: {  	[tilespmem:v28+s15+$0x0] =	vst.idx.add.s32.msk $0xffff, v3;
	v19 =	vand.u32 $0xFFF0, v19;
	v20 =	vor.u32 v0, v20  }
0x40: {  	[tilespmem:v62+s15+$0x0] =	vst.idx.add.s32.msk $0xffff, v3;
	v19 =	vor.u32 v0, v19  }
0x41: {  	s23 =	simm.s32 $0x0;
	[tilespmem:v23+s15+$0x0] =	vst.idx.add.s32.msk $0xffff, v3  }
.LBB2_5:
0x42: {  	s23 =	sadd.s32 $0x100, s23;
	[tilespmem:v22+s15+$0x0] =	vst.idx.add.s32.msk $0xffff, v3;
	s22 =	sadd.s32 $0x100, s22  }
0x43: {  	p0 =	slt.u32 s23, $0x1F00;
	[tilespmem:v21+s15+$0x0] =	vst.idx.add.s32.msk $0xffff, v3  }
0x44: {  	[tilespmem:v20+s15+$0x0] =	vst.idx.add.s32.msk $0xffff, v3  }
0x45: {  	[tilespmem:v19+s15+$0x0] =	vst.idx.add.s32.msk $0xffff, v3  }
0x46: {  	v19 =	vld [tilespmem:s22+$0xFFFFFF80]  }
0x47: {  	v20 =	vld [tilespmem:s22+$0xFFFFFFB0]  }
0x48: {  	v21 =	vld [tilespmem:s22+$0x70]  }
0x49: {  	v22 =	vld [tilespmem:s22+$0x60]  }
0x4a: {  	v23 =	vld [tilespmem:s22+$0x50]  }
0x4b: {  	v19 =	vshrl.u32 v19, $0x10;
	v24 =	vld [tilespmem:s22+$0x40]  }
0x4c: {  	v19 =	vand.u32 $0xFFF0, v19;
	v25 =	vld [tilespmem:s22+$0x30]  }
0x4d: {  	v26 =	vld [tilespmem:s22+$0x20];
	v21 =	vshrl.u32 v21, $0x10  }
0x4e: {  	v27 =	vld [tilespmem:s22+$0x10];
	v22 =	vshrl.u32 v22, $0x10;
	v21 =	vand.u32 $0xFFF0, v21  }
0x4f: {  	v28 =	vld [tilespmem:s22+$0x0];
	v23 =	vshrl.u32 v23, $0x10;
	v21 =	vor.u32 v0, v21  }
0x50: {  	v19 =	vor.u32 v0, v19;
	v29 =	vld [tilespmem:s22+$0xFFFFFFF0];
	v24 =	vshrl.u32 v24, $0x10;
	v23 =	vand.u32 $0xFFF0, v23  }
0x51: {  	v22 =	vand.u32 $0xFFF0, v22;
	v30 =	vld [tilespmem:s22+$0xFFFFFFE0];
	v25 =	vshrl.u32 v25, $0x10;
	v24 =	vand.u32 $0xFFF0, v24  }
0x52: {  	v31 =	vld [tilespmem:s22+$0xFFFFFFD0];
	v26 =	vshrl.u32 v26, $0x10;
	v25 =	vand.u32 $0xFFF0, v25;
	v24 =	vor.u32 v0, v24  }
0x53: {  	v32 =	vld [tilespmem:s22+$0xFFFFFFC0];
	v27 =	vshrl.u32 v27, $0x10;
	v26 =	vand.u32 $0xFFF0, v26;
	v25 =	vor.u32 v0, v25  }
0x54: {  	v22 =	vor.u32 v0, v22;
	v23 =	vor.u32 v0, v23;
	[tilespmem:v21+s15+$0x0] =	vst.idx.add.s32.msk $0xffff, v3  }
0x55: {  	v28 =	vshrl.u32 v28, $0x10;
	v27 =	vand.u32 $0xFFF0, v27;
	v21 =	vld [tilespmem:s22+$0xFFFFFFA0];
	v29 =	vshrl.u32 v29, $0x10  }
0x56: {  	v28 =	vand.u32 $0xFFF0, v28;
	v33 =	vld [tilespmem:s22+$0xFFFFFF90];
	v30 =	vshrl.u32 v30, $0x10;
	v29 =	vand.u32 $0xFFF0, v29  }
0x57: {  	v26 =	vor.u32 v0, v26;
	v30 =	vand.u32 $0xFFF0, v30;
	v29 =	vor.u32 v0, v29;
	[tilespmem:v24+s15+$0x0] =	vst.idx.add.s32.msk $0xffff, v3  }
0x58: {  	v28 =	vor.u32 v0, v28;
	v24 =	vshrl.u32 v32, $0x10;
	v30 =	vor.u32 v0, v30;
	[tilespmem:v25+s15+$0x0] =	vst.idx.add.s32.msk $0xffff, v3  }
0x59: {  	v20 =	vshrl.u32 v20, $0x10;
	v25 =	vshrl.u32 v31, $0x10;
	v24 =	vand.u32 $0xFFF0, v24;
	[tilespmem:v23+s15+$0x0] =	vst.idx.add.s32.msk $0xffff, v3  }
0x5a: {  	v20 =	vand.u32 $0xFFF0, v20;
	v23 =	vor.u32 v0, v24;
	v24 =	vand.u32 $0xFFF0, v25;
	[tilespmem:v22+s15+$0x0] =	vst.idx.add.s32.msk $0xffff, v3  }
0x5b: {  	v25 =	vor.u32 v0, v20;
	[tilespmem:v19+s15+$0x0] =	vst.idx.add.s32.msk $0xffff, v3;
	v22 =	vshrl.u32 v33, $0x10;
	v19 =	vor.u32 v0, v27  }
0x5c: {  	v21 =	vshrl.u32 v21, $0x10;
	v20 =	vand.u32 $0xFFF0, v22;
	[tilespmem:v26+s15+$0x0] =	vst.idx.add.s32.msk $0xffff, v3  }
.Ltmp1:
0x5d: {  	v21 =	vand.u32 $0xFFF0, v21;
	v22 =	vor.u32 v0, v24;
	v20 =	vor.u32 v0, v20;
	[tilespmem:v29+s15+$0x0] =	vst.idx.add.s32.msk $0xffff, v3;
	(pc) =	sbr.rel @p0 .LBB2_5-.Ltmp1, $4  }
0x5e: {  	v21 =	vor.u32 v0, v21;
	[tilespmem:v30+s15+$0x0] =	vst.idx.add.s32.msk $0xffff, v3  }
0x5f: {  	[tilespmem:v28+s15+$0x0] =	vst.idx.add.s32.msk $0xffff, v3  }
0x60: {  	[tilespmem:v23+s15+$0x0] =	vst.idx.add.s32.msk $0xffff, v3  }
0x61: {  	[tilespmem:v25+s15+$0x0] =	vst.idx.add.s32.msk $0xffff, v3  }
0x62: {  	_ =	sdelay $0x1  }
0x63: {  	p0 =	seq.s32 s21, $0x30  }
0x64: {  	s22 =	smul.u32 @!p0 $0x6000, s21  }
0x65: {  	[tilespmem:v22+s15+$0x0] =	vst.idx.add.s32.msk $0xffff, v3  }
0x66: {  	[tilespmem:v21+s15+$0x0] =	vst.idx.add.s32.msk $0xffff, v3;
	s23 =	sadd.s32 @!p0 s22, s7  }
0x67: {  	[tilespmem:v20+s15+$0x0] =	vst.idx.add.s32.msk $0xffff, v3;
	s23 =	sshrl.u32 @!p0 s23, $0x3  }
0x68: {  	[tilespmem:v19+s15+$0x0] =	vst.idx.add.s32.msk $0xffff, v3;
	s24 =	simm.s32 @!p0 $0x0;
	s23 =	sadd.s32 @!p0 s2, s23  }
0x69: {  	[tilespmem:s24], [sflag:$0x1] =	stream.linear.gather @!p0 [hbm4b:s23+s24], $0x2000, $0x38;
	[tilespmem:$0x17000] =	vst v63  }
0x6a: {  	_ =	swait.ge [sflag:s16], $0x2000  }
0x6b: {  	[sflag:s16] =	ssyncset.done $0x0  }
0x6c: {  	s23 =	simm.s32 $0x2080;
	[sflag:s16] =	ssyncadd.s32 $0xFFFFE000  }
0x6d: {  	v19 =	vld [tilespmem:s23+$0xFFFFFF80]  }
0x6e: {  	v20 =	vld [tilespmem:s23+$0xFFFFFFB0]  }
0x6f: {  	v21 =	vld [tilespmem:s23+$0x70]  }
0x70: {  	v22 =	vld [tilespmem:s23+$0x60]  }
0x71: {  	v24 =	vld [tilespmem:s23+$0x40]  }
0x72: {  	v25 =	vld [tilespmem:s23+$0x30]  }
0x73: {  	v23 =	vld [tilespmem:s23+$0x50]  }
0x74: {  	v26 =	vld [tilespmem:s23+$0x20];
	v21 =	vshrl.u32 v21, $0x10  }
0x75: {  	v29 =	vld [tilespmem:s23+$0xFFFFFFF0];
	v21 =	vand.u32 $0xFFF0, v21  }
0x76: {  	v27 =	vld [tilespmem:s23+$0x10];
	v21 =	vor.u32 v0, v21  }
0x77: {  	v30 =	vld [tilespmem:s23+$0xFFFFFFE0];
	v24 =	vshrl.u32 v24, $0x10;
	v25 =	vshrl.u32 v25, $0x10  }
0x78: {  	v32 =	vld [tilespmem:s23+$0xFFFFFFC0];
	v23 =	vshrl.u32 v23, $0x10;
	v22 =	vshrl.u32 v22, $0x10;
	v24 =	vand.u32 $0xFFF0, v24  }
0x79: {  	v28 =	vld [tilespmem:s23+$0x0];
	v19 =	vshrl.u32 v19, $0x10;
	v22 =	vand.u32 $0xFFF0, v22;
	v24 =	vor.u32 v0, v24  }
0x7a: {  	v31 =	vld [tilespmem:s23+$0xFFFFFFD0];
	v29 =	vshrl.u32 v29, $0x10;
	v25 =	vand.u32 $0xFFF0, v25;
	v22 =	vor.u32 v0, v22  }
0x7b: {  	v23 =	vand.u32 $0xFFF0, v23;
	v25 =	vor.u32 v0, v25;
	[tilespmem:v21+s15+$0x0] =	vst.idx.add.s32.msk $0xffff, v3;
	v21 =	vshrl.u32 v26, $0x10  }
0x7c: {  	v57 =	vld [tilespmem:s23+$0xFFFFFFA0];
	v30 =	vshrl.u32 v30, $0x10;
	v23 =	vor.u32 v0, v23;
	v21 =	vand.u32 $0xFFF0, v21  }
0x7d: {  	v33 =	vld [tilespmem:s23+$0xFFFFFF90];
	v60 =	vshrl.u32 v32, $0x10;
	v19 =	vand.u32 $0xFFF0, v19;
	v21 =	vor.u32 v0, v21  }
0x7e: {  	v58 =	vshrl.u32 v28, $0x10;
	v61 =	vand.u32 $0xFFF0, v60;
	v19 =	vor.u32 v0, v19;
	[tilespmem:v24+s15+$0x0] =	vst.idx.add.s32.msk $0xffff, v3  }
0x7f: {  	v20 =	vshrl.u32 v20, $0x10;
	v29 =	vand.u32 $0xFFF0, v29;
	[tilespmem:v22+s15+$0x0] =	vst.idx.add.s32.msk $0xffff, v3;
	v22 =	vor.u32 v0, v61  }
0x80: {  	v59 =	vand.u32 $0xFFF0, v30;
	v20 =	vand.u32 $0xFFF0, v20;
	v29 =	vor.u32 v0, v29;
	[tilespmem:v25+s15+$0x0] =	vst.idx.add.s32.msk $0xffff, v3  }
0x81: {  	v28 =	vor.u32 v0, v59;
	v62 =	vor.u32 v0, v20;
	v20 =	vshrl.u32 v31, $0x10;
	[tilespmem:v23+s15+$0x0] =	vst.idx.add.s32.msk $0xffff, v3  }
0x82: {  	v63 =	vand.u32 $0xFFF0, v20;
	v24 =	vand.u32 $0xFFF0, v58;
	[tilespmem:v21+s15+$0x0] =	vst.idx.add.s32.msk $0xffff, v3;
	v21 =	vshrl.u32 v33, $0x10  }
0x83: {  	[tilespmem:v19+s15+$0x0] =	vst.idx.add.s32.msk $0xffff, v3;
	v23 =	vor.u32 v0, v24;
	v20 =	vand.u32 $0xFFF0, v21;
	v21 =	vshrl.u32 v57, $0x10  }
0x84: {  	[tilespmem:v22+s15+$0x0] =	vst.idx.add.s32.msk $0xffff, v3;
	v22 =	vor.u32 v0, v63;
	v21 =	vand.u32 $0xFFF0, v21  }
0x85: {  	v19 =	vshrl.u32 v27, $0x10;
	[tilespmem:v29+s15+$0x0] =	vst.idx.add.s32.msk $0xffff, v3;
	v21 =	vor.u32 v0, v21  }
0x86: {  	[tilespmem:v28+s15+$0x0] =	vst.idx.add.s32.msk $0xffff, v3;
	v19 =	vand.u32 $0xFFF0, v19;
	v20 =	vor.u32 v0, v20  }
0x87: {  	[tilespmem:v62+s15+$0x0] =	vst.idx.add.s32.msk $0xffff, v3;
	v19 =	vor.u32 v0, v19  }
0x88: {  	s24 =	simm.s32 $0x0;
	[tilespmem:v23+s15+$0x0] =	vst.idx.add.s32.msk $0xffff, v3  }
.LBB2_7:
0x89: {  	s24 =	sadd.s32 $0x100, s24;
	[tilespmem:v22+s15+$0x0] =	vst.idx.add.s32.msk $0xffff, v3;
	s23 =	sadd.s32 $0x100, s23  }
0x8a: {  	p1 =	slt.u32 s24, $0x1F00;
	[tilespmem:v21+s15+$0x0] =	vst.idx.add.s32.msk $0xffff, v3  }
0x8b: {  	[tilespmem:v20+s15+$0x0] =	vst.idx.add.s32.msk $0xffff, v3  }
0x8c: {  	[tilespmem:v19+s15+$0x0] =	vst.idx.add.s32.msk $0xffff, v3  }
0x8d: {  	v19 =	vld [tilespmem:s23+$0xFFFFFF80]  }
0x8e: {  	v20 =	vld [tilespmem:s23+$0xFFFFFFB0]  }
0x8f: {  	v21 =	vld [tilespmem:s23+$0x70]  }
0x90: {  	v22 =	vld [tilespmem:s23+$0x60]  }
0x91: {  	v23 =	vld [tilespmem:s23+$0x50]  }
0x92: {  	v19 =	vshrl.u32 v19, $0x10;
	v24 =	vld [tilespmem:s23+$0x40]  }
0x93: {  	v19 =	vand.u32 $0xFFF0, v19;
	v25 =	vld [tilespmem:s23+$0x30]  }
0x94: {  	v26 =	vld [tilespmem:s23+$0x20];
	v21 =	vshrl.u32 v21, $0x10  }
0x95: {  	v27 =	vld [tilespmem:s23+$0x10];
	v22 =	vshrl.u32 v22, $0x10;
	v21 =	vand.u32 $0xFFF0, v21  }
0x96: {  	v28 =	vld [tilespmem:s23+$0x0];
	v23 =	vshrl.u32 v23, $0x10;
	v21 =	vor.u32 v0, v21  }
0x97: {  	v19 =	vor.u32 v0, v19;
	v29 =	vld [tilespmem:s23+$0xFFFFFFF0];
	v24 =	vshrl.u32 v24, $0x10;
	v23 =	vand.u32 $0xFFF0, v23  }
0x98: {  	v22 =	vand.u32 $0xFFF0, v22;
	v30 =	vld [tilespmem:s23+$0xFFFFFFE0];
	v25 =	vshrl.u32 v25, $0x10;
	v24 =	vand.u32 $0xFFF0, v24  }
0x99: {  	v31 =	vld [tilespmem:s23+$0xFFFFFFD0];
	v26 =	vshrl.u32 v26, $0x10;
	v25 =	vand.u32 $0xFFF0, v25;
	v24 =	vor.u32 v0, v24  }
0x9a: {  	v32 =	vld [tilespmem:s23+$0xFFFFFFC0];
	v27 =	vshrl.u32 v27, $0x10;
	v26 =	vand.u32 $0xFFF0, v26;
	v25 =	vor.u32 v0, v25  }
0x9b: {  	v22 =	vor.u32 v0, v22;
	v23 =	vor.u32 v0, v23;
	[tilespmem:v21+s15+$0x0] =	vst.idx.add.s32.msk $0xffff, v3  }
0x9c: {  	v28 =	vshrl.u32 v28, $0x10;
	v27 =	vand.u32 $0xFFF0, v27;
	v21 =	vld [tilespmem:s23+$0xFFFFFFA0];
	v29 =	vshrl.u32 v29, $0x10  }
0x9d: {  	v28 =	vand.u32 $0xFFF0, v28;
	v33 =	vld [tilespmem:s23+$0xFFFFFF90];
	v30 =	vshrl.u32 v30, $0x10;
	v29 =	vand.u32 $0xFFF0, v29  }
0x9e: {  	v26 =	vor.u32 v0, v26;
	v30 =	vand.u32 $0xFFF0, v30;
	v29 =	vor.u32 v0, v29;
	[tilespmem:v24+s15+$0x0] =	vst.idx.add.s32.msk $0xffff, v3  }
0x9f: {  	v28 =	vor.u32 v0, v28;
	v24 =	vshrl.u32 v32, $0x10;
	v30 =	vor.u32 v0, v30;
	[tilespmem:v25+s15+$0x0] =	vst.idx.add.s32.msk $0xffff, v3  }
0xa0: {  	v20 =	vshrl.u32 v20, $0x10;
	v25 =	vshrl.u32 v31, $0x10;
	v24 =	vand.u32 $0xFFF0, v24;
	[tilespmem:v23+s15+$0x0] =	vst.idx.add.s32.msk $0xffff, v3  }
0xa1: {  	v20 =	vand.u32 $0xFFF0, v20;
	v23 =	vor.u32 v0, v24;
	v24 =	vand.u32 $0xFFF0, v25;
	[tilespmem:v22+s15+$0x0] =	vst.idx.add.s32.msk $0xffff, v3  }
0xa2: {  	v25 =	vor.u32 v0, v20;
	[tilespmem:v19+s15+$0x0] =	vst.idx.add.s32.msk $0xffff, v3;
	v22 =	vshrl.u32 v33, $0x10;
	v19 =	vor.u32 v0, v27  }
0xa3: {  	v21 =	vshrl.u32 v21, $0x10;
	v20 =	vand.u32 $0xFFF0, v22;
	[tilespmem:v26+s15+$0x0] =	vst.idx.add.s32.msk $0xffff, v3  }
.Ltmp2:
0xa4: {  	v21 =	vand.u32 $0xFFF0, v21;
	v22 =	vor.u32 v0, v24;
	v20 =	vor.u32 v0, v20;
	[tilespmem:v29+s15+$0x0] =	vst.idx.add.s32.msk $0xffff, v3;
	(pc) =	sbr.rel @p1 .LBB2_7-.Ltmp2, $4  }
0xa5: {  	v21 =	vor.u32 v0, v21;
	[tilespmem:v30+s15+$0x0] =	vst.idx.add.s32.msk $0xffff, v3  }
0xa6: {  	[tilespmem:v28+s15+$0x0] =	vst.idx.add.s32.msk $0xffff, v3  }
0xa7: {  	[tilespmem:v23+s15+$0x0] =	vst.idx.add.s32.msk $0xffff, v3  }
0xa8: {  	[tilespmem:v25+s15+$0x0] =	vst.idx.add.s32.msk $0xffff, v3  }
0xa9: {  	_ =	sdelay $0x3  }
0xaa: {  	[tilespmem:v22+s15+$0x0] =	vst.idx.add.s32.msk $0xffff, v3  }
0xab: {  	[tilespmem:v21+s15+$0x0] =	vst.idx.add.s32.msk $0xffff, v3;
	s22 =	sadd.s32 @!p0 s22, s8  }
0xac: {  	[tilespmem:v20+s15+$0x0] =	vst.idx.add.s32.msk $0xffff, v3;
	s22 =	sshrl.u32 @!p0 s22, $0x3  }
0xad: {  	[tilespmem:v19+s15+$0x0] =	vst.idx.add.s32.msk $0xffff, v3;
	s23 =	simm.s32 @!p0 $0x0;
	s24 =	simm.s32 @!p0 $0x2000;
	s22 =	sadd.s32 @!p0 s2, s22  }
0xae: {  	[tilespmem:s24], [sflag:$0x2] =	stream.linear.gather @!p0 [hbm4b:s22+s23], $0x2000, $0x38;
	[tilespmem:$0x17000] =	vst v63  }
0xaf: {  	_ =	swait.ge [sflag:s17], $0x2000  }
0xb0: {  	[sflag:s17] =	ssyncset.done $0x0  }
0xb1: {  	s22 =	simm.s32 $0x4080;
	[sflag:s17] =	ssyncadd.s32 $0xFFFFE000  }
0xb2: {  	v19 =	vld [tilespmem:s22+$0xFFFFFF80]  }
0xb3: {  	v20 =	vld [tilespmem:s22+$0xFFFFFFB0]  }
0xb4: {  	v21 =	vld [tilespmem:s22+$0x70]  }
0xb5: {  	v22 =	vld [tilespmem:s22+$0x60]  }
0xb6: {  	v24 =	vld [tilespmem:s22+$0x40]  }
0xb7: {  	v25 =	vld [tilespmem:s22+$0x30]  }
0xb8: {  	v23 =	vld [tilespmem:s22+$0x50]  }
0xb9: {  	v26 =	vld [tilespmem:s22+$0x20];
	v21 =	vshrl.u32 v21, $0x10  }
0xba: {  	v29 =	vld [tilespmem:s22+$0xFFFFFFF0];
	v21 =	vand.u32 $0xFFF0, v21  }
0xbb: {  	v27 =	vld [tilespmem:s22+$0x10];
	v21 =	vor.u32 v0, v21  }
0xbc: {  	v30 =	vld [tilespmem:s22+$0xFFFFFFE0];
	v24 =	vshrl.u32 v24, $0x10;
	v25 =	vshrl.u32 v25, $0x10  }
0xbd: {  	v32 =	vld [tilespmem:s22+$0xFFFFFFC0];
	v23 =	vshrl.u32 v23, $0x10;
	v22 =	vshrl.u32 v22, $0x10;
	v24 =	vand.u32 $0xFFF0, v24  }
0xbe: {  	v28 =	vld [tilespmem:s22+$0x0];
	v19 =	vshrl.u32 v19, $0x10;
	v22 =	vand.u32 $0xFFF0, v22;
	v24 =	vor.u32 v0, v24  }
0xbf: {  	v31 =	vld [tilespmem:s22+$0xFFFFFFD0];
	v29 =	vshrl.u32 v29, $0x10;
	v25 =	vand.u32 $0xFFF0, v25;
	v22 =	vor.u32 v0, v22  }
0xc0: {  	v23 =	vand.u32 $0xFFF0, v23;
	v25 =	vor.u32 v0, v25;
	[tilespmem:v21+s15+$0x0] =	vst.idx.add.s32.msk $0xffff, v3;
	v21 =	vshrl.u32 v26, $0x10  }
0xc1: {  	v57 =	vld [tilespmem:s22+$0xFFFFFFA0];
	v30 =	vshrl.u32 v30, $0x10;
	v23 =	vor.u32 v0, v23;
	v21 =	vand.u32 $0xFFF0, v21  }
0xc2: {  	v33 =	vld [tilespmem:s22+$0xFFFFFF90];
	v60 =	vshrl.u32 v32, $0x10;
	v19 =	vand.u32 $0xFFF0, v19;
	v21 =	vor.u32 v0, v21  }
0xc3: {  	v58 =	vshrl.u32 v28, $0x10;
	v61 =	vand.u32 $0xFFF0, v60;
	v19 =	vor.u32 v0, v19;
	[tilespmem:v24+s15+$0x0] =	vst.idx.add.s32.msk $0xffff, v3  }
0xc4: {  	v20 =	vshrl.u32 v20, $0x10;
	v29 =	vand.u32 $0xFFF0, v29;
	[tilespmem:v22+s15+$0x0] =	vst.idx.add.s32.msk $0xffff, v3;
	v22 =	vor.u32 v0, v61  }
0xc5: {  	v59 =	vand.u32 $0xFFF0, v30;
	v20 =	vand.u32 $0xFFF0, v20;
	v29 =	vor.u32 v0, v29;
	[tilespmem:v25+s15+$0x0] =	vst.idx.add.s32.msk $0xffff, v3  }
0xc6: {  	v28 =	vor.u32 v0, v59;
	v62 =	vor.u32 v0, v20;
	v20 =	vshrl.u32 v31, $0x10;
	[tilespmem:v23+s15+$0x0] =	vst.idx.add.s32.msk $0xffff, v3  }
0xc7: {  	v63 =	vand.u32 $0xFFF0, v20;
	v24 =	vand.u32 $0xFFF0, v58;
	[tilespmem:v21+s15+$0x0] =	vst.idx.add.s32.msk $0xffff, v3;
	v21 =	vshrl.u32 v33, $0x10  }
0xc8: {  	[tilespmem:v19+s15+$0x0] =	vst.idx.add.s32.msk $0xffff, v3;
	v23 =	vor.u32 v0, v24;
	v20 =	vand.u32 $0xFFF0, v21;
	v21 =	vshrl.u32 v57, $0x10  }
0xc9: {  	[tilespmem:v22+s15+$0x0] =	vst.idx.add.s32.msk $0xffff, v3;
	v22 =	vor.u32 v0, v63;
	v21 =	vand.u32 $0xFFF0, v21  }
0xca: {  	v19 =	vshrl.u32 v27, $0x10;
	[tilespmem:v29+s15+$0x0] =	vst.idx.add.s32.msk $0xffff, v3;
	v21 =	vor.u32 v0, v21  }
0xcb: {  	[tilespmem:v28+s15+$0x0] =	vst.idx.add.s32.msk $0xffff, v3;
	v19 =	vand.u32 $0xFFF0, v19;
	v20 =	vor.u32 v0, v20  }
0xcc: {  	[tilespmem:v62+s15+$0x0] =	vst.idx.add.s32.msk $0xffff, v3;
	v19 =	vor.u32 v0, v19  }
0xcd: {  	s23 =	simm.s32 $0x0;
	[tilespmem:v23+s15+$0x0] =	vst.idx.add.s32.msk $0xffff, v3  }
.LBB2_9:
0xce: {  	s23 =	sadd.s32 $0x100, s23;
	[tilespmem:v22+s15+$0x0] =	vst.idx.add.s32.msk $0xffff, v3;
	s22 =	sadd.s32 $0x100, s22  }
0xcf: {  	p1 =	slt.u32 s23, $0x1F00;
	[tilespmem:v21+s15+$0x0] =	vst.idx.add.s32.msk $0xffff, v3  }
0xd0: {  	[tilespmem:v20+s15+$0x0] =	vst.idx.add.s32.msk $0xffff, v3  }
0xd1: {  	[tilespmem:v19+s15+$0x0] =	vst.idx.add.s32.msk $0xffff, v3  }
0xd2: {  	v19 =	vld [tilespmem:s22+$0xFFFFFF80]  }
0xd3: {  	v20 =	vld [tilespmem:s22+$0xFFFFFFB0]  }
0xd4: {  	v21 =	vld [tilespmem:s22+$0x70]  }
0xd5: {  	v22 =	vld [tilespmem:s22+$0x60]  }
0xd6: {  	v23 =	vld [tilespmem:s22+$0x50]  }
0xd7: {  	v19 =	vshrl.u32 v19, $0x10;
	v24 =	vld [tilespmem:s22+$0x40]  }
0xd8: {  	v19 =	vand.u32 $0xFFF0, v19;
	v25 =	vld [tilespmem:s22+$0x30]  }
0xd9: {  	v26 =	vld [tilespmem:s22+$0x20];
	v21 =	vshrl.u32 v21, $0x10  }
0xda: {  	v27 =	vld [tilespmem:s22+$0x10];
	v22 =	vshrl.u32 v22, $0x10;
	v21 =	vand.u32 $0xFFF0, v21  }
0xdb: {  	v28 =	vld [tilespmem:s22+$0x0];
	v23 =	vshrl.u32 v23, $0x10;
	v21 =	vor.u32 v0, v21  }
0xdc: {  	v19 =	vor.u32 v0, v19;
	v29 =	vld [tilespmem:s22+$0xFFFFFFF0];
	v24 =	vshrl.u32 v24, $0x10;
	v23 =	vand.u32 $0xFFF0, v23  }
0xdd: {  	v22 =	vand.u32 $0xFFF0, v22;
	v30 =	vld [tilespmem:s22+$0xFFFFFFE0];
	v25 =	vshrl.u32 v25, $0x10;
	v24 =	vand.u32 $0xFFF0, v24  }
0xde: {  	v31 =	vld [tilespmem:s22+$0xFFFFFFD0];
	v26 =	vshrl.u32 v26, $0x10;
	v25 =	vand.u32 $0xFFF0, v25;
	v24 =	vor.u32 v0, v24  }
0xdf: {  	v32 =	vld [tilespmem:s22+$0xFFFFFFC0];
	v27 =	vshrl.u32 v27, $0x10;
	v26 =	vand.u32 $0xFFF0, v26;
	v25 =	vor.u32 v0, v25  }
0xe0: {  	v22 =	vor.u32 v0, v22;
	v23 =	vor.u32 v0, v23;
	[tilespmem:v21+s15+$0x0] =	vst.idx.add.s32.msk $0xffff, v3  }
0xe1: {  	v28 =	vshrl.u32 v28, $0x10;
	v27 =	vand.u32 $0xFFF0, v27;
	v21 =	vld [tilespmem:s22+$0xFFFFFFA0];
	v29 =	vshrl.u32 v29, $0x10  }
0xe2: {  	v28 =	vand.u32 $0xFFF0, v28;
	v33 =	vld [tilespmem:s22+$0xFFFFFF90];
	v30 =	vshrl.u32 v30, $0x10;
	v29 =	vand.u32 $0xFFF0, v29  }
0xe3: {  	v26 =	vor.u32 v0, v26;
	v30 =	vand.u32 $0xFFF0, v30;
	v29 =	vor.u32 v0, v29;
	[tilespmem:v24+s15+$0x0] =	vst.idx.add.s32.msk $0xffff, v3  }
0xe4: {  	v28 =	vor.u32 v0, v28;
	v24 =	vshrl.u32 v32, $0x10;
	v30 =	vor.u32 v0, v30;
	[tilespmem:v25+s15+$0x0] =	vst.idx.add.s32.msk $0xffff, v3  }
0xe5: {  	v20 =	vshrl.u32 v20, $0x10;
	v25 =	vshrl.u32 v31, $0x10;
	v24 =	vand.u32 $0xFFF0, v24;
	[tilespmem:v23+s15+$0x0] =	vst.idx.add.s32.msk $0xffff, v3  }
0xe6: {  	v20 =	vand.u32 $0xFFF0, v20;
	v23 =	vor.u32 v0, v24;
	v24 =	vand.u32 $0xFFF0, v25;
	[tilespmem:v22+s15+$0x0] =	vst.idx.add.s32.msk $0xffff, v3  }
0xe7: {  	v25 =	vor.u32 v0, v20;
	[tilespmem:v19+s15+$0x0] =	vst.idx.add.s32.msk $0xffff, v3;
	v22 =	vshrl.u32 v33, $0x10;
	v19 =	vor.u32 v0, v27  }
0xe8: {  	v21 =	vshrl.u32 v21, $0x10;
	v20 =	vand.u32 $0xFFF0, v22;
	[tilespmem:v26+s15+$0x0] =	vst.idx.add.s32.msk $0xffff, v3  }
.Ltmp3:
0xe9: {  	v21 =	vand.u32 $0xFFF0, v21;
	v22 =	vor.u32 v0, v24;
	v20 =	vor.u32 v0, v20;
	[tilespmem:v29+s15+$0x0] =	vst.idx.add.s32.msk $0xffff, v3;
	(pc) =	sbr.rel @p1 .LBB2_9-.Ltmp3, $4  }
0xea: {  	v21 =	vor.u32 v0, v21;
	[tilespmem:v30+s15+$0x0] =	vst.idx.add.s32.msk $0xffff, v3  }
0xeb: {  	[tilespmem:v28+s15+$0x0] =	vst.idx.add.s32.msk $0xffff, v3  }
0xec: {  	[tilespmem:v23+s15+$0x0] =	vst.idx.add.s32.msk $0xffff, v3  }
0xed: {  	[tilespmem:v25+s15+$0x0] =	vst.idx.add.s32.msk $0xffff, v3  }
0xee: {  	_ =	sdelay $0x2  }
.Ltmp4:
0xef: {  	_ = 	snop;
	(pc) =	sbr.rel @p0 .LBB2_11-.Ltmp4, $4  }
0xf0: {  	[tilespmem:v22+s15+$0x0] =	vst.idx.add.s32.msk $0xffff, v3  }
0xf1: {  	[tilespmem:v21+s15+$0x0] =	vst.idx.add.s32.msk $0xffff, v3  }
0xf2: {  	[tilespmem:v20+s15+$0x0] =	vst.idx.add.s32.msk $0xffff, v3  }
0xf3: {  	[tilespmem:v19+s15+$0x0] =	vst.idx.add.s32.msk $0xffff, v3  }
0xf4: {  	s22 =	smul.u32 $0x6000, s21  }
.Ltmp5:
0xf5: {  	_ = 	snop;
	(pc) =	sbr.rel .LBB2_4-.Ltmp5, $4  }
0xf6: {  	s22 =	sadd.s32 s22, s9  }
0xf7: {  	s22 =	sshrl.u32 s22, $0x3  }
0xf8: {  	s21 =	sadd.s32 $0x1, s21;
	s22 =	sadd.s32 s2, s22  }
0xf9: {  	[tilespmem:s13], [sflag:$0x3] =	stream.linear.gather [hbm4b:s22+s3], $0x2000, $0x38;
	[tilespmem:$0x17000] =	vst v63  }
.LBB2_11:
0xfa: {  	s23 =	simm.s32 $0x100  }
0xfb: {  	s22 =	simm.s32 $0x0;
	v19 =	vor.u32 s23, v1  }
0xfc: {  	v20 =	vor.u32 s22, v1  }
0xfd: {  	v21 =	vor.u32 s22, v4  }
0xfe: {  	v22 =	vor.u32 s22, v5  }
0xff: {  	v23 =	vor.u32 s22, v6  }
0x100: {  	v24 =	vor.u32 s22, v7;
	v26 =	vld.idx.msk [tilespmem:v19+s15+$0x0], $0xffff  }
0x101: {  	v25 =	vor.u32 s22, v9;
	v19 =	vld.idx.msk [tilespmem:v20+s15+$0x0], $0xffff  }
0x102: {  	v27 =	vor.u32 s22, v10;
	v21 =	vld.idx.msk [tilespmem:v21+s15+$0x0], $0xffff  }
0x103: {  	v28 =	vor.u32 s22, v11;
	v22 =	vld.idx.msk [tilespmem:v22+s15+$0x0], $0xffff  }
0x104: {  	v29 =	vor.u32 s22, v12;
	v23 =	vld.idx.msk [tilespmem:v23+s15+$0x0], $0xffff  }
0x105: {  	v20 =	vor.u32 s22, v8;
	v24 =	vld.idx.msk [tilespmem:v24+s15+$0x0], $0xffff  }
0x106: {  	v30 =	vor.u32 s22, v13;
	v25 =	vld.idx.msk [tilespmem:v25+s15+$0x0], $0xffff  }
0x107: {  	v33 =	vor.u32 s22, v16;
	v27 =	vld.idx.msk [tilespmem:v27+s15+$0x0], $0xffff  }
0x108: {  	v31 =	vor.u32 s22, v14;
	v28 =	vld.idx.msk [tilespmem:v28+s15+$0x0], $0xffff  }
0x109: {  	v34 =	vor.u32 s22, v17;
	v29 =	vld.idx.msk [tilespmem:v29+s15+$0x0], $0xffff  }
0x10a: {  	v32 =	vor.u32 s22, v15;
	v20 =	vld.idx.msk [tilespmem:v20+s15+$0x0], $0xffff  }
0x10b: {  	v19 =	vadd.s32 v19, v21;
	v21 =	vld.idx.msk [tilespmem:v30+s15+$0x0], $0xffff;
	v30 =	vor.u32 s22, v18  }
0x10c: {  	v35 =	vor.u32 s23, v4;
	v33 =	vld.idx.msk [tilespmem:v33+s15+$0x0], $0xffff;
	v19 =	vadd.s32 v22, v19  }
0x10d: {  	v22 =	vld.idx.msk [tilespmem:v31+s15+$0x0], $0xffff;
	v31 =	vor.u32 s23, v5;
	v19 =	vadd.s32 v23, v19  }
0x10e: {  	v34 =	vld.idx.msk [tilespmem:v34+s15+$0x0], $0xffff;
	v19 =	vadd.s32 v24, v19;
	v24 =	vor.u32 s23, v7  }
0x10f: {  	v61 =	vor.u32 s23, v6;
	v23 =	vld.idx.msk [tilespmem:v32+s15+$0x0], $0xffff;
	v19 =	vadd.s32 v20, v19  }
0x110: {  	v36 =	vor.u32 s23, v9;
	v30 =	vld.idx.msk [tilespmem:v30+s15+$0x0], $0xffff;
	v19 =	vadd.s32 v25, v19  }
0x111: {  	v20 =	vor.u32 s23, v8;
	v19 =	vadd.s32 v27, v19;
	v27 =	vld.idx.msk [tilespmem:v35+s15+$0x0], $0xffff  }
0x112: {  	v62 =	vor.u32 s23, v10;
	v19 =	vadd.s32 v28, v19;
	v28 =	vld.idx.msk [tilespmem:v31+s15+$0x0], $0xffff  }
0x113: {  	v31 =	vor.u32 s23, v11;
	v37 =	vld.idx.msk [tilespmem:v24+s15+$0x0], $0xffff;
	v19 =	vadd.s32 v29, v19  }
0x114: {  	v63 =	vor.u32 s23, v12;
	v29 =	vld.idx.msk [tilespmem:v61+s15+$0x0], $0xffff;
	v19 =	vadd.s32 v21, v19  }
0x115: {  	v38 =	vor.u32 s23, v13;
	v24 =	vld.idx.msk [tilespmem:v36+s15+$0x0], $0xffff;
	v19 =	vadd.s32 v22, v19  }
0x116: {  	v25 =	vld.idx.msk [tilespmem:v20+s15+$0x0], $0xffff;
	v20 =	vadd.s32 v23, v19;
	v19 =	vor.u32 s23, v14  }
0x117: {  	v22 =	vadd.s32 v26, v27;
	v26 =	vld.idx.msk [tilespmem:v62+s15+$0x0], $0xffff;
	v21 =	vadd.s32 v33, v20;
	v20 =	vor.u32 s23, v15  }
0x118: {  	v22 =	vadd.s32 v28, v22;
	v27 =	vld.idx.msk [tilespmem:v31+s15+$0x0], $0xffff;
	v23 =	vadd.s32 v34, v21;
	v21 =	vor.u32 s23, v16  }
0x119: {  	s21 =	simm.s32 $0x16010;
	v28 =	vld.idx.msk [tilespmem:v63+s15+$0x0], $0xffff;
	v29 =	vadd.s32 v29, v22;
	v30 =	vadd.s32 v30, v23;
	v23 =	vor.u32 s23, v17  }
0x11a: {  	s22 =	simm.s32 $0x0;
	v22 =	vor.u32 s23, v18;
	s23 =	simm.s32 $0x300;
	[tilespmem:s21+$0xFFFFFFF0] =	vst v30;
	v30 =	vadd.s32 v37, v29;
	v29 =	vld.idx.msk [tilespmem:v38+s15+$0x0], $0xffff  }
.LBB2_12:
0x11b: {  	s24 =	sadd.s32 $0xFFFFFF00, s23;
	v31 =	vor.u32 s23, v1;
	v32 =	vor.u32 s23, v4;
	v33 =	vor.u32 s23, v5;
	v34 =	vld.idx.msk [tilespmem:v19+s15+$0x0], $0xffff  }
0x11c: {  	v36 =	vor.u32 s23, v6;
	v37 =	vor.u32 s23, v7;
	s22 =	sadd.s32 $0x20, s22;
	v35 =	vor.u32 s24, v1;
	v38 =	vld.idx.msk [tilespmem:v20+s15+$0x0], $0xffff  }
0x11d: {  	v40 =	vor.u32 s23, v8;
	v41 =	vor.u32 s23, v9;
	v39 =	vor.u32 s24, v4;
	p0 =	slt.u32 s22, $0xFE0;
	v42 =	vld.idx.msk [tilespmem:v21+s15+$0x0], $0xffff  }
0x11e: {  	v44 =	vor.u32 s23, v10;
	v45 =	vor.u32 s23, v11;
	v43 =	vor.u32 s24, v5;
	v46 =	vld.idx.msk [tilespmem:v23+s15+$0x0], $0xffff  }
0x11f: {  	v48 =	vor.u32 s23, v12;
	v49 =	vor.u32 s23, v13;
	v47 =	vor.u32 s24, v6;
	v50 =	vld.idx.msk [tilespmem:v22+s15+$0x0], $0xffff  }
0x120: {  	v19 =	vor.u32 s23, v14;
	v51 =	vor.u32 s24, v7;
	v21 =	vadd.s32 v25, v30;
	v31 =	vld.idx.msk [tilespmem:v31+s15+$0x0], $0xffff  }
0x121: {  	v20 =	vor.u32 s23, v15;
	v30 =	vor.u32 s24, v8;
	v22 =	vadd.s32 v24, v21;
	v25 =	vld.idx.msk [tilespmem:v35+s15+$0x0], $0xffff  }
0x122: {  	v21 =	vor.u32 s23, v16;
	v22 =	vadd.s32 v26, v22;
	v35 =	vor.u32 s24, v9;
	v24 =	vld.idx.msk [tilespmem:v39+s15+$0x0], $0xffff  }
0x123: {  	v23 =	vor.u32 s23, v17;
	v27 =	vadd.s32 v27, v22;
	v39 =	vor.u32 s24, v10;
	v26 =	vld.idx.msk [tilespmem:v43+s15+$0x0], $0xffff  }
0x124: {  	v22 =	vor.u32 s23, v18;
	v27 =	vadd.s32 v28, v27;
	v43 =	vld.idx.msk [tilespmem:v47+s15+$0x0], $0xffff;
	v47 =	vor.u32 s24, v11  }
0x125: {  	v27 =	vadd.s32 v29, v27;
	v28 =	vld.idx.msk [tilespmem:v51+s15+$0x0], $0xffff;
	v51 =	vor.u32 s24, v12  }
0x126: {  	v27 =	vadd.s32 v34, v27;
	v29 =	vld.idx.msk [tilespmem:v30+s15+$0x0], $0xffff;
	v30 =	vor.u32 s24, v13  }
0x127: {  	v27 =	vadd.s32 v38, v27;
	v34 =	vld.idx.msk [tilespmem:v35+s15+$0x0], $0xffff;
	v35 =	vor.u32 s24, v14  }
0x128: {  	v38 =	vor.u32 s24, v15;
	v27 =	vadd.s32 v42, v27;
	v24 =	vadd.s32 v25, v24;
	v25 =	vld.idx.msk [tilespmem:v39+s15+$0x0], $0xffff  }
0x129: {  	v27 =	vadd.s32 v46, v27;
	v24 =	vadd.s32 v26, v24;
	v39 =	vor.u32 s24, v16;
	v26 =	vld.idx.msk [tilespmem:v47+s15+$0x0], $0xffff  }
0x12a: {  	v27 =	vadd.s32 v50, v27;
	v24 =	vadd.s32 v43, v24;
	v43 =	vor.u32 s24, v17;
	v42 =	vld.idx.msk [tilespmem:v51+s15+$0x0], $0xffff  }
0x12b: {  	v24 =	vadd.s32 v28, v24;
	v28 =	vld.idx.msk [tilespmem:v30+s15+$0x0], $0xffff;
	v30 =	vor.u32 s24, v18;
	[tilespmem:s21+$0x0] =	vst v27  }
0x12c: {  	v24 =	vadd.s32 v29, v24;
	v27 =	vld.idx.msk [tilespmem:v35+s15+$0x0], $0xffff  }
0x12d: {  	v24 =	vadd.s32 v34, v24;
	v29 =	vld.idx.msk [tilespmem:v38+s15+$0x0], $0xffff  }
0x12e: {  	v24 =	vadd.s32 v25, v24;
	v25 =	vld.idx.msk [tilespmem:v39+s15+$0x0], $0xffff  }
0x12f: {  	v24 =	vadd.s32 v26, v24;
	v26 =	vld.idx.msk [tilespmem:v43+s15+$0x0], $0xffff  }
0x130: {  	v24 =	vadd.s32 v42, v24;
	v30 =	vld.idx.msk [tilespmem:v30+s15+$0x0], $0xffff  }
0x131: {  	v24 =	vadd.s32 v28, v24;
	v28 =	vld.idx.msk [tilespmem:v32+s15+$0x0], $0xffff  }
0x132: {  	v24 =	vadd.s32 v27, v24;
	v27 =	vld.idx.msk [tilespmem:v33+s15+$0x0], $0xffff  }
0x133: {  	v24 =	vadd.s32 v29, v24;
	v29 =	vld.idx.msk [tilespmem:v36+s15+$0x0], $0xffff  }
0x134: {  	v24 =	vadd.s32 v25, v24;
	v32 =	vld.idx.msk [tilespmem:v37+s15+$0x0], $0xffff  }
0x135: {  	v24 =	vadd.s32 v26, v24;
	v25 =	vld.idx.msk [tilespmem:v40+s15+$0x0], $0xffff  }
.Ltmp6:
0x136: {  	s21 =	sadd.s32 $0x20, s21;
	v26 =	vadd.s32 v30, v24;
	v24 =	vld.idx.msk [tilespmem:v41+s15+$0x0], $0xffff;
	(pc) =	sbr.rel @p0 .LBB2_12-.Ltmp6, $4  }
0x137: {  	v28 =	vadd.s32 v31, v28;
	[tilespmem:s21+$0xFFFFFFF0] =	vst v26;
	v26 =	vld.idx.msk [tilespmem:v44+s15+$0x0], $0xffff  }
0x138: {  	v28 =	vadd.s32 v27, v28;
	v27 =	vld.idx.msk [tilespmem:v45+s15+$0x0], $0xffff  }
0x139: {  	v29 =	vadd.s32 v29, v28;
	v28 =	vld.idx.msk [tilespmem:v48+s15+$0x0], $0xffff  }
0x13a: {  	s23 =	sadd.s32 $0x200, s23;
	v30 =	vadd.s32 v32, v29;
	v29 =	vld.idx.msk [tilespmem:v49+s15+$0x0], $0xffff  }
0x13b: {  	_ =	sdelay $0x2  }
0x13c: {  	v25 =	vadd.s32 v25, v30  }
0x13d: {  	v19 =	vld.idx.msk [tilespmem:v19+s15+$0x0], $0xffff;
	v24 =	vadd.s32 v24, v25  }
0x13e: {  	v20 =	vld.idx.msk [tilespmem:v20+s15+$0x0], $0xffff;
	v24 =	vadd.s32 v26, v24  }
0x13f: {  	v21 =	vld.idx.msk [tilespmem:v21+s15+$0x0], $0xffff;
	v24 =	vadd.s32 v27, v24  }
0x140: {  	v23 =	vld.idx.msk [tilespmem:v23+s15+$0x0], $0xffff;
	v24 =	vadd.s32 v28, v24  }
0x141: {  	v22 =	vld.idx.msk [tilespmem:v22+s15+$0x0], $0xffff;
	v24 =	vadd.s32 v29, v24  }
0x142: {  	v19 =	vadd.s32 v19, v24  }
0x143: {  	v19 =	vadd.s32 v20, v19  }
0x144: {  	v19 =	vadd.s32 v21, v19  }
0x145: {  	s20 =	sadd.s32 $0x1, s20;
	v19 =	vadd.s32 v23, v19  }
0x146: {  	p0 =	sne.s32 s20, s11;
	v19 =	vadd.s32 v22, v19  }
.Ltmp7:
0x147: {  	[tilespmem:s21+$0x0] =	vst v19;
	(pc) =	sbr.rel @p0 .LBB2_1-.Ltmp7, $4  }
0x148: {  	[hbm4b:s10+s3] =	stream.linear.scatter [tilespmem:s18], [sflag:$0x4], $0x1000, $0x38;
	[tilespmem:$0x17000] =	vst v63  }
0x149: {  	_ =	swait.ge [sflag:s19], $0x1000  }
0x14a: {  	[sflag:s19] =	ssyncset.done $0x0  }
0x14b: {  	[sflag:s19] =	ssyncadd.s32 $0xFFFFF000  }
0x14c: {  	_ =	sfence.sel $0x180000  }
0x14d: {  	[bflag:$0x0] =	sbarrier.arrive $0xFFFF  }
0x14e: {  	p0 =	sne.s32 s0, $0x0;
	_ =	strace $0x90000047  }
0x14f: {  	s0 =	sadd.s32 @!p0 $0x100000, s1;
	[bflag:$0x2] =	sbarrier.arrive $0xFFFF  }
0x150: {  	[sflag:s0] =	ssyncadd.tile.s32 @!p0 $0x1;
	_ =	shalt  }
.Lfunc_end2:
_tile_overlayer_lowered:
.L_overlay_start_2:
0x151: {  	(tag) =	ssettag $0x2  }
0x152: {  	s0 =	rddreg [dreg:$0x0];
	s2 =	stileid.u32  }
0x153: {  	s1 =	rddreg [dreg:$0x1];
	p0 =	sne.s32 s2, $0x0  }
0x154: {  	s3 =	rddreg [dreg:$0x2];
	[bflag:$0x3] =	sbarrier.arrive $0xFFFF;
	s2 =	simm.s32 @!p0 $0x1C04  }
0x155: {  	[timem:s3], [sflag:s2] =	dma.local @!p0 [hbm:s0], s1  }
0x156: {  	s0 =	simm.s32 @!p0 $0x4  }
0x157: {  	_ =	swait.ge @!p0 [sflag:s0], s1  }
0x158: {  	s1 =	ssub.s32 @!p0 $0x0, s1;
	[sflag:s0] =	ssyncset.done @!p0 $0x0  }
0x159: {  	[sflag:s0] =	ssyncadd.s32 @!p0 s1  }
0x15a: {  	[bflag:$0x3] =	sbarrier.arrive $0xFFFF  }
0x15b: {  	_ =	shalt  }

// kernel: kwta_hist2.3.cloned.1.call-start
scs
__scs_entry_jumppad:
0x0: {  	(pc) =	sbr.rel $0x88, $3  }
0x1: {  	(tag) =	ssettag $0x0;
	lr =	simm.s32 $0x1  }
0x2: {  	[smem:$0x3FA0] =	sst lr;
	_ =	strace $0xD0000000  }
0x3: {  	_ = 	snop  }
0x4: {  	_ = 	snop  }
0x5: {  	_ = 	snop  }
0x6: {  	_ = 	snop  }
0x7: {  	_ = 	snop  }
__scs_overlays_trampoline_lowered:
0x8: {  	[smem:$0x3FAF] =	sst s0  }
0x9: {  	[smem:$0x3FB0] =	sst s1  }
0xa: {  	[smem:$0x3FB1] =	sst s2  }
0xb: {  	[smem:$0x3FB2] =	sst s3  }
0xc: {  	[smem:$0x3FB3] =	sst s4  }
0xd: {  	[smem:$0x3FB4] =	sst s5  }
0xe: {  	[smem:$0x3FB5] =	sst s6  }
0xf: {  	[smem:$0x3FB6] =	sst s7  }
0x10: {  	[smem:$0x3FB7] =	sst s8  }
0x11: {  	[smem:$0x3FB8] =	sst s9;
	s0 =	simm.s32 @!p0 $0x0  }
0x12: {  	s1 =	sld [smem:$0x3F9E];
	s0 =	simm.s32 @p0 $0x1  }
0x13: {  	[smem:$0x3FB9] =	sst s0;
	s0 =	simm.s32 @!p1 $0x0  }
0x14: {  	s2 =	sld [smem:$0x3F9D];
	s0 =	simm.s32 @p1 $0x1  }
0x15: {  	[smem:$0x3FBA] =	sst s0;
	s0 =	simm.s32 @!p2 $0x0  }
0x16: {  	s3 =	sld [smem:$0x3FDB];
	s0 =	simm.s32 @p2 $0x1  }
0x17: {  	s4 =	simm.s32 $0x1BF5;
	[smem:$0x3FBC] =	sst s0  }
0x18: {  	s0 =	sld [smem:$0x3F9F];
	_ =	swait.ge [sflag:s4], $0x0  }
0x19: {  	s7 =	sld [smem:$0x3FA0]  }
0x1a: {  	s8 =	sadd.s32 $0xFFFFE003, lr  }
0x1b: {  	s9 =	sadd.s32 $0xFFFFFEF7, lr;
	s5 =	simm.s32 $0xFFFFFFFF;
	p2 =	slt.u32 s8, $0xFFFFF086  }
0x1c: {  	p1 =	slt.u32 s9, $0xF7A;
	s5 =	simm.s32 @!p2 $0x0  }
0x1d: {  	s5 =	simm.s32 @p1 $0x1;
	p0 =	seq.s32 s7, s2  }
0x1e: {  	s7 =	smul.u32 @!p0 $0xF7A, s2;
	p2 =	seq.s32 @!p0 s5, $0x0  }
0x1f: {  	s9 =	smul.u32 $0xF7A, s1;
	s8 =	simm.s32 @!p0 $0x1BF5;
	p2 =	por !p2, p0  }
0x20: {  	[sflag:s8] =	ssyncset.s32 @!p0 $0xFFFFF086;
	s6 =	sadd.s32 @!p0 s3, s7;
	s7 =	simm.s32 @!p0 $0x108  }
0x21: {  	s3 =	sadd.s32 s3, s9;
	s6 =	sadd.s32 @!p0 $0x88, s6;
	s7 =	simm.s32 @p2 $0x1082  }
0x22: {  	[simem:s7], [sflag:s8] =	dma.local @!p0 [hbm:s6], $0xF7A  }
0x23: {  	s9 =	sor.u32 $0xD0000000, s2;
	s6 =	simm.s32 $0x108;
	_ =	swait.ge @!p0 [sflag:s8], $0x0  }
0x24: {  	s3 =	sadd.s32 $0x88, s3;
	s6 =	simm.s32 @!p1 $0x1082;
	[sflag:s4] =	ssyncset.s32 $0xFFFFF086  }
0x25: {  	[simem:s6], [sflag:s4] =	dma.local [hbm:s3], $0xF7A  }
0x26: {  	[smem:$0x3FA0] =	sst s1;
	(tag) =	ssettag s2;
	_ =	strace s9  }
0x27: {  	s1 =	sld [smem:$0x3FB0]  }
0x28: {  	s2 =	sld [smem:$0x3FB1]  }
0x29: {  	s4 =	sld [smem:$0x3FB3]  }
0x2a: {  	p0 =	seq.s32 s5, $0x0;
	s5 =	sld [smem:$0x3FB4]  }
0x2b: {  	s6 =	sld [smem:$0x3FB5]  }
0x2c: {  	s7 =	sld [smem:$0x3FB6]  }
0x2d: {  	s3 =	simm.s32 $0x108;
	s8 =	sld [smem:$0x3FB7]  }
0x2e: {  	s3 =	simm.s32 @!p0 $0x1082;
	s9 =	sld [smem:$0x3FB8]  }
0x2f: {  	lr =	sadd.s32 s0, s3;
	s0 =	sld [smem:$0x3FAF]  }
0x30: {  	s3 =	sld [smem:$0x3FB2]  }
0x31: {  	[smem:$0x3FBB] =	sst s10  }
0x32: {  	s10 =	sld [smem:$0x3FB9];
	_ =	sdelay $0x3  }
0x33: {  	p0 =	seq.s32 s10, $0x1;
	s10 =	sld [smem:$0x3FBB];
	_ =	sdelay $0x3  }
0x34: {  	[smem:$0x3FBB] =	sst s10  }
0x35: {  	s10 =	sld [smem:$0x3FBA];
	_ =	sdelay $0x3  }
0x36: {  	p1 =	seq.s32 s10, $0x1;
	s10 =	sld [smem:$0x3FBB];
	_ =	sdelay $0x3  }
0x37: {  	[smem:$0x3FBB] =	sst s10  }
0x38: {  	s10 =	sld [smem:$0x3FBC]  }
0x39: {  	_ = 	snop;
	(pc) =	sbr.ind lr, $3  }
0x3a: {  	_ = 	snop  }
0x3b: {  	_ = 	snop  }
0x3c: {  	p2 =	seq.s32 s10, $0x1;
	s10 =	sld [smem:$0x3FBB]  }
0x3d: {  	_ =	shalt  }
0x3e: {  	_ =	shalt  }
0x3f: {  	_ =	shalt  }
0x40: {  	_ =	shalt  }
0x41: {  	_ =	shalt  }
0x42: {  	_ =	shalt  }
0x43: {  	_ =	shalt  }
0x44: {  	_ =	shalt  }
0x45: {  	_ =	shalt  }
0x46: {  	_ =	shalt  }
0x47: {  	_ =	shalt  }
0x48: {  	_ =	shalt  }
0x49: {  	_ =	shalt  }
0x4a: {  	_ =	shalt  }
0x4b: {  	_ =	shalt  }
0x4c: {  	_ =	shalt  }
0x4d: {  	_ =	shalt  }
0x4e: {  	_ =	shalt  }
0x4f: {  	_ =	shalt  }
0x50: {  	_ =	shalt  }
0x51: {  	_ =	shalt  }
0x52: {  	_ =	shalt  }
0x53: {  	_ =	shalt  }
0x54: {  	_ =	shalt  }
0x55: {  	_ =	shalt  }
0x56: {  	_ =	shalt  }
0x57: {  	_ =	shalt  }
0x58: {  	_ =	shalt  }
0x59: {  	_ =	shalt  }
0x5a: {  	_ =	shalt  }
0x5b: {  	_ =	shalt  }
0x5c: {  	_ =	shalt  }
0x5d: {  	_ =	shalt  }
0x5e: {  	_ =	shalt  }
0x5f: {  	_ =	shalt  }
0x60: {  	_ =	shalt  }
0x61: {  	_ =	shalt  }
0x62: {  	_ =	shalt  }
0x63: {  	_ =	shalt  }
0x64: {  	_ =	shalt  }
0x65: {  	_ =	shalt  }
0x66: {  	_ =	shalt  }
0x67: {  	_ =	shalt  }
0x68: {  	_ =	shalt  }
0x69: {  	_ =	shalt  }
0x6a: {  	_ =	shalt  }
0x6b: {  	_ =	shalt  }
0x6c: {  	_ =	shalt  }
0x6d: {  	_ =	shalt  }
0x6e: {  	_ =	shalt  }
0x6f: {  	_ =	shalt  }
0x70: {  	_ =	shalt  }
0x71: {  	_ =	shalt  }
0x72: {  	_ =	shalt  }
0x73: {  	_ =	shalt  }
0x74: {  	_ =	shalt  }
0x75: {  	_ =	shalt  }
0x76: {  	_ =	shalt  }
0x77: {  	_ =	shalt  }
0x78: {  	_ =	shalt  }
0x79: {  	_ =	shalt  }
0x7a: {  	_ =	shalt  }
0x7b: {  	_ =	shalt  }
0x7c: {  	_ =	shalt  }
0x7d: {  	_ =	shalt  }
0x7e: {  	_ =	shalt  }
0x7f: {  	_ =	shalt  }
0x80: {  	_ =	shalt  }
0x81: {  	_ =	shalt  }
0x82: {  	_ =	shalt  }
0x83: {  	_ =	shalt  }
0x84: {  	_ =	shalt  }
0x85: {  	_ =	shalt  }
0x86: {  	_ =	shalt  }
0x87: {  	_ =	shalt  }
.Lfunc_end0:
.L_simem_size_0:
called_computation.1_lowered:
.L_overlay_start_0:
0x88: {  	s2 =	sld [smem:$0x3FD9]  }
0x89: {  	s3 =	sld [smem:$0x3FFE];
	_ =	sdelay $0x1  }
0x8a: {  	s1 =	srdreg.scid  }
0x8b: {  	s0 =	sand.u32 $0x1, s1  }
0x8c: {  	s17 =	sshll.u32 s0, $0xA;
	s2 =	sadd.s32 s3, s2  }
0x8d: {  	s2 =	sadd.s32 s2, s17  }
0x8e: {  	[smem:$0x3FC7] =	sst s2  }
0x8f: {  	_ = 	snop  }
0x90: {  	s2 =	sld [smem:$0x3FD0];
	(tm) =	ssettm $0x1  }
0x91: {  	s18 =	sld [smem:$0x3FFB];
	_ =	sdelay $0x3  }
0x92: {  	_ =	strace s18  }
0x93: {  	s3 =	sld [smem:$0x3FFC];
	_ =	sdelay $0x3  }
0x94: {  	_ =	strace s3  }
0x95: {  	s3 =	sld [smem:$0x3FFD];
	_ =	sdelay $0x3  }
0x96: {  	_ =	strace s3  }
0x97: {  	_ =	strace $0x8FFFFFFF  }
0x98: {  	s19 =	sld [smem:$0x3FDB];
	_ =	sdelay $0x1  }
0x99: {  	s4 =	simm.s32 $_scs_section_size  }
0x9a: {  	s5 =	simm.s32 $_size__tile_overlayer_lowered;
	s6 =	simm.s32 $_tile_overlayer_lowered  }
0x9b: {  	s22 =	simm.s32 $0x1BFF;
	s21 =	sshll.u32 s6, $0x1;
	s3 =	sadd.s32 s4, s19  }
0x9c: {  	s7 =	simm.s32 $0x0;
	s20 =	sshll.u32 s5, $0x1;
	s5 =	sadd.s32 s21, s3  }
0x9d: {  	[timem:s7], [sflag:s22] =	dma.local [hbm:s5], s20  }
0x9e: {  	_ =	swait.ge [sflag:s22], s20  }
0x9f: {  	s4 =	ssub.s32 $0x0, s20;
	[sflag:s22] =	ssyncset.done $0x0  }
0xa0: {  	[sflag:s22] =	ssyncadd.s32 s4;
	_ =	sdelay $0x1  }
0xa1: {  	s23 =	simm.s32 $0x1B8B  }
0xa2: {  	_ =	swait.ge [sflag:s23], $0x1  }
0xa3: {  	[sflag:s23] =	ssyncset.done $0x0  }
0xa4: {  	s25 =	simm.s32 $0x1B8E;
	s24 =	sld [smem:$0x3FFE];
	[sflag:s23] =	ssyncadd.s32 $0xFFFFFFFF  }
0xa5: {  	s26 =	simm.s32 $execute0_lowered;
	[smem:$0x3FD2] =	sst s25  }
0xa6: {  	s5 =	sshll.u32 s26, $0x1;
	_ =	strace $0x80000049;
	[dreg:$0x1] =	wrdreg $0xFFFFFFFF  }
0xa7: {  	s28 =	simm.s32 $_size_execute0_lowered;
	s3 =	sadd.s32 s3, s5;
	[dreg:$0x0] =	wrdreg $0x0  }
0xa8: {  	s5 =	sshll.u32 s28, $0x1;
	[dreg:$0x2] =	wrdreg s3  }
0xa9: {  	[dreg:$0x3] =	wrdreg s5  }
0xaa: {  	[dreg:$0x4] =	wrdreg $0xC0  }
0xab: {  	_ =	task [dreg:s7], $0x5FFFF  }
0xac: {  	[dreg:$0x1] =	wrdreg $0xFFFFFFFF  }
0xad: {  	[dreg:$0x0] =	wrdreg $0x60  }
0xae: {  	[dreg:$0x2] =	wrdreg s2  }
0xaf: {  	[dreg:$0x3] =	wrdreg s24  }
0xb0: {  	[dreg:$0x4] =	wrdreg $0x9  }
0xb1: {  	_ =	task.clear_ibuf [dreg:s7], $0x5FFFF;
	_ =	strace $0x90000049  }
0xb2: {  	s29 =	simm.s32 $0x9;
	_ =	strace $0x8000004B  }
0xb3: {  	_ =	swait.ge [sflag:s29], $0x1  }
0xb4: {  	[sflag:s29] =	ssyncadd.s32 $0xFFFFFFFF  }
0xb5: {  	_ =	strace $0x9000004B  }
0xb6: {  	_ =	sfence  }
0xb7: {  	s30 =	sld [smem:$0x0];
	_ =	sdelay $0x2  }
0xb8: {  	s31 =	sshll.u32 s1, $0xD;
	s1 =	sshrl.u32 s1, $0x2  }
0xb9: {  	s3 =	sand.u32 $0x4000, s31;
	s1 =	sadd.s32 s1, s30  }
0xba: {  	s0 =	sor.u32 s3, s0;
	s1 =	sshll.u32 s1, $0x11  }
0xbb: {  	s0 =	sor.u32 s1, s0  }
0xbc: {  	s0 =	sadd.s32 $0x8F2B, s0  }
0xbd: {  	[sflag:s0] =	ssyncadd.remote.s32 $0x1  }
0xbe: {  	_ =	sfence.sel $0xFFFF  }
0xbf: {  	[dreg:$0x0] =	wrdreg $0xFFFFFFFF;
	(pc) =	sbr.abs _section_cstart, $3  }
0xc0: {  	[dreg:$0x1] =	wrdreg $0xFFFFFFFF  }
0xc1: {  	_ =	task.clear_ibuf [dreg:s7], $0x2FFFF;
	_ =	strace $0x9FFFFFFF  }
0xc2: {  	(tm) =	ssettm $0x7FFFFFFF  }
0xc3: {  	_ =	shalt  }
tec
execute0_lowered:
.L_overlay_start_1:
0x0: {  	(tag) =	ssettag $0x1  }
0x1: {  	s2 =	rddreg [dreg:$0x0]  }
0x2: {  	s1 =	srdreg.scid;
	s0 =	stileid.u32  }
0x3: {  	s4 =	rddreg [dreg:$0x1];
	s3 =	simm.s32 $0x0;
	s13 =	simm.s32 $0x17000  }
0x4: {  	s14 =	simm.s32 $0x4;
	s15 =	simm.s32 $0x2000;
	s16 =	simm.s32 $0x4000  }
0x5: {  	s17 =	simm.s32 $0x1;
	s18 =	simm.s32 $0x6000;
	s19 =	simm.s32 $0x2  }
0x6: {  	s20 =	simm.s32 $0x3;
	s21 =	simm.s32 $0x16000;
	s22 =	simm.s32 $0x0  }
0x7: {  	s5 =	sand.u32 $0x1, s1;
	s6 =	sshll.u32 s0, $0x1;
	[smem:$0x7FF] =	sst s3  }
0x8: {  	v0 =	vlaneseq.u32;
	s1 =	rddreg [dreg:$0x2];
	s6 =	sor.u32 s5, s6;
	_ =	strace $0x8000004A  }
0x9: {  	v1 =	vmul.u32 $0x10, v0;
	s5 =	ssub.s32 $0x2, s5;
	s7 =	sshll.u32 s6, $0x4;
	s10 =	smul.u32 $0x126000, s6  }
0xa: {  	v2 =	vimm.s32 $0x0;
	s6 =	sshll.u32 s6, $0x9;
	s8 =	sshrl.u32 s5, $0x1;
	s7 =	sadd.s32 s7, s4  }
0xb: {  	v3 =	vimm.s32 $0x1;
	v4 =	vor.u32 $0x1, v1;
	v5 =	vor.u32 $0x2, v1;
	s11 =	sadd.s32 s6, s4;
	s12 =	ssub.s32 s5, s8;
	s9 =	sshrl.u32 s10, $0x3  }
0xc: {  	v6 =	vor.u32 $0x3, v1;
	v7 =	vor.u32 $0x4, v1;
	v8 =	vor.u32 $0x5, v1;
	s5 =	sadd.s32 $0x1400, s7;
	s8 =	sadd.s32 $0x6000, s10;
	s11 =	sadd.s32 $0x1600, s11  }
0xd: {  	v9 =	vor.u32 $0x6, v1;
	v10 =	vor.u32 $0x7, v1;
	v11 =	vor.u32 $0x8, v1;
	s12 =	smax.u32 s12, $0x1;
	s4 =	sadd.s32 s2, s9;
	s9 =	sadd.s32 $0x8000, s10  }
0xe: {  	v12 =	vor.u32 $0x9, v1;
	v13 =	vor.u32 $0xA, v1;
	v14 =	vor.u32 $0xB, v1;
	s10 =	sadd.s32 $0xA000, s10;
	s6 =	sadd.s32 $0x400, s4;
	s7 =	sadd.s32 $0x800, s4  }
.LBB2_1:
0xf: {  	s23 =	simm.s32 $0x6040  }
0x10: {  	[tilespmem:s23+$0xFFFFFFC0] =	vst v2  }
0x11: {  	[tilespmem:s23+$0x30] =	vst v2  }
0x12: {  	[tilespmem:s23+$0x20] =	vst v2  }
0x13: {  	[tilespmem:s23+$0x10] =	vst v2  }
0x14: {  	[tilespmem:s23+$0x0] =	vst v2  }
0x15: {  	[tilespmem:s23+$0xFFFFFFF0] =	vst v2  }
0x16: {  	s24 =	simm.s32 $0x0;
	[tilespmem:s23+$0xFFFFFFE0] =	vst v2  }
.LBB2_2:
0x17: {  	s24 =	sadd.s32 $0x80, s24;
	[tilespmem:s23+$0xFFFFFFD0] =	vst v2;
	s23 =	sadd.s32 $0x80, s23  }
0x18: {  	[tilespmem:s23+$0xFFFFFFC0] =	vst v2;
	p0 =	slt.u32 s24, $0xFF80  }
0x19: {  	[tilespmem:s23+$0x30] =	vst v2  }
.Ltmp0:
0x1a: {  	[tilespmem:s23+$0x20] =	vst v2;
	(pc) =	sbr.rel @p0 .LBB2_2-.Ltmp0, $4  }
0x1b: {  	[tilespmem:s23+$0x10] =	vst v2  }
0x1c: {  	[tilespmem:s23+$0x0] =	vst v2  }
0x1d: {  	[tilespmem:s23+$0xFFFFFFF0] =	vst v2  }
0x1e: {  	[tilespmem:s23+$0xFFFFFFE0] =	vst v2  }
0x1f: {  	[tilespmem:s23+$0xFFFFFFD0] =	vst v2;
	s23 =	simm.s32 $0x0  }
0x20: {  	[tilespmem:s13], [sflag:$0x4] =	stream.linear.gather [hbm4b:s5+s23], $0x80, $0x38;
	[tilespmem:$0x17080] =	vst v63  }
0x21: {  	_ =	swait.ge [sflag:s14], $0x80  }
0x22: {  	[sflag:s14] =	ssyncset.done $0x0  }
0x23: {  	[sflag:s14] =	ssyncadd.s32 $0xFFFFFF80  }
0x24: {  	v15 =	vld [tilespmem:$0x17000];
	[tilespmem:s23], [sflag:$0x1] =	stream.linear.gather [hbm4b:s4+s23], $0x2000, $0x38  }
0x25: {  	_ = 	snop  }
0x26: {  	[tilespmem:s15], [sflag:$0x2] =	stream.linear.gather [hbm4b:s6+s23], $0x2000, $0x38;
	[tilespmem:$0x17080] =	vst v63  }
0x27: {  	_ = 	snop  }
0x28: {  	[tilespmem:s16], [sflag:$0x3] =	stream.linear.gather [hbm4b:s7+s23], $0x2000, $0x38;
	[tilespmem:$0x17080] =	vst v63  }
.LBB2_4:
0x29: {  	_ =	swait.ge [sflag:s17], $0x2000  }
0x2a: {  	[sflag:s17] =	ssyncset.done $0x0  }
0x2b: {  	s25 =	simm.s32 $0x80;
	[sflag:s17] =	ssyncadd.s32 $0xFFFFE000  }
0x2c: {  	v19 =	vld [tilespmem:s25+$0xFFFFFFA0]  }
0x2d: {  	v20 =	vld [tilespmem:s25+$0xFFFFFFE0]  }
0x2e: {  	v18 =	vld [tilespmem:s25+$0x60]  }
0x2f: {  	v23 =	vld [tilespmem:s25+$0x30]  }
0x30: {  	v21 =	vld [tilespmem:s25+$0x70]  }
0x31: {  	v22 =	vld [tilespmem:s25+$0x20]  }
0x32: {  	v24 =	vld [tilespmem:s25+$0xFFFFFFC0]  }
0x33: {  	v25 =	vld [tilespmem:s25+$0xFFFFFFD0]  }
0x34: {  	v27 =	vld [tilespmem:s25+$0x40]  }
0x35: {  	v29 =	vld [tilespmem:s25+$0xFFFFFFB0]  }
0x36: {  	v31 =	vld [tilespmem:s25+$0xFFFFFF90];
	v17 =	vshrl.u32 v20, $0x4;
	v26 =	vshrl.u32 v18, $0x4;
	v16 =	vshrl.u32 v23, $0x4  }
0x37: {  	v30 =	vshrl.u32 v21, $0x4;
	v39 =	vshra.s32 v18, $0x14;
	v34 =	vshra.s32 v21, $0x14  }
0x38: {  	v28 =	vshra.s32 v22, $0x14;
	v22 =	vshrl.u32 v22, $0x4;
	v37 =	vshrl.u32 v24, $0x4  }
0x39: {  	v21 =	vshra.s32 v24, $0x14;
	v18 =	vshra.s32 v25, $0x14;
	v24 =	vshrl.u32 v25, $0x4  }
0x3a: {  	v32 =	vshra.s32 v27, $0x14;
	v25 =	vshrl.u32 v27, $0x4;
	v27 =	vshrl.u32 v19, $0x4  }
0x3b: {  	v36 =	vshra.s32 v29, $0x14;
	v41 =	vshrl.u32 v29, $0x4;
	v29 =	vshrl.u32 v31, $0x4  }
0x3c: {  	v16 =	vand.u32 $0xFFF0, v16;
	v26 =	vand.u32 $0xFFF0, v26;
	v40 =	vand.u32 $0xFFF0, v30  }
0x3d: {  	vm2 =	veq.s32 v21, v15;
	v21 =	vand.u32 $0xFFF0, v24;
	v24 =	vshra.s32 v31, $0x14  }
0x3e: {  	v33 =	vand.u32 $0xFFF0, v22;
	v35 =	vand.u32 $0xFFF0, v25;
	v27 =	vand.u32 $0xFFF0, v27  }
0x3f: {  	v38 =	vld [tilespmem:s25+$0xFFFFFF80];
	v25 =	vshra.s32 v20, $0x14;
	v30 =	vshra.s32 v23, $0x14;
	v20 =	vand.u32 $0xFFF0, v29  }
0x40: {  	vm1 =	veq.s32 v36, v15;
	vm5 =	veq.s32 v34, v15;
	vm0 =	veq.s32 v24, v15;
	v24 =	vld [tilespmem:s25+$0x10]  }
0x41: {  	v22 =	vld [tilespmem:s25+$0x0];
	v34 =	vshra.s32 v19, $0x14;
	v23 =	vand.u32 $0xFFF0, v37;
	vm6 =	veq.s32 v39, v15  }
0x42: {  	v36 =	vld [tilespmem:s25+$0x50];
	v20 =	vor.u32 v0, v20;
	v29 =	vor.u32 v0, v26;
	v19 =	vor.u32 v0, v27  }
0x43: {  	s24 =	simm.s32 $0x0;
	v37 =	vld [tilespmem:s25+$0xFFFFFFF0];
	v31 =	vor.u32 v0, v40;
	v27 =	vand.u32 $0xFFF0, v41;
	v23 =	vor.u32 v0, v23;
	s25 =	simm.s32 $0x180  }
.LBB2_5:
0x44: {  	v26 =	vld [tilespmem:s25+$0xFFFFFFA0];
	s24 =	sadd.s32 $0x100, s24;
	vm3 =	veq.s32 v34, v15;
	vm9 =	veq.s32 v32, v15;
	vm4 =	vmmov vm2  }
0x45: {  	v32 =	vand.u32 $0xFFF0, v17;
	v17 =	vshra.s32 v24, $0x14;
	vm8 =	veq.s32 v28, v15;
	v34 =	vld [tilespmem:s25+$0xFFFFFF90];
	p0 =	slt.u32 s24, $0x1F00  }
0x46: {  	v28 =	vor.u32 v0, v33;
	v33 =	vor.u32 v0, v35;
	vm7 =	veq.s32 v17, v15;
	v39 =	vld [tilespmem:s25+$0xFFFFFFE0]  }
0x47: {  	v24 =	vshrl.u32 v24, $0x4;
	v35 =	vld [tilespmem:s25+$0x70];
	v40 =	vshra.s32 v38, $0x14;
	v17 =	vshrl.u32 v38, $0x4  }
0x48: {  	v24 =	vand.u32 $0xFFF0, v24;
	v41 =	vshra.s32 v36, $0x14;
	v36 =	vshrl.u32 v36, $0x4;
	v38 =	vld [tilespmem:s25+$0x20]  }
0x49: {  	v43 =	vor.u32 v0, v24;
	vm2 =	veq.s32 v41, v15;
	v24 =	vand.u32 $0xFFF0, v36;
	v42 =	vld [tilespmem:s25+$0x60]  }
0x4a: {  	v41 =	vand.u32 $0xFFF0, v17;
	v44 =	vshra.s32 v37, $0x14;
	v45 =	vor.u32 v0, v24;
	v36 =	vld [tilespmem:s25+$0x0]  }
0x4b: {  	v47 =	vshrl.u32 v22, $0x4;
	v37 =	vshrl.u32 v37, $0x4;
	v17 =	vshrl.u32 v39, $0x4;
	v46 =	vld [tilespmem:s25+$0x30]  }
0x4c: {  	v48 =	vor.u32 v0, v32;
	v32 =	vand.u32 $0xFFF0, v37;
	v37 =	vand.u32 $0xFFF0, v47;
	v24 =	vld [tilespmem:s25+$0x10]  }
0x4d: {  	vm11 =	veq.s32 v30, v15;
	vm10 =	veq.s32 v44, v15;
	[tilespmem:v33+s18+$0x0] =	vst.idx.add.s32.msk vm9, v3  }
0x4e: {  	v32 =	vor.u32 v0, v32;
	v30 =	vshrl.u32 v42, $0x4;
	[tilespmem:v31+s18+$0x0] =	vst.idx.add.s32.msk vm5, v3  }
0x4f: {  	v33 =	vor.u32 v0, v16;
	v31 =	vshra.s32 v22, $0x14;
	[tilespmem:v29+s18+$0x0] =	vst.idx.add.s32.msk vm6, v3;
	v22 =	vmov v36  }
0x50: {  	vm5 =	veq.s32 v25, v15;
	vm6 =	veq.s32 v31, v15;
	v16 =	vshrl.u32 v46, $0x4;
	[tilespmem:v28+s18+$0x0] =	vst.idx.add.s32.msk vm8, v3  }
0x51: {  	v27 =	vor.u32 v0, v27;
	vm8 =	veq.s32 v40, v15;
	v25 =	vld [tilespmem:s25+$0xFFFFFFC0];
	v16 =	vand.u32 $0xFFF0, v16  }
0x52: {  	v31 =	vor.u32 v0, v41;
	v29 =	vld [tilespmem:s25+$0xFFFFFFB0]  }
0x53: {  	v36 =	vor.u32 v0, v37;
	[tilespmem:v43+s18+$0x0] =	vst.idx.add.s32.msk vm7, v3  }
0x54: {  	[tilespmem:v33+s18+$0x0] =	vst.idx.add.s32.msk vm11, v3  }
0x55: {  	v37 =	vshrl.u32 v35, $0x4;
	vm7 =	veq.s32 v18, v15;
	v33 =	vld [tilespmem:s25+$0xFFFFFFD0]  }
0x56: {  	v41 =	vshra.s32 v42, $0x14;
	v42 =	vand.u32 $0xFFF0, v30;
	v43 =	vshra.s32 v35, $0x14;
	v40 =	vld [tilespmem:s25+$0x40]  }
0x57: {  	v30 =	vshrl.u32 v38, $0x4;
	v28 =	vshra.s32 v38, $0x14;
	v35 =	vor.u32 v0, v21;
	[tilespmem:v32+s18+$0x0] =	vst.idx.add.s32.msk vm10, v3  }
0x58: {  	v37 =	vand.u32 $0xFFF0, v37;
	v44 =	vshrl.u32 v25, $0x4;
	[tilespmem:v36+s18+$0x0] =	vst.idx.add.s32.msk vm6, v3  }
0x59: {  	[tilespmem:v31+s18+$0x0] =	vst.idx.add.s32.msk vm8, v3  }
0x5a: {  	v21 =	vshra.s32 v25, $0x14;
	v18 =	vshra.s32 v33, $0x14;
	v25 =	vshrl.u32 v33, $0x4;
	[tilespmem:v45+s18+$0x0] =	vst.idx.add.s32.msk vm2, v3  }
0x5b: {  	vm2 =	veq.s32 v21, v15;
	v32 =	vshra.s32 v40, $0x14;
	v31 =	vshrl.u32 v40, $0x4;
	[tilespmem:v48+s18+$0x0] =	vst.idx.add.s32.msk vm5, v3  }
0x5c: {  	v38 =	vshra.s32 v29, $0x14;
	v36 =	vshrl.u32 v26, $0x4;
	v21 =	vand.u32 $0xFFF0, v25;
	[tilespmem:v35+s18+$0x0] =	vst.idx.add.s32.msk vm7, v3  }
0x5d: {  	v33 =	vand.u32 $0xFFF0, v30;
	v25 =	vshra.s32 v34, $0x14;
	v40 =	vshrl.u32 v29, $0x4;
	[tilespmem:v20+s18+$0x0] =	vst.idx.add.s32.msk vm0, v3  }
0x5e: {  	v35 =	vand.u32 $0xFFF0, v31;
	vm0 =	veq.s32 v25, v15;
	v20 =	vshrl.u32 v34, $0x4;
	[tilespmem:v23+s18+$0x0] =	vst.idx.add.s32.msk vm4, v3  }
.Ltmp1:
0x5f: {  	v30 =	vshra.s32 v46, $0x14;
	v25 =	vshra.s32 v39, $0x14;
	v23 =	vand.u32 $0xFFF0, v36;
	[tilespmem:v19+s18+$0x0] =	vst.idx.add.s32.msk vm3, v3;
	(pc) =	sbr.rel @p0 .LBB2_5-.Ltmp1, $4  }
0x60: {  	vm5 =	veq.s32 v43, v15;
	v19 =	vand.u32 $0xFFF0, v20;
	[tilespmem:v27+s18+$0x0] =	vst.idx.add.s32.msk vm1, v3;
	vm1 =	veq.s32 v38, v15  }
0x61: {  	v29 =	vor.u32 v0, v42;
	v34 =	vshra.s32 v26, $0x14;
	v20 =	vor.u32 v0, v19;
	v36 =	vld [tilespmem:s25+$0x50]  }
0x62: {  	v31 =	vor.u32 v0, v37;
	v19 =	vor.u32 v0, v23;
	v23 =	vand.u32 $0xFFF0, v44;
	v38 =	vld [tilespmem:s25+$0xFFFFFF80]  }
0x63: {  	vm6 =	veq.s32 v41, v15;
	v27 =	vand.u32 $0xFFF0, v40;
	v23 =	vor.u32 v0, v23;
	v37 =	vld [tilespmem:s25+$0xFFFFFFF0];
	s25 =	sadd.s32 $0x100, s25  }
0x64: {  	vm4 =	veq.s32 v32, v15  }
0x65: {  	v26 =	vshra.s32 v24, $0x14;
	vm7 =	veq.s32 v28, v15;
	v28 =	vor.u32 v0, v35  }
0x66: {  	v24 =	vshrl.u32 v24, $0x4;
	vm8 =	veq.s32 v30, v15;
	v30 =	vshrl.u32 v22, $0x4  }
0x67: {  	v22 =	vshra.s32 v22, $0x14;
	v16 =	vor.u32 v0, v16;
	vm2 =	vmmov vm2  }
0x68: {  	vm3 =	veq.s32 v26, v15;
	v26 =	vor.u32 v0, v33;
	v24 =	vand.u32 $0xFFF0, v24  }
0x69: {  	[tilespmem:v31+s18+$0x0] =	vst.idx.add.s32.msk vm5, v3;
	v57 =	vshra.s32 v36, $0x14;
	v58 =	vshrl.u32 v36, $0x4;
	v24 =	vor.u32 v0, v24  }
0x6a: {  	[tilespmem:v29+s18+$0x0] =	vst.idx.add.s32.msk vm6, v3;
	v55 =	vshra.s32 v38, $0x14;
	v59 =	vshra.s32 v37, $0x14;
	v60 =	vshrl.u32 v37, $0x4  }
0x6b: {  	[tilespmem:v20+s18+$0x0] =	vst.idx.add.s32.msk vm0, v3;
	v56 =	vshrl.u32 v38, $0x4;
	v37 =	vand.u32 $0xFFF0, v60;
	vm9 =	veq.s32 v59, v15  }
0x6c: {  	[tilespmem:v28+s18+$0x0] =	vst.idx.add.s32.msk vm4, v3;
	v28 =	vand.u32 $0xFFF0, v30;
	v30 =	vor.u32 v0, v37;
	vm4 =	veq.s32 v22, v15  }
0x6d: {  	vm6 =	veq.s32 v57, v15;
	v29 =	vand.u32 $0xFFF0, v58;
	[tilespmem:v26+s18+$0x0] =	vst.idx.add.s32.msk vm7, v3;
	v28 =	vor.u32 v0, v28  }
0x6e: {  	vm5 =	veq.s32 v55, v15;
	v22 =	vand.u32 $0xFFF0, v56;
	v26 =	vor.u32 v0, v29;
	[tilespmem:v16+s18+$0x0] =	vst.idx.add.s32.msk vm8, v3  }
0x6f: {  	v17 =	vand.u32 $0xFFF0, v17;
	vm7 =	veq.s32 v25, v15;
	[tilespmem:v23+s18+$0x0] =	vst.idx.add.s32.msk vm2, v3;
	v22 =	vor.u32 v0, v22  }
0x70: {  	v17 =	vor.u32 v0, v17;
	[tilespmem:v24+s18+$0x0] =	vst.idx.add.s32.msk vm3, v3  }
0x71: {  	vm3 =	veq.s32 v18, v15;
	v18 =	vor.u32 v0, v27;
	[tilespmem:v30+s18+$0x0] =	vst.idx.add.s32.msk vm9, v3  }
0x72: {  	v16 =	vor.u32 v0, v21;
	[tilespmem:v28+s18+$0x0] =	vst.idx.add.s32.msk vm4, v3;
	vm4 =	veq.s32 v34, v15  }
0x73: {  	p0 =	seq.s32 s23, $0x30;
	[tilespmem:v26+s18+$0x0] =	vst.idx.add.s32.msk vm6, v3  }
0x74: {  	s24 =	smul.u32 @!p0 $0x6000, s23;
	[tilespmem:v22+s18+$0x0] =	vst.idx.add.s32.msk vm5, v3  }
0x75: {  	[tilespmem:v17+s18+$0x0] =	vst.idx.add.s32.msk vm7, v3  }
0x76: {  	s25 =	sadd.s32 @!p0 s24, s8;
	[tilespmem:v18+s18+$0x0] =	vst.idx.add.s32.msk vm1, v3  }
0x77: {  	s25 =	sshrl.u32 @!p0 s25, $0x3;
	[tilespmem:v16+s18+$0x0] =	vst.idx.add.s32.msk vm3, v3  }
0x78: {  	s26 =	simm.s32 @!p0 $0x0;
	s25 =	sadd.s32 @!p0 s2, s25;
	[tilespmem:v19+s18+$0x0] =	vst.idx.add.s32.msk vm4, v3  }
0x79: {  	[tilespmem:s26], [sflag:$0x1] =	stream.linear.gather @!p0 [hbm4b:s25+s26], $0x2000, $0x38;
	[tilespmem:$0x17080] =	vst v63  }
0x7a: {  	_ =	swait.ge [sflag:s19], $0x2000  }
0x7b: {  	[sflag:s19] =	ssyncset.done $0x0  }
0x7c: {  	s31 =	simm.s32 $0x2080;
	[sflag:s19] =	ssyncadd.s32 $0xFFFFE000  }
0x7d: {  	v19 =	vld [tilespmem:s31+$0xFFFFFFA0]  }
0x7e: {  	v21 =	vld [tilespmem:s31+$0xFFFFFFE0]  }
0x7f: {  	v18 =	vld [tilespmem:s31+$0x60]  }
0x80: {  	v23 =	vld [tilespmem:s31+$0x30]  }
0x81: {  	v20 =	vld [tilespmem:s31+$0x70]  }
0x82: {  	v22 =	vld [tilespmem:s31+$0x20]  }
0x83: {  	v24 =	vld [tilespmem:s31+$0xFFFFFFC0]  }
0x84: {  	v25 =	vld [tilespmem:s31+$0xFFFFFFD0]  }
0x85: {  	v27 =	vld [tilespmem:s31+$0x40]  }
0x86: {  	v29 =	vld [tilespmem:s31+$0xFFFFFFB0]  }
0x87: {  	v31 =	vld [tilespmem:s31+$0xFFFFFF90];
	v17 =	vshrl.u32 v21, $0x4;
	v26 =	vshrl.u32 v18, $0x4;
	v16 =	vshrl.u32 v23, $0x4  }
0x88: {  	v30 =	vshrl.u32 v20, $0x4;
	v39 =	vshra.s32 v18, $0x14;
	v61 =	vshra.s32 v20, $0x14  }
0x89: {  	v28 =	vshra.s32 v22, $0x14;
	v22 =	vshrl.u32 v22, $0x4;
	v62 =	vshrl.u32 v24, $0x4  }
0x8a: {  	v20 =	vshra.s32 v24, $0x14;
	v18 =	vshra.s32 v25, $0x14;
	v24 =	vshrl.u32 v25, $0x4  }
0x8b: {  	v32 =	vshra.s32 v27, $0x14;
	v25 =	vshrl.u32 v27, $0x4;
	v27 =	vshrl.u32 v19, $0x4  }
0x8c: {  	v63 =	vshra.s32 v29, $0x14;
	v41 =	vshrl.u32 v29, $0x4;
	v29 =	vshrl.u32 v31, $0x4  }
0x8d: {  	v34 =	vshra.s32 v19, $0x14;
	v16 =	vand.u32 $0xFFF0, v16;
	v26 =	vand.u32 $0xFFF0, v26  }
0x8e: {  	v40 =	vand.u32 $0xFFF0, v30;
	vm2 =	veq.s32 v20, v15;
	v20 =	vand.u32 $0xFFF0, v24  }
0x8f: {  	v24 =	vshra.s32 v31, $0x14;
	v33 =	vand.u32 $0xFFF0, v22;
	v35 =	vand.u32 $0xFFF0, v25  }
0x90: {  	v36 =	vld [tilespmem:s31+$0x50];
	v27 =	vand.u32 $0xFFF0, v27;
	v25 =	vshra.s32 v21, $0x14;
	v30 =	vshra.s32 v23, $0x14  }
0x91: {  	v21 =	vand.u32 $0xFFF0, v29;
	vm1 =	veq.s32 v63, v15;
	vm0 =	veq.s32 v24, v15;
	v24 =	vld [tilespmem:s31+$0x10]  }
0x92: {  	v38 =	vld [tilespmem:s31+$0xFFFFFF80];
	vm5 =	veq.s32 v61, v15;
	v23 =	vand.u32 $0xFFF0, v62;
	vm6 =	veq.s32 v39, v15  }
0x93: {  	v37 =	vld [tilespmem:s31+$0xFFFFFFF0];
	v21 =	vor.u32 v0, v21;
	v29 =	vor.u32 v0, v26;
	v19 =	vor.u32 v0, v27  }
0x94: {  	s25 =	simm.s32 $0x0;
	s26 =	simm.s32 $0x2180;
	v22 =	vld [tilespmem:s31+$0x0];
	v31 =	vor.u32 v0, v40;
	v27 =	vand.u32 $0xFFF0, v41;
	v23 =	vor.u32 v0, v23  }
.LBB2_7:
0x95: {  	v26 =	vld [tilespmem:s26+$0xFFFFFFA0];
	s25 =	sadd.s32 $0x100, s25;
	vm3 =	veq.s32 v34, v15;
	vm9 =	veq.s32 v32, v15;
	vm4 =	vmmov vm2  }
0x96: {  	v32 =	vand.u32 $0xFFF0, v17;
	v17 =	vshra.s32 v24, $0x14;
	vm8 =	veq.s32 v28, v15;
	v34 =	vld [tilespmem:s26+$0xFFFFFF90];
	p1 =	slt.u32 s25, $0x1F00  }
0x97: {  	v28 =	vor.u32 v0, v33;
	v33 =	vor.u32 v0, v35;
	vm7 =	veq.s32 v17, v15;
	v39 =	vld [tilespmem:s26+$0xFFFFFFE0]  }
0x98: {  	v24 =	vshrl.u32 v24, $0x4;
	v35 =	vld [tilespmem:s26+$0x70];
	v40 =	vshra.s32 v38, $0x14;
	v17 =	vshrl.u32 v38, $0x4  }
0x99: {  	v24 =	vand.u32 $0xFFF0, v24;
	v41 =	vshra.s32 v36, $0x14;
	v36 =	vshrl.u32 v36, $0x4;
	v38 =	vld [tilespmem:s26+$0x20]  }
0x9a: {  	v43 =	vor.u32 v0, v24;
	vm2 =	veq.s32 v41, v15;
	v24 =	vand.u32 $0xFFF0, v36;
	v42 =	vld [tilespmem:s26+$0x60]  }
0x9b: {  	v41 =	vand.u32 $0xFFF0, v17;
	v44 =	vshra.s32 v37, $0x14;
	v45 =	vor.u32 v0, v24;
	v36 =	vld [tilespmem:s26+$0x0]  }
0x9c: {  	v47 =	vshrl.u32 v22, $0x4;
	v37 =	vshrl.u32 v37, $0x4;
	v17 =	vshrl.u32 v39, $0x4;
	v46 =	vld [tilespmem:s26+$0x30]  }
0x9d: {  	v48 =	vor.u32 v0, v32;
	v32 =	vand.u32 $0xFFF0, v37;
	v37 =	vand.u32 $0xFFF0, v47;
	v24 =	vld [tilespmem:s26+$0x10]  }
0x9e: {  	vm11 =	veq.s32 v30, v15;
	vm10 =	veq.s32 v44, v15;
	[tilespmem:v33+s18+$0x0] =	vst.idx.add.s32.msk vm9, v3  }
0x9f: {  	v32 =	vor.u32 v0, v32;
	v30 =	vshrl.u32 v42, $0x4;
	[tilespmem:v31+s18+$0x0] =	vst.idx.add.s32.msk vm5, v3  }
0xa0: {  	v33 =	vor.u32 v0, v16;
	v31 =	vshra.s32 v22, $0x14;
	[tilespmem:v29+s18+$0x0] =	vst.idx.add.s32.msk vm6, v3;
	v22 =	vmov v36  }
0xa1: {  	vm5 =	veq.s32 v25, v15;
	vm6 =	veq.s32 v31, v15;
	v16 =	vshrl.u32 v46, $0x4;
	[tilespmem:v28+s18+$0x0] =	vst.idx.add.s32.msk vm8, v3  }
0xa2: {  	v27 =	vor.u32 v0, v27;
	vm8 =	veq.s32 v40, v15;
	v25 =	vld [tilespmem:s26+$0xFFFFFFC0];
	v16 =	vand.u32 $0xFFF0, v16  }
0xa3: {  	v31 =	vor.u32 v0, v41;
	v29 =	vld [tilespmem:s26+$0xFFFFFFB0]  }
0xa4: {  	v36 =	vor.u32 v0, v37;
	[tilespmem:v43+s18+$0x0] =	vst.idx.add.s32.msk vm7, v3  }
0xa5: {  	[tilespmem:v33+s18+$0x0] =	vst.idx.add.s32.msk vm11, v3  }
0xa6: {  	v37 =	vshrl.u32 v35, $0x4;
	vm7 =	veq.s32 v18, v15;
	v33 =	vld [tilespmem:s26+$0xFFFFFFD0]  }
0xa7: {  	v41 =	vshra.s32 v42, $0x14;
	v42 =	vand.u32 $0xFFF0, v30;
	v43 =	vshra.s32 v35, $0x14;
	v40 =	vld [tilespmem:s26+$0x40]  }
0xa8: {  	v30 =	vshrl.u32 v38, $0x4;
	v28 =	vshra.s32 v38, $0x14;
	v35 =	vor.u32 v0, v20;
	[tilespmem:v32+s18+$0x0] =	vst.idx.add.s32.msk vm10, v3  }
0xa9: {  	v37 =	vand.u32 $0xFFF0, v37;
	v44 =	vshrl.u32 v25, $0x4;
	[tilespmem:v36+s18+$0x0] =	vst.idx.add.s32.msk vm6, v3  }
0xaa: {  	[tilespmem:v31+s18+$0x0] =	vst.idx.add.s32.msk vm8, v3  }
0xab: {  	v20 =	vshra.s32 v25, $0x14;
	v18 =	vshra.s32 v33, $0x14;
	v25 =	vshrl.u32 v33, $0x4;
	[tilespmem:v45+s18+$0x0] =	vst.idx.add.s32.msk vm2, v3  }
0xac: {  	vm2 =	veq.s32 v20, v15;
	v32 =	vshra.s32 v40, $0x14;
	v31 =	vshrl.u32 v40, $0x4;
	[tilespmem:v48+s18+$0x0] =	vst.idx.add.s32.msk vm5, v3  }
0xad: {  	v38 =	vshra.s32 v29, $0x14;
	v36 =	vshrl.u32 v26, $0x4;
	v20 =	vand.u32 $0xFFF0, v25;
	[tilespmem:v35+s18+$0x0] =	vst.idx.add.s32.msk vm7, v3  }
0xae: {  	v33 =	vand.u32 $0xFFF0, v30;
	v25 =	vshra.s32 v34, $0x14;
	v40 =	vshrl.u32 v29, $0x4;
	[tilespmem:v21+s18+$0x0] =	vst.idx.add.s32.msk vm0, v3  }
0xaf: {  	v35 =	vand.u32 $0xFFF0, v31;
	vm0 =	veq.s32 v25, v15;
	v21 =	vshrl.u32 v34, $0x4;
	[tilespmem:v23+s18+$0x0] =	vst.idx.add.s32.msk vm4, v3  }
.Ltmp2:
0xb0: {  	v30 =	vshra.s32 v46, $0x14;
	v25 =	vshra.s32 v39, $0x14;
	v23 =	vand.u32 $0xFFF0, v36;
	[tilespmem:v19+s18+$0x0] =	vst.idx.add.s32.msk vm3, v3;
	(pc) =	sbr.rel @p1 .LBB2_7-.Ltmp2, $4  }
0xb1: {  	vm5 =	veq.s32 v43, v15;
	v19 =	vand.u32 $0xFFF0, v21;
	[tilespmem:v27+s18+$0x0] =	vst.idx.add.s32.msk vm1, v3;
	vm1 =	veq.s32 v38, v15  }
0xb2: {  	v29 =	vor.u32 v0, v42;
	v34 =	vshra.s32 v26, $0x14;
	v21 =	vor.u32 v0, v19;
	v36 =	vld [tilespmem:s26+$0x50]  }
0xb3: {  	v31 =	vor.u32 v0, v37;
	v19 =	vor.u32 v0, v23;
	v23 =	vand.u32 $0xFFF0, v44;
	v38 =	vld [tilespmem:s26+$0xFFFFFF80]  }
0xb4: {  	vm6 =	veq.s32 v41, v15;
	v27 =	vand.u32 $0xFFF0, v40;
	v23 =	vor.u32 v0, v23;
	v37 =	vld [tilespmem:s26+$0xFFFFFFF0];
	s26 =	sadd.s32 $0x100, s26  }
0xb5: {  	vm4 =	veq.s32 v32, v15  }
0xb6: {  	v26 =	vshra.s32 v24, $0x14;
	vm7 =	veq.s32 v28, v15;
	v28 =	vor.u32 v0, v35  }
0xb7: {  	v24 =	vshrl.u32 v24, $0x4;
	vm8 =	veq.s32 v30, v15;
	v30 =	vshrl.u32 v22, $0x4  }
0xb8: {  	v22 =	vshra.s32 v22, $0x14;
	v16 =	vor.u32 v0, v16;
	vm2 =	vmmov vm2  }
0xb9: {  	vm3 =	veq.s32 v26, v15;
	v26 =	vor.u32 v0, v33;
	v24 =	vand.u32 $0xFFF0, v24  }
0xba: {  	[tilespmem:v31+s18+$0x0] =	vst.idx.add.s32.msk vm5, v3;
	v57 =	vshra.s32 v36, $0x14;
	v58 =	vshrl.u32 v36, $0x4;
	v24 =	vor.u32 v0, v24  }
0xbb: {  	[tilespmem:v29+s18+$0x0] =	vst.idx.add.s32.msk vm6, v3;
	v55 =	vshra.s32 v38, $0x14;
	v59 =	vshra.s32 v37, $0x14;
	v60 =	vshrl.u32 v37, $0x4  }
0xbc: {  	[tilespmem:v21+s18+$0x0] =	vst.idx.add.s32.msk vm0, v3;
	v56 =	vshrl.u32 v38, $0x4;
	v37 =	vand.u32 $0xFFF0, v60;
	vm9 =	veq.s32 v59, v15  }
0xbd: {  	[tilespmem:v28+s18+$0x0] =	vst.idx.add.s32.msk vm4, v3;
	v28 =	vand.u32 $0xFFF0, v30;
	v30 =	vor.u32 v0, v37;
	vm4 =	veq.s32 v22, v15  }
0xbe: {  	vm6 =	veq.s32 v57, v15;
	v29 =	vand.u32 $0xFFF0, v58;
	[tilespmem:v26+s18+$0x0] =	vst.idx.add.s32.msk vm7, v3;
	v28 =	vor.u32 v0, v28  }
0xbf: {  	vm5 =	veq.s32 v55, v15;
	v22 =	vand.u32 $0xFFF0, v56;
	v26 =	vor.u32 v0, v29;
	[tilespmem:v16+s18+$0x0] =	vst.idx.add.s32.msk vm8, v3  }
0xc0: {  	v17 =	vand.u32 $0xFFF0, v17;
	vm7 =	veq.s32 v25, v15;
	[tilespmem:v23+s18+$0x0] =	vst.idx.add.s32.msk vm2, v3;
	v22 =	vor.u32 v0, v22  }
0xc1: {  	v17 =	vor.u32 v0, v17;
	[tilespmem:v24+s18+$0x0] =	vst.idx.add.s32.msk vm3, v3  }
0xc2: {  	vm3 =	veq.s32 v18, v15;
	v18 =	vor.u32 v0, v27;
	[tilespmem:v30+s18+$0x0] =	vst.idx.add.s32.msk vm9, v3  }
0xc3: {  	v16 =	vor.u32 v0, v20;
	[tilespmem:v28+s18+$0x0] =	vst.idx.add.s32.msk vm4, v3;
	vm4 =	veq.s32 v34, v15  }
0xc4: {  	[tilespmem:v26+s18+$0x0] =	vst.idx.add.s32.msk vm6, v3  }
0xc5: {  	[tilespmem:v22+s18+$0x0] =	vst.idx.add.s32.msk vm5, v3  }
0xc6: {  	[tilespmem:v17+s18+$0x0] =	vst.idx.add.s32.msk vm7, v3  }
0xc7: {  	s24 =	sadd.s32 @!p0 s24, s9;
	[tilespmem:v18+s18+$0x0] =	vst.idx.add.s32.msk vm1, v3  }
0xc8: {  	s24 =	sshrl.u32 @!p0 s24, $0x3;
	[tilespmem:v16+s18+$0x0] =	vst.idx.add.s32.msk vm3, v3  }
0xc9: {  	s25 =	simm.s32 @!p0 $0x0;
	s26 =	simm.s32 @!p0 $0x2000;
	s24 =	sadd.s32 @!p0 s2, s24;
	[tilespmem:v19+s18+$0x0] =	vst.idx.add.s32.msk vm4, v3  }
0xca: {  	[tilespmem:s26], [sflag:$0x2] =	stream.linear.gather @!p0 [hbm4b:s24+s25], $0x2000, $0x38;
	[tilespmem:$0x17080] =	vst v63  }
0xcb: {  	_ =	swait.ge [sflag:s20], $0x2000  }
0xcc: {  	[sflag:s20] =	ssyncset.done $0x0  }
0xcd: {  	s31 =	simm.s32 $0x4080;
	[sflag:s20] =	ssyncadd.s32 $0xFFFFE000  }
0xce: {  	v20 =	vld [tilespmem:s31+$0xFFFFFFA0]  }
0xcf: {  	v21 =	vld [tilespmem:s31+$0xFFFFFFE0]  }
0xd0: {  	v18 =	vld [tilespmem:s31+$0x60]  }
0xd1: {  	v23 =	vld [tilespmem:s31+$0x30]  }
0xd2: {  	v19 =	vld [tilespmem:s31+$0x70]  }
0xd3: {  	v22 =	vld [tilespmem:s31+$0x20]  }
0xd4: {  	v24 =	vld [tilespmem:s31+$0xFFFFFFC0]  }
0xd5: {  	v25 =	vld [tilespmem:s31+$0xFFFFFFD0]  }
0xd6: {  	v27 =	vld [tilespmem:s31+$0x40]  }
0xd7: {  	v29 =	vld [tilespmem:s31+$0xFFFFFFB0]  }
0xd8: {  	v31 =	vld [tilespmem:s31+$0xFFFFFF90];
	v17 =	vshrl.u32 v21, $0x4;
	v26 =	vshrl.u32 v18, $0x4;
	v16 =	vshrl.u32 v23, $0x4  }
0xd9: {  	v30 =	vshrl.u32 v19, $0x4;
	v39 =	vshra.s32 v18, $0x14;
	v61 =	vshra.s32 v19, $0x14  }
0xda: {  	v28 =	vshra.s32 v22, $0x14;
	v22 =	vshrl.u32 v22, $0x4;
	v62 =	vshrl.u32 v24, $0x4  }
0xdb: {  	v19 =	vshra.s32 v24, $0x14;
	v18 =	vshra.s32 v25, $0x14;
	v24 =	vshrl.u32 v25, $0x4  }
0xdc: {  	v32 =	vshra.s32 v27, $0x14;
	v25 =	vshrl.u32 v27, $0x4;
	v27 =	vshrl.u32 v20, $0x4  }
0xdd: {  	v63 =	vshra.s32 v29, $0x14;
	v41 =	vshrl.u32 v29, $0x4;
	v29 =	vshrl.u32 v31, $0x4  }
0xde: {  	v34 =	vshra.s32 v20, $0x14;
	v16 =	vand.u32 $0xFFF0, v16;
	v26 =	vand.u32 $0xFFF0, v26  }
0xdf: {  	v40 =	vand.u32 $0xFFF0, v30;
	vm2 =	veq.s32 v19, v15;
	v19 =	vand.u32 $0xFFF0, v24  }
0xe0: {  	v24 =	vshra.s32 v31, $0x14;
	v33 =	vand.u32 $0xFFF0, v22;
	v35 =	vand.u32 $0xFFF0, v25  }
0xe1: {  	v36 =	vld [tilespmem:s31+$0x50];
	v27 =	vand.u32 $0xFFF0, v27;
	v25 =	vshra.s32 v21, $0x14;
	v30 =	vshra.s32 v23, $0x14  }
0xe2: {  	v21 =	vand.u32 $0xFFF0, v29;
	vm1 =	veq.s32 v63, v15;
	vm0 =	veq.s32 v24, v15;
	v24 =	vld [tilespmem:s31+$0x10]  }
0xe3: {  	v38 =	vld [tilespmem:s31+$0xFFFFFF80];
	vm5 =	veq.s32 v61, v15;
	v23 =	vand.u32 $0xFFF0, v62;
	vm6 =	veq.s32 v39, v15  }
0xe4: {  	v37 =	vld [tilespmem:s31+$0xFFFFFFF0];
	v21 =	vor.u32 v0, v21;
	v29 =	vor.u32 v0, v26;
	v20 =	vor.u32 v0, v27  }
0xe5: {  	s24 =	simm.s32 $0x0;
	s25 =	simm.s32 $0x4180;
	v22 =	vld [tilespmem:s31+$0x0];
	v31 =	vor.u32 v0, v40;
	v27 =	vand.u32 $0xFFF0, v41;
	v23 =	vor.u32 v0, v23  }
.LBB2_9:
0xe6: {  	v26 =	vld [tilespmem:s25+$0xFFFFFFA0];
	s24 =	sadd.s32 $0x100, s24;
	vm3 =	veq.s32 v34, v15;
	vm9 =	veq.s32 v32, v15;
	vm4 =	vmmov vm2  }
0xe7: {  	v32 =	vand.u32 $0xFFF0, v17;
	v17 =	vshra.s32 v24, $0x14;
	vm8 =	veq.s32 v28, v15;
	v34 =	vld [tilespmem:s25+$0xFFFFFF90];
	p1 =	slt.u32 s24, $0x1F00  }
0xe8: {  	v28 =	vor.u32 v0, v33;
	v33 =	vor.u32 v0, v35;
	vm7 =	veq.s32 v17, v15;
	v39 =	vld [tilespmem:s25+$0xFFFFFFE0]  }
0xe9: {  	v24 =	vshrl.u32 v24, $0x4;
	v35 =	vld [tilespmem:s25+$0x70];
	v40 =	vshra.s32 v38, $0x14;
	v17 =	vshrl.u32 v38, $0x4  }
0xea: {  	v24 =	vand.u32 $0xFFF0, v24;
	v41 =	vshra.s32 v36, $0x14;
	v36 =	vshrl.u32 v36, $0x4;
	v38 =	vld [tilespmem:s25+$0x20]  }
0xeb: {  	v43 =	vor.u32 v0, v24;
	vm2 =	veq.s32 v41, v15;
	v24 =	vand.u32 $0xFFF0, v36;
	v42 =	vld [tilespmem:s25+$0x60]  }
0xec: {  	v41 =	vand.u32 $0xFFF0, v17;
	v44 =	vshra.s32 v37, $0x14;
	v45 =	vor.u32 v0, v24;
	v36 =	vld [tilespmem:s25+$0x0]  }
0xed: {  	v47 =	vshrl.u32 v22, $0x4;
	v37 =	vshrl.u32 v37, $0x4;
	v17 =	vshrl.u32 v39, $0x4;
	v46 =	vld [tilespmem:s25+$0x30]  }
0xee: {  	v48 =	vor.u32 v0, v32;
	v32 =	vand.u32 $0xFFF0, v37;
	v37 =	vand.u32 $0xFFF0, v47;
	v24 =	vld [tilespmem:s25+$0x10]  }
0xef: {  	vm11 =	veq.s32 v30, v15;
	vm10 =	veq.s32 v44, v15;
	[tilespmem:v33+s18+$0x0] =	vst.idx.add.s32.msk vm9, v3  }
0xf0: {  	v32 =	vor.u32 v0, v32;
	v30 =	vshrl.u32 v42, $0x4;
	[tilespmem:v31+s18+$0x0] =	vst.idx.add.s32.msk vm5, v3  }
0xf1: {  	v33 =	vor.u32 v0, v16;
	v31 =	vshra.s32 v22, $0x14;
	[tilespmem:v29+s18+$0x0] =	vst.idx.add.s32.msk vm6, v3;
	v22 =	vmov v36  }
0xf2: {  	vm5 =	veq.s32 v25, v15;
	vm6 =	veq.s32 v31, v15;
	v16 =	vshrl.u32 v46, $0x4;
	[tilespmem:v28+s18+$0x0] =	vst.idx.add.s32.msk vm8, v3  }
0xf3: {  	v27 =	vor.u32 v0, v27;
	vm8 =	veq.s32 v40, v15;
	v25 =	vld [tilespmem:s25+$0xFFFFFFC0];
	v16 =	vand.u32 $0xFFF0, v16  }
0xf4: {  	v31 =	vor.u32 v0, v41;
	v29 =	vld [tilespmem:s25+$0xFFFFFFB0]  }
0xf5: {  	v36 =	vor.u32 v0, v37;
	[tilespmem:v43+s18+$0x0] =	vst.idx.add.s32.msk vm7, v3  }
0xf6: {  	[tilespmem:v33+s18+$0x0] =	vst.idx.add.s32.msk vm11, v3  }
0xf7: {  	v37 =	vshrl.u32 v35, $0x4;
	vm7 =	veq.s32 v18, v15;
	v33 =	vld [tilespmem:s25+$0xFFFFFFD0]  }
0xf8: {  	v41 =	vshra.s32 v42, $0x14;
	v42 =	vand.u32 $0xFFF0, v30;
	v43 =	vshra.s32 v35, $0x14;
	v40 =	vld [tilespmem:s25+$0x40]  }
0xf9: {  	v30 =	vshrl.u32 v38, $0x4;
	v28 =	vshra.s32 v38, $0x14;
	v35 =	vor.u32 v0, v19;
	[tilespmem:v32+s18+$0x0] =	vst.idx.add.s32.msk vm10, v3  }
0xfa: {  	v37 =	vand.u32 $0xFFF0, v37;
	v44 =	vshrl.u32 v25, $0x4;
	[tilespmem:v36+s18+$0x0] =	vst.idx.add.s32.msk vm6, v3  }
0xfb: {  	[tilespmem:v31+s18+$0x0] =	vst.idx.add.s32.msk vm8, v3  }
0xfc: {  	v19 =	vshra.s32 v25, $0x14;
	v18 =	vshra.s32 v33, $0x14;
	v25 =	vshrl.u32 v33, $0x4;
	[tilespmem:v45+s18+$0x0] =	vst.idx.add.s32.msk vm2, v3  }
0xfd: {  	vm2 =	veq.s32 v19, v15;
	v32 =	vshra.s32 v40, $0x14;
	v31 =	vshrl.u32 v40, $0x4;
	[tilespmem:v48+s18+$0x0] =	vst.idx.add.s32.msk vm5, v3  }
0xfe: {  	v38 =	vshra.s32 v29, $0x14;
	v36 =	vshrl.u32 v26, $0x4;
	v19 =	vand.u32 $0xFFF0, v25;
	[tilespmem:v35+s18+$0x0] =	vst.idx.add.s32.msk vm7, v3  }
0xff: {  	v33 =	vand.u32 $0xFFF0, v30;
	v25 =	vshra.s32 v34, $0x14;
	v40 =	vshrl.u32 v29, $0x4;
	[tilespmem:v21+s18+$0x0] =	vst.idx.add.s32.msk vm0, v3  }
0x100: {  	v35 =	vand.u32 $0xFFF0, v31;
	vm0 =	veq.s32 v25, v15;
	v21 =	vshrl.u32 v34, $0x4;
	[tilespmem:v23+s18+$0x0] =	vst.idx.add.s32.msk vm4, v3  }
.Ltmp3:
0x101: {  	v30 =	vshra.s32 v46, $0x14;
	v25 =	vshra.s32 v39, $0x14;
	v23 =	vand.u32 $0xFFF0, v36;
	[tilespmem:v20+s18+$0x0] =	vst.idx.add.s32.msk vm3, v3;
	(pc) =	sbr.rel @p1 .LBB2_9-.Ltmp3, $4  }
0x102: {  	vm5 =	veq.s32 v43, v15;
	v20 =	vand.u32 $0xFFF0, v21;
	[tilespmem:v27+s18+$0x0] =	vst.idx.add.s32.msk vm1, v3;
	vm1 =	veq.s32 v38, v15  }
0x103: {  	v29 =	vor.u32 v0, v42;
	v34 =	vshra.s32 v26, $0x14;
	v21 =	vor.u32 v0, v20;
	v36 =	vld [tilespmem:s25+$0x50]  }
0x104: {  	v31 =	vor.u32 v0, v37;
	v20 =	vor.u32 v0, v23;
	v23 =	vand.u32 $0xFFF0, v44;
	v38 =	vld [tilespmem:s25+$0xFFFFFF80]  }
0x105: {  	vm6 =	veq.s32 v41, v15;
	v27 =	vand.u32 $0xFFF0, v40;
	v23 =	vor.u32 v0, v23;
	v37 =	vld [tilespmem:s25+$0xFFFFFFF0];
	s25 =	sadd.s32 $0x100, s25  }
0x106: {  	_ =	sdelay $0x1  }
0x107: {  	vm4 =	veq.s32 v32, v15;
	v26 =	vshra.s32 v24, $0x14;
	vm7 =	veq.s32 v28, v15  }
0x108: {  	v47 =	vor.u32 v0, v33;
	v48 =	vor.u32 v0, v35;
	v63 =	vor.u32 v0, v27  }
0x109: {  	v50 =	vshrl.u32 v24, $0x4;
	vm9 =	veq.s32 v30, v15;
	v56 =	vshrl.u32 v22, $0x4  }
0x10a: {  	v57 =	vshra.s32 v22, $0x14;
	v16 =	vor.u32 v0, v16;
	[tilespmem:v31+s18+$0x0] =	vst.idx.add.s32.msk vm5, v3;
	v17 =	vand.u32 $0xFFF0, v17  }
0x10b: {  	[tilespmem:v29+s18+$0x0] =	vst.idx.add.s32.msk vm6, v3;
	vm13 =	veq.s32 v25, v15;
	vm2 =	vmmov vm2;
	vm15 =	veq.s32 v34, v15  }
0x10c: {  	[tilespmem:v21+s18+$0x0] =	vst.idx.add.s32.msk vm0, v3;
	vm3 =	veq.s32 v26, v15;
	v24 =	vand.u32 $0xFFF0, v50;
	v17 =	vor.u32 v0, v17  }
0x10d: {  	v58 =	vand.u32 $0xFFF0, v56;
	vm10 =	veq.s32 v57, v15;
	v53 =	vshra.s32 v36, $0x14;
	[tilespmem:v63+s18+$0x0] =	vst.idx.add.s32.msk vm1, v3  }
0x10e: {  	v54 =	vshrl.u32 v36, $0x4;
	v24 =	vor.u32 v0, v24;
	v28 =	vor.u32 v0, v58;
	[tilespmem:v48+s18+$0x0] =	vst.idx.add.s32.msk vm4, v3  }
0x10f: {  	v49 =	vshra.s32 v38, $0x14;
	v52 =	vshrl.u32 v38, $0x4;
	vm12 =	veq.s32 v53, v15;
	[tilespmem:v47+s18+$0x0] =	vst.idx.add.s32.msk vm7, v3  }
0x110: {  	v61 =	vand.u32 $0xFFF0, v54;
	v51 =	vshra.s32 v37, $0x14;
	v55 =	vshrl.u32 v37, $0x4;
	[tilespmem:v16+s18+$0x0] =	vst.idx.add.s32.msk vm9, v3  }
0x111: {  	v60 =	vand.u32 $0xFFF0, v52;
	vm11 =	veq.s32 v49, v15;
	v62 =	vor.u32 v0, v61;
	[tilespmem:v17+s18+$0x0] =	vst.idx.add.s32.msk vm13, v3  }
0x112: {  	vm8 =	veq.s32 v51, v15;
	v37 =	vand.u32 $0xFFF0, v55;
	v22 =	vor.u32 v0, v60;
	[tilespmem:v23+s18+$0x0] =	vst.idx.add.s32.msk vm2, v3  }
0x113: {  	vm14 =	veq.s32 v18, v15;
	v59 =	vor.u32 v0, v37;
	[tilespmem:v20+s18+$0x0] =	vst.idx.add.s32.msk vm15, v3  }
0x114: {  	v16 =	vor.u32 v0, v19;
	[tilespmem:v24+s18+$0x0] =	vst.idx.add.s32.msk vm3, v3  }
.Ltmp4:
0x115: {  	[tilespmem:v28+s18+$0x0] =	vst.idx.add.s32.msk vm10, v3;
	(pc) =	sbr.rel @p0 .LBB2_11-.Ltmp4, $4  }
0x116: {  	[tilespmem:v62+s18+$0x0] =	vst.idx.add.s32.msk vm12, v3  }
0x117: {  	[tilespmem:v22+s18+$0x0] =	vst.idx.add.s32.msk vm11, v3  }
0x118: {  	[tilespmem:v59+s18+$0x0] =	vst.idx.add.s32.msk vm8, v3  }
0x119: {  	[tilespmem:v16+s18+$0x0] =	vst.idx.add.s32.msk vm14, v3  }
0x11a: {  	s24 =	smul.u32 $0x6000, s23  }
.Ltmp5:
0x11b: {  	_ = 	snop;
	(pc) =	sbr.rel .LBB2_4-.Ltmp5, $4  }
0x11c: {  	s24 =	sadd.s32 s24, s10  }
0x11d: {  	s24 =	sshrl.u32 s24, $0x3  }
0x11e: {  	s23 =	sadd.s32 $0x1, s23;
	s24 =	sadd.s32 s2, s24  }
0x11f: {  	[tilespmem:s16], [sflag:$0x3] =	stream.linear.gather [hbm4b:s24+s3], $0x2000, $0x38;
	[tilespmem:$0x17080] =	vst v63  }
.LBB2_11:
0x120: {  	s25 =	simm.s32 $0x100  }
0x121: {  	s24 =	simm.s32 $0x0;
	v15 =	vor.u32 s25, v1  }
0x122: {  	v16 =	vor.u32 s24, v1  }
0x123: {  	v17 =	vor.u32 s24, v4  }
0x124: {  	v18 =	vor.u32 s24, v5  }
0x125: {  	v19 =	vor.u32 s24, v6  }
0x126: {  	v20 =	vor.u32 s24, v7;
	v21 =	vld.idx.msk [tilespmem:v15+s18+$0x0], $0xffff  }
0x127: {  	v25 =	vor.u32 s24, v12;
	v22 =	vld.idx.msk [tilespmem:v16+s18+$0x0], $0xffff  }
0x128: {  	v15 =	vor.u32 s24, v8;
	v23 =	vld.idx.msk [tilespmem:v17+s18+$0x0], $0xffff  }
0x129: {  	v16 =	vor.u32 s24, v9;
	v24 =	vld.idx.msk [tilespmem:v18+s18+$0x0], $0xffff  }
0x12a: {  	v17 =	vor.u32 s24, v10;
	v19 =	vld.idx.msk [tilespmem:v19+s18+$0x0], $0xffff  }
0x12b: {  	v18 =	vor.u32 s24, v11;
	v20 =	vld.idx.msk [tilespmem:v20+s18+$0x0], $0xffff  }
0x12c: {  	v27 =	vor.u32 s24, v13;
	v25 =	vld.idx.msk [tilespmem:v25+s18+$0x0], $0xffff  }
0x12d: {  	v29 =	vor.u32 s24, v14;
	v26 =	vld.idx.msk [tilespmem:v15+s18+$0x0], $0xffff;
	v15 =	vor.u32 $0xC, v1  }
0x12e: {  	v28 =	vld.idx.msk [tilespmem:v16+s18+$0x0], $0xffff;
	v16 =	vor.u32 $0xD, v1;
	v31 =	vor.u32 s24, v15  }
0x12f: {  	v30 =	vld.idx.msk [tilespmem:v17+s18+$0x0], $0xffff;
	v17 =	vor.u32 $0xE, v1;
	v33 =	vor.u32 s24, v16  }
0x130: {  	v32 =	vld.idx.msk [tilespmem:v18+s18+$0x0], $0xffff;
	v18 =	vor.u32 $0xF, v1;
	v34 =	vor.u32 s24, v17  }
0x131: {  	v22 =	vadd.s32 v22, v23;
	v23 =	vld.idx.msk [tilespmem:v27+s18+$0x0], $0xffff;
	v27 =	vor.u32 s24, v18  }
0x132: {  	v22 =	vadd.s32 v24, v22;
	v24 =	vld.idx.msk [tilespmem:v29+s18+$0x0], $0xffff;
	v29 =	vor.u32 s25, v5  }
0x133: {  	v35 =	vor.u32 s25, v4;
	v19 =	vadd.s32 v19, v22;
	v22 =	vld.idx.msk [tilespmem:v31+s18+$0x0], $0xffff  }
0x134: {  	v61 =	vor.u32 s25, v7;
	v19 =	vadd.s32 v20, v19;
	v20 =	vld.idx.msk [tilespmem:v33+s18+$0x0], $0xffff  }
0x135: {  	v19 =	vadd.s32 v26, v19;
	v31 =	vor.u32 s25, v6;
	v34 =	vld.idx.msk [tilespmem:v34+s18+$0x0], $0xffff  }
0x136: {  	v26 =	vor.u32 s25, v8;
	v19 =	vadd.s32 v28, v19;
	v28 =	vld.idx.msk [tilespmem:v27+s18+$0x0], $0xffff  }
0x137: {  	v62 =	vor.u32 s25, v10;
	v29 =	vld.idx.msk [tilespmem:v29+s18+$0x0], $0xffff;
	v19 =	vadd.s32 v30, v19  }
0x138: {  	v27 =	vor.u32 s25, v9;
	v30 =	vld.idx.msk [tilespmem:v35+s18+$0x0], $0xffff;
	v19 =	vadd.s32 v32, v19  }
0x139: {  	v63 =	vor.u32 s25, v11;
	v33 =	vld.idx.msk [tilespmem:v61+s18+$0x0], $0xffff;
	v19 =	vadd.s32 v25, v19  }
0x13a: {  	v36 =	vor.u32 s25, v12;
	v19 =	vadd.s32 v23, v19;
	v31 =	vld.idx.msk [tilespmem:v31+s18+$0x0], $0xffff  }
0x13b: {  	v37 =	vor.u32 s25, v13;
	v25 =	vld.idx.msk [tilespmem:v26+s18+$0x0], $0xffff;
	v19 =	vadd.s32 v24, v19  }
0x13c: {  	v26 =	vld.idx.msk [tilespmem:v62+s18+$0x0], $0xffff;
	v22 =	vadd.s32 v22, v19;
	v19 =	vor.u32 s25, v14  }
0x13d: {  	v24 =	vld.idx.msk [tilespmem:v27+s18+$0x0], $0xffff;
	v21 =	vadd.s32 v21, v30;
	v20 =	vadd.s32 v20, v22;
	v22 =	vor.u32 s25, v15  }
0x13e: {  	v23 =	vor.u32 s25, v16;
	v27 =	vld.idx.msk [tilespmem:v63+s18+$0x0], $0xffff;
	v21 =	vadd.s32 v29, v21;
	v20 =	vadd.s32 v34, v20  }
0x13f: {  	s23 =	simm.s32 $0x16010;
	v29 =	vadd.s32 v28, v20;
	v28 =	vld.idx.msk [tilespmem:v36+s18+$0x0], $0xffff;
	v30 =	vadd.s32 v31, v21;
	v21 =	vor.u32 s25, v17  }
0x140: {  	s24 =	simm.s32 $0x0;
	v20 =	vor.u32 s25, v18;
	[tilespmem:s23+$0xFFFFFFF0] =	vst v29;
	v29 =	vld.idx.msk [tilespmem:v37+s18+$0x0], $0xffff;
	s25 =	simm.s32 $0x300;
	v30 =	vadd.s32 v33, v30  }
.LBB2_12:
0x141: {  	s26 =	sadd.s32 $0xFFFFFF00, s25;
	v31 =	vor.u32 s25, v1;
	v32 =	vor.u32 s25, v4;
	v33 =	vor.u32 s25, v5;
	v34 =	vld.idx.msk [tilespmem:v19+s18+$0x0], $0xffff  }
0x142: {  	v36 =	vor.u32 s25, v6;
	v37 =	vor.u32 s25, v7;
	s24 =	sadd.s32 $0x20, s24;
	v35 =	vor.u32 s26, v1;
	v22 =	vld.idx.msk [tilespmem:v22+s18+$0x0], $0xffff  }
0x143: {  	v39 =	vor.u32 s25, v8;
	v40 =	vor.u32 s25, v9;
	v38 =	vor.u32 s26, v4;
	p0 =	slt.u32 s24, $0xFE0;
	v41 =	vld.idx.msk [tilespmem:v23+s18+$0x0], $0xffff  }
0x144: {  	v42 =	vor.u32 s25, v10;
	v43 =	vor.u32 s25, v11;
	v23 =	vor.u32 s26, v5;
	v44 =	vld.idx.msk [tilespmem:v21+s18+$0x0], $0xffff  }
0x145: {  	v45 =	vor.u32 s25, v12;
	v46 =	vor.u32 s25, v13;
	v21 =	vor.u32 s26, v6;
	v47 =	vld.idx.msk [tilespmem:v20+s18+$0x0], $0xffff  }
0x146: {  	v19 =	vor.u32 s25, v14;
	v25 =	vadd.s32 v25, v30;
	v20 =	vor.u32 s26, v7;
	v31 =	vld.idx.msk [tilespmem:v31+s18+$0x0], $0xffff  }
0x147: {  	v24 =	vadd.s32 v24, v25;
	v30 =	vld.idx.msk [tilespmem:v35+s18+$0x0], $0xffff;
	v35 =	vor.u32 s26, v8  }
0x148: {  	v24 =	vadd.s32 v26, v24;
	v25 =	vld.idx.msk [tilespmem:v38+s18+$0x0], $0xffff;
	v38 =	vor.u32 s26, v9  }
0x149: {  	v26 =	vor.u32 s26, v10;
	v24 =	vadd.s32 v27, v24;
	v23 =	vld.idx.msk [tilespmem:v23+s18+$0x0], $0xffff  }
0x14a: {  	v27 =	vor.u32 s26, v11;
	v24 =	vadd.s32 v28, v24;
	v21 =	vld.idx.msk [tilespmem:v21+s18+$0x0], $0xffff  }
0x14b: {  	v28 =	vor.u32 s26, v12;
	v24 =	vadd.s32 v29, v24;
	v20 =	vld.idx.msk [tilespmem:v20+s18+$0x0], $0xffff  }
0x14c: {  	v24 =	vadd.s32 v34, v24;
	v29 =	vld.idx.msk [tilespmem:v35+s18+$0x0], $0xffff;
	v35 =	vor.u32 s26, v13  }
0x14d: {  	v24 =	vadd.s32 v22, v24;
	v34 =	vld.idx.msk [tilespmem:v38+s18+$0x0], $0xffff;
	v38 =	vor.u32 s26, v14  }
0x14e: {  	v22 =	vadd.s32 v30, v25;
	v25 =	vld.idx.msk [tilespmem:v26+s18+$0x0], $0xffff;
	v26 =	vor.u32 s26, v15  }
0x14f: {  	v30 =	vor.u32 s26, v16;
	v22 =	vadd.s32 v23, v22;
	v27 =	vld.idx.msk [tilespmem:v27+s18+$0x0], $0xffff  }
0x150: {  	v48 =	vor.u32 s26, v17;
	v21 =	vadd.s32 v21, v22;
	v28 =	vld.idx.msk [tilespmem:v28+s18+$0x0], $0xffff  }
0x151: {  	v49 =	vor.u32 s26, v18;
	v22 =	vor.u32 s25, v15;
	v20 =	vadd.s32 v20, v21;
	v35 =	vld.idx.msk [tilespmem:v35+s18+$0x0], $0xffff  }
0x152: {  	v23 =	vor.u32 s25, v16;
	v21 =	vor.u32 s25, v17;
	v20 =	vadd.s32 v29, v20;
	v29 =	vld.idx.msk [tilespmem:v38+s18+$0x0], $0xffff  }
0x153: {  	v24 =	vadd.s32 v41, v24;
	v34 =	vadd.s32 v34, v20;
	v20 =	vor.u32 s25, v18;
	v26 =	vld.idx.msk [tilespmem:v26+s18+$0x0], $0xffff  }
0x154: {  	v24 =	vadd.s32 v44, v24;
	v25 =	vadd.s32 v25, v34;
	v30 =	vld.idx.msk [tilespmem:v30+s18+$0x0], $0xffff  }
0x155: {  	v24 =	vadd.s32 v47, v24;
	v25 =	vadd.s32 v27, v25;
	v27 =	vld.idx.msk [tilespmem:v48+s18+$0x0], $0xffff  }
0x156: {  	v25 =	vadd.s32 v28, v25;
	v28 =	vld.idx.msk [tilespmem:v49+s18+$0x0], $0xffff;
	[tilespmem:s23+$0x0] =	vst v24  }
0x157: {  	v24 =	vadd.s32 v35, v25;
	v32 =	vld.idx.msk [tilespmem:v32+s18+$0x0], $0xffff  }
0x158: {  	v24 =	vadd.s32 v29, v24;
	v29 =	vld.idx.msk [tilespmem:v33+s18+$0x0], $0xffff  }
0x159: {  	v24 =	vadd.s32 v26, v24;
	v33 =	vld.idx.msk [tilespmem:v36+s18+$0x0], $0xffff  }
0x15a: {  	v24 =	vadd.s32 v30, v24;
	v30 =	vld.idx.msk [tilespmem:v37+s18+$0x0], $0xffff  }
0x15b: {  	v24 =	vadd.s32 v27, v24;
	v25 =	vld.idx.msk [tilespmem:v39+s18+$0x0], $0xffff  }
.Ltmp6:
0x15c: {  	s23 =	sadd.s32 $0x20, s23;
	v26 =	vadd.s32 v28, v24;
	v24 =	vld.idx.msk [tilespmem:v40+s18+$0x0], $0xffff;
	(pc) =	sbr.rel @p0 .LBB2_12-.Ltmp6, $4  }
0x15d: {  	v27 =	vadd.s32 v31, v32;
	[tilespmem:s23+$0xFFFFFFF0] =	vst v26;
	v26 =	vld.idx.msk [tilespmem:v42+s18+$0x0], $0xffff  }
0x15e: {  	v28 =	vadd.s32 v29, v27;
	v27 =	vld.idx.msk [tilespmem:v43+s18+$0x0], $0xffff  }
0x15f: {  	v29 =	vadd.s32 v33, v28;
	v28 =	vld.idx.msk [tilespmem:v45+s18+$0x0], $0xffff  }
0x160: {  	s25 =	sadd.s32 $0x200, s25;
	v30 =	vadd.s32 v30, v29;
	v29 =	vld.idx.msk [tilespmem:v46+s18+$0x0], $0xffff  }
0x161: {  	_ =	sdelay $0x2  }
0x162: {  	v15 =	vadd.s32 v25, v30  }
0x163: {  	v16 =	vld.idx.msk [tilespmem:v19+s18+$0x0], $0xffff;
	v15 =	vadd.s32 v24, v15  }
0x164: {  	v17 =	vld.idx.msk [tilespmem:v22+s18+$0x0], $0xffff;
	v15 =	vadd.s32 v26, v15  }
0x165: {  	v18 =	vld.idx.msk [tilespmem:v23+s18+$0x0], $0xffff;
	v15 =	vadd.s32 v27, v15  }
0x166: {  	v63 =	vld.idx.msk [tilespmem:v21+s18+$0x0], $0xffff;
	v15 =	vadd.s32 v28, v15  }
0x167: {  	v20 =	vld.idx.msk [tilespmem:v20+s18+$0x0], $0xffff;
	v15 =	vadd.s32 v29, v15  }
0x168: {  	v15 =	vadd.s32 v16, v15  }
0x169: {  	v15 =	vadd.s32 v17, v15  }
0x16a: {  	v15 =	vadd.s32 v18, v15  }
0x16b: {  	s22 =	sadd.s32 $0x1, s22;
	v15 =	vadd.s32 v63, v15  }
0x16c: {  	p0 =	sne.s32 s22, s12;
	v15 =	vadd.s32 v20, v15  }
.Ltmp7:
0x16d: {  	[tilespmem:s23+$0x0] =	vst v15;
	(pc) =	sbr.rel @p0 .LBB2_1-.Ltmp7, $4  }
0x16e: {  	[hbm4b:s11+s3] =	stream.linear.scatter [tilespmem:s21], [sflag:$0x4], $0x1000, $0x38;
	[tilespmem:$0x17080] =	vst v63  }
0x16f: {  	_ =	swait.ge [sflag:s14], $0x1000  }
0x170: {  	[sflag:s14] =	ssyncset.done $0x0  }
0x171: {  	[sflag:s14] =	ssyncadd.s32 $0xFFFFF000  }
0x172: {  	_ =	sfence.sel $0x180000  }
0x173: {  	[bflag:$0x0] =	sbarrier.arrive $0xFFFF  }
0x174: {  	p0 =	sne.s32 s0, $0x0;
	_ =	strace $0x9000004A  }
0x175: {  	s0 =	sadd.s32 @!p0 $0x100000, s1;
	[bflag:$0x2] =	sbarrier.arrive $0xFFFF  }
0x176: {  	[sflag:s0] =	ssyncadd.tile.s32 @!p0 $0x1;
	_ =	shalt  }
.Lfunc_end2:
_tile_overlayer_lowered:
.L_overlay_start_2:
0x177: {  	(tag) =	ssettag $0x2  }
0x178: {  	s0 =	rddreg [dreg:$0x0];
	s2 =	stileid.u32  }
0x179: {  	s1 =	rddreg [dreg:$0x1];
	p0 =	sne.s32 s2, $0x0  }
0x17a: {  	s3 =	rddreg [dreg:$0x2];
	[bflag:$0x3] =	sbarrier.arrive $0xFFFF;
	s2 =	simm.s32 @!p0 $0x1C04  }
0x17b: {  	[timem:s3], [sflag:s2] =	dma.local @!p0 [hbm:s0], s1  }
0x17c: {  	s0 =	simm.s32 @!p0 $0x4  }
0x17d: {  	_ =	swait.ge @!p0 [sflag:s0], s1  }
0x17e: {  	s1 =	ssub.s32 @!p0 $0x0, s1;
	[sflag:s0] =	ssyncset.done @!p0 $0x0  }
0x17f: {  	[sflag:s0] =	ssyncadd.s32 @!p0 s1  }
0x180: {  	[bflag:$0x3] =	sbarrier.arrive $0xFFFF  }
0x181: {  	_ =	shalt  }

// kernel: kwta_hist3.3.cloned.1.call-start
scs
__scs_entry_jumppad:
0x0: {  	(pc) =	sbr.rel $0x88, $3  }
0x1: {  	(tag) =	ssettag $0x0;
	lr =	simm.s32 $0x1  }
0x2: {  	[smem:$0x3FA0] =	sst lr;
	_ =	strace $0xD0000000  }
0x3: {  	_ = 	snop  }
0x4: {  	_ = 	snop  }
0x5: {  	_ = 	snop  }
0x6: {  	_ = 	snop  }
0x7: {  	_ = 	snop  }
__scs_overlays_trampoline_lowered:
0x8: {  	[smem:$0x3FAF] =	sst s0  }
0x9: {  	[smem:$0x3FB0] =	sst s1  }
0xa: {  	[smem:$0x3FB1] =	sst s2  }
0xb: {  	[smem:$0x3FB2] =	sst s3  }
0xc: {  	[smem:$0x3FB3] =	sst s4  }
0xd: {  	[smem:$0x3FB4] =	sst s5  }
0xe: {  	[smem:$0x3FB5] =	sst s6  }
0xf: {  	[smem:$0x3FB6] =	sst s7  }
0x10: {  	[smem:$0x3FB7] =	sst s8  }
0x11: {  	[smem:$0x3FB8] =	sst s9;
	s0 =	simm.s32 @!p0 $0x0  }
0x12: {  	s1 =	sld [smem:$0x3F9E];
	s0 =	simm.s32 @p0 $0x1  }
0x13: {  	[smem:$0x3FB9] =	sst s0;
	s0 =	simm.s32 @!p1 $0x0  }
0x14: {  	s2 =	sld [smem:$0x3F9D];
	s0 =	simm.s32 @p1 $0x1  }
0x15: {  	[smem:$0x3FBA] =	sst s0;
	s0 =	simm.s32 @!p2 $0x0  }
0x16: {  	s3 =	sld [smem:$0x3FDB];
	s0 =	simm.s32 @p2 $0x1  }
0x17: {  	s4 =	simm.s32 $0x1BF5;
	[smem:$0x3FBC] =	sst s0  }
0x18: {  	s0 =	sld [smem:$0x3F9F];
	_ =	swait.ge [sflag:s4], $0x0  }
0x19: {  	s7 =	sld [smem:$0x3FA0]  }
0x1a: {  	s8 =	sadd.s32 $0xFFFFE003, lr  }
0x1b: {  	s9 =	sadd.s32 $0xFFFFFEF7, lr;
	s5 =	simm.s32 $0xFFFFFFFF;
	p2 =	slt.u32 s8, $0xFFFFF086  }
0x1c: {  	p1 =	slt.u32 s9, $0xF7A;
	s5 =	simm.s32 @!p2 $0x0  }
0x1d: {  	s5 =	simm.s32 @p1 $0x1;
	p0 =	seq.s32 s7, s2  }
0x1e: {  	s7 =	smul.u32 @!p0 $0xF7A, s2;
	p2 =	seq.s32 @!p0 s5, $0x0  }
0x1f: {  	s9 =	smul.u32 $0xF7A, s1;
	s8 =	simm.s32 @!p0 $0x1BF5;
	p2 =	por !p2, p0  }
0x20: {  	[sflag:s8] =	ssyncset.s32 @!p0 $0xFFFFF086;
	s6 =	sadd.s32 @!p0 s3, s7;
	s7 =	simm.s32 @!p0 $0x108  }
0x21: {  	s3 =	sadd.s32 s3, s9;
	s6 =	sadd.s32 @!p0 $0x88, s6;
	s7 =	simm.s32 @p2 $0x1082  }
0x22: {  	[simem:s7], [sflag:s8] =	dma.local @!p0 [hbm:s6], $0xF7A  }
0x23: {  	s9 =	sor.u32 $0xD0000000, s2;
	s6 =	simm.s32 $0x108;
	_ =	swait.ge @!p0 [sflag:s8], $0x0  }
0x24: {  	s3 =	sadd.s32 $0x88, s3;
	s6 =	simm.s32 @!p1 $0x1082;
	[sflag:s4] =	ssyncset.s32 $0xFFFFF086  }
0x25: {  	[simem:s6], [sflag:s4] =	dma.local [hbm:s3], $0xF7A  }
0x26: {  	[smem:$0x3FA0] =	sst s1;
	(tag) =	ssettag s2;
	_ =	strace s9  }
0x27: {  	s1 =	sld [smem:$0x3FB0]  }
0x28: {  	s2 =	sld [smem:$0x3FB1]  }
0x29: {  	s4 =	sld [smem:$0x3FB3]  }
0x2a: {  	p0 =	seq.s32 s5, $0x0;
	s5 =	sld [smem:$0x3FB4]  }
0x2b: {  	s6 =	sld [smem:$0x3FB5]  }
0x2c: {  	s7 =	sld [smem:$0x3FB6]  }
0x2d: {  	s3 =	simm.s32 $0x108;
	s8 =	sld [smem:$0x3FB7]  }
0x2e: {  	s3 =	simm.s32 @!p0 $0x1082;
	s9 =	sld [smem:$0x3FB8]  }
0x2f: {  	lr =	sadd.s32 s0, s3;
	s0 =	sld [smem:$0x3FAF]  }
0x30: {  	s3 =	sld [smem:$0x3FB2]  }
0x31: {  	[smem:$0x3FBB] =	sst s10  }
0x32: {  	s10 =	sld [smem:$0x3FB9];
	_ =	sdelay $0x3  }
0x33: {  	p0 =	seq.s32 s10, $0x1;
	s10 =	sld [smem:$0x3FBB];
	_ =	sdelay $0x3  }
0x34: {  	[smem:$0x3FBB] =	sst s10  }
0x35: {  	s10 =	sld [smem:$0x3FBA];
	_ =	sdelay $0x3  }
0x36: {  	p1 =	seq.s32 s10, $0x1;
	s10 =	sld [smem:$0x3FBB];
	_ =	sdelay $0x3  }
0x37: {  	[smem:$0x3FBB] =	sst s10  }
0x38: {  	s10 =	sld [smem:$0x3FBC]  }
0x39: {  	_ = 	snop;
	(pc) =	sbr.ind lr, $3  }
0x3a: {  	_ = 	snop  }
0x3b: {  	_ = 	snop  }
0x3c: {  	p2 =	seq.s32 s10, $0x1;
	s10 =	sld [smem:$0x3FBB]  }
0x3d: {  	_ =	shalt  }
0x3e: {  	_ =	shalt  }
0x3f: {  	_ =	shalt  }
0x40: {  	_ =	shalt  }
0x41: {  	_ =	shalt  }
0x42: {  	_ =	shalt  }
0x43: {  	_ =	shalt  }
0x44: {  	_ =	shalt  }
0x45: {  	_ =	shalt  }
0x46: {  	_ =	shalt  }
0x47: {  	_ =	shalt  }
0x48: {  	_ =	shalt  }
0x49: {  	_ =	shalt  }
0x4a: {  	_ =	shalt  }
0x4b: {  	_ =	shalt  }
0x4c: {  	_ =	shalt  }
0x4d: {  	_ =	shalt  }
0x4e: {  	_ =	shalt  }
0x4f: {  	_ =	shalt  }
0x50: {  	_ =	shalt  }
0x51: {  	_ =	shalt  }
0x52: {  	_ =	shalt  }
0x53: {  	_ =	shalt  }
0x54: {  	_ =	shalt  }
0x55: {  	_ =	shalt  }
0x56: {  	_ =	shalt  }
0x57: {  	_ =	shalt  }
0x58: {  	_ =	shalt  }
0x59: {  	_ =	shalt  }
0x5a: {  	_ =	shalt  }
0x5b: {  	_ =	shalt  }
0x5c: {  	_ =	shalt  }
0x5d: {  	_ =	shalt  }
0x5e: {  	_ =	shalt  }
0x5f: {  	_ =	shalt  }
0x60: {  	_ =	shalt  }
0x61: {  	_ =	shalt  }
0x62: {  	_ =	shalt  }
0x63: {  	_ =	shalt  }
0x64: {  	_ =	shalt  }
0x65: {  	_ =	shalt  }
0x66: {  	_ =	shalt  }
0x67: {  	_ =	shalt  }
0x68: {  	_ =	shalt  }
0x69: {  	_ =	shalt  }
0x6a: {  	_ =	shalt  }
0x6b: {  	_ =	shalt  }
0x6c: {  	_ =	shalt  }
0x6d: {  	_ =	shalt  }
0x6e: {  	_ =	shalt  }
0x6f: {  	_ =	shalt  }
0x70: {  	_ =	shalt  }
0x71: {  	_ =	shalt  }
0x72: {  	_ =	shalt  }
0x73: {  	_ =	shalt  }
0x74: {  	_ =	shalt  }
0x75: {  	_ =	shalt  }
0x76: {  	_ =	shalt  }
0x77: {  	_ =	shalt  }
0x78: {  	_ =	shalt  }
0x79: {  	_ =	shalt  }
0x7a: {  	_ =	shalt  }
0x7b: {  	_ =	shalt  }
0x7c: {  	_ =	shalt  }
0x7d: {  	_ =	shalt  }
0x7e: {  	_ =	shalt  }
0x7f: {  	_ =	shalt  }
0x80: {  	_ =	shalt  }
0x81: {  	_ =	shalt  }
0x82: {  	_ =	shalt  }
0x83: {  	_ =	shalt  }
0x84: {  	_ =	shalt  }
0x85: {  	_ =	shalt  }
0x86: {  	_ =	shalt  }
0x87: {  	_ =	shalt  }
.Lfunc_end0:
.L_simem_size_0:
called_computation.2_lowered:
.L_overlay_start_0:
0x88: {  	s2 =	sld [smem:$0x3FD9]  }
0x89: {  	s3 =	sld [smem:$0x3FFE];
	_ =	sdelay $0x1  }
0x8a: {  	s1 =	srdreg.scid  }
0x8b: {  	s0 =	sand.u32 $0x1, s1  }
0x8c: {  	s17 =	sshll.u32 s0, $0xA;
	s2 =	sadd.s32 s3, s2  }
0x8d: {  	s2 =	sadd.s32 s2, s17  }
0x8e: {  	[smem:$0x3FC7] =	sst s2  }
0x8f: {  	_ = 	snop  }
0x90: {  	s2 =	sld [smem:$0x3FD0];
	(tm) =	ssettm $0x1  }
0x91: {  	s18 =	sld [smem:$0x3FFB];
	_ =	sdelay $0x3  }
0x92: {  	_ =	strace s18  }
0x93: {  	s3 =	sld [smem:$0x3FFC];
	_ =	sdelay $0x3  }
0x94: {  	_ =	strace s3  }
0x95: {  	s3 =	sld [smem:$0x3FFD];
	_ =	sdelay $0x3  }
0x96: {  	_ =	strace s3  }
0x97: {  	_ =	strace $0x8FFFFFFF  }
0x98: {  	s19 =	sld [smem:$0x3FDB];
	_ =	sdelay $0x1  }
0x99: {  	s4 =	simm.s32 $_scs_section_size  }
0x9a: {  	s5 =	simm.s32 $_size__tile_overlayer_lowered;
	s6 =	simm.s32 $_tile_overlayer_lowered  }
0x9b: {  	s22 =	simm.s32 $0x1BFF;
	s21 =	sshll.u32 s6, $0x1;
	s3 =	sadd.s32 s4, s19  }
0x9c: {  	s7 =	simm.s32 $0x0;
	s20 =	sshll.u32 s5, $0x1;
	s5 =	sadd.s32 s21, s3  }
0x9d: {  	[timem:s7], [sflag:s22] =	dma.local [hbm:s5], s20  }
0x9e: {  	_ =	swait.ge [sflag:s22], s20  }
0x9f: {  	s4 =	ssub.s32 $0x0, s20;
	[sflag:s22] =	ssyncset.done $0x0  }
0xa0: {  	[sflag:s22] =	ssyncadd.s32 s4;
	_ =	sdelay $0x1  }
0xa1: {  	s23 =	simm.s32 $0x1B8B  }
0xa2: {  	_ =	swait.ge [sflag:s23], $0x1  }
0xa3: {  	[sflag:s23] =	ssyncset.done $0x0  }
0xa4: {  	s25 =	simm.s32 $0x1B8E;
	s24 =	sld [smem:$0x3FFE];
	[sflag:s23] =	ssyncadd.s32 $0xFFFFFFFF  }
0xa5: {  	s26 =	simm.s32 $execute0_lowered;
	[smem:$0x3FD2] =	sst s25  }
0xa6: {  	s5 =	sshll.u32 s26, $0x1;
	_ =	strace $0x8000004C;
	[dreg:$0x1] =	wrdreg $0xFFFFFFFF  }
0xa7: {  	s28 =	simm.s32 $_size_execute0_lowered;
	s3 =	sadd.s32 s3, s5;
	[dreg:$0x0] =	wrdreg $0x0  }
0xa8: {  	s5 =	sshll.u32 s28, $0x1;
	[dreg:$0x2] =	wrdreg s3  }
0xa9: {  	[dreg:$0x3] =	wrdreg s5  }
0xaa: {  	[dreg:$0x4] =	wrdreg $0xC0  }
0xab: {  	_ =	task [dreg:s7], $0x5FFFF  }
0xac: {  	[dreg:$0x1] =	wrdreg $0xFFFFFFFF  }
0xad: {  	[dreg:$0x0] =	wrdreg $0x60  }
0xae: {  	[dreg:$0x2] =	wrdreg s2  }
0xaf: {  	[dreg:$0x3] =	wrdreg s24  }
0xb0: {  	[dreg:$0x4] =	wrdreg $0x9  }
0xb1: {  	_ =	task.clear_ibuf [dreg:s7], $0x5FFFF;
	_ =	strace $0x9000004C  }
0xb2: {  	s29 =	simm.s32 $0x9;
	_ =	strace $0x8000004E  }
0xb3: {  	_ =	swait.ge [sflag:s29], $0x1  }
0xb4: {  	[sflag:s29] =	ssyncadd.s32 $0xFFFFFFFF  }
0xb5: {  	_ =	strace $0x9000004E  }
0xb6: {  	_ =	sfence  }
0xb7: {  	s30 =	sld [smem:$0x0];
	_ =	sdelay $0x2  }
0xb8: {  	s31 =	sshll.u32 s1, $0xD;
	s1 =	sshrl.u32 s1, $0x2  }
0xb9: {  	s3 =	sand.u32 $0x4000, s31;
	s1 =	sadd.s32 s1, s30  }
0xba: {  	s0 =	sor.u32 s3, s0;
	s1 =	sshll.u32 s1, $0x11  }
0xbb: {  	s0 =	sor.u32 s1, s0  }
0xbc: {  	s0 =	sadd.s32 $0x8F2B, s0  }
0xbd: {  	[sflag:s0] =	ssyncadd.remote.s32 $0x1  }
0xbe: {  	_ =	sfence.sel $0xFFFF  }
0xbf: {  	[dreg:$0x0] =	wrdreg $0xFFFFFFFF;
	(pc) =	sbr.abs _section_cstart, $3  }
0xc0: {  	[dreg:$0x1] =	wrdreg $0xFFFFFFFF  }
0xc1: {  	_ =	task.clear_ibuf [dreg:s7], $0x2FFFF;
	_ =	strace $0x9FFFFFFF  }
0xc2: {  	(tm) =	ssettm $0x7FFFFFFF  }
0xc3: {  	_ =	shalt  }
tec
execute0_lowered:
.L_overlay_start_1:
0x0: {  	(tag) =	ssettag $0x1  }
0x1: {  	s2 =	rddreg [dreg:$0x0]  }
0x2: {  	s1 =	srdreg.scid;
	s0 =	stileid.u32  }
0x3: {  	s4 =	rddreg [dreg:$0x1];
	s3 =	simm.s32 $0x0;
	s13 =	simm.s32 $0x7100  }
0x4: {  	s14 =	simm.s32 $0x4;
	s15 =	simm.s32 $0x2000;
	s16 =	simm.s32 $0x4000  }
0x5: {  	s17 =	simm.s32 $0x1;
	s18 =	simm.s32 $0x6000;
	s19 =	simm.s32 $0x2  }
0x6: {  	s20 =	simm.s32 $0x3;
	s21 =	simm.s32 $0x7000;
	s22 =	simm.s32 $0x0  }
0x7: {  	s5 =	sand.u32 $0x1, s1;
	s6 =	sshll.u32 s0, $0x1;
	[smem:$0x7FF] =	sst s3  }
0x8: {  	v0 =	vlaneseq.u32;
	s1 =	rddreg [dreg:$0x2];
	s6 =	sor.u32 s5, s6;
	_ =	strace $0x8000004D  }
0x9: {  	v1 =	vmul.u32 $0x10, v0;
	s5 =	ssub.s32 $0x2, s5;
	s7 =	sshll.u32 s6, $0x4;
	s10 =	smul.u32 $0x126000, s6  }
0xa: {  	v2 =	vimm.s32 $0x0;
	s6 =	sshll.u32 s6, $0x5;
	s8 =	sshrl.u32 s5, $0x1;
	s7 =	sadd.s32 s7, s4  }
0xb: {  	v4 =	vimm.s32 $0x1;
	v3 =	vor.u32 $0xFF8, v0;
	v5 =	vor.u32 $0x1, v1;
	s11 =	sadd.s32 s6, s4;
	s12 =	ssub.s32 s5, s8;
	s9 =	sshrl.u32 s10, $0x3  }
0xc: {  	v6 =	vor.u32 $0x2, v1;
	v7 =	vor.u32 $0x3, v1;
	v8 =	vor.u32 $0x4, v1;
	s5 =	sadd.s32 $0x1400, s7;
	s8 =	sadd.s32 $0x6000, s10;
	s11 =	sadd.s32 $0x1600, s11  }
0xd: {  	v9 =	vor.u32 $0x5, v1;
	v10 =	vor.u32 $0x6, v1;
	v11 =	vor.u32 $0x7, v1;
	s12 =	smax.u32 s12, $0x1;
	s4 =	sadd.s32 s2, s9;
	s9 =	sadd.s32 $0x8000, s10  }
0xe: {  	v12 =	vor.u32 $0x8, v1;
	v13 =	vor.u32 $0x9, v1;
	v14 =	vor.u32 $0xA, v1;
	s10 =	sadd.s32 $0xA000, s10;
	s6 =	sadd.s32 $0x400, s4;
	s7 =	sadd.s32 $0x800, s4  }
.LBB2_1:
0xf: {  	s23 =	simm.s32 $0x6040  }
0x10: {  	[tilespmem:s23+$0xFFFFFFC0] =	vst v2  }
0x11: {  	[tilespmem:s23+$0x30] =	vst v2  }
0x12: {  	[tilespmem:s23+$0x20] =	vst v2  }
0x13: {  	[tilespmem:s23+$0x10] =	vst v2  }
0x14: {  	[tilespmem:s23+$0x0] =	vst v2  }
0x15: {  	[tilespmem:s23+$0xFFFFFFF0] =	vst v2  }
0x16: {  	s24 =	simm.s32 $0x0;
	[tilespmem:s23+$0xFFFFFFE0] =	vst v2  }
.LBB2_2:
0x17: {  	s24 =	sadd.s32 $0x80, s24;
	[tilespmem:s23+$0xFFFFFFD0] =	vst v2;
	s23 =	sadd.s32 $0x80, s23  }
0x18: {  	[tilespmem:s23+$0xFFFFFFC0] =	vst v2;
	p0 =	slt.u32 s24, $0xF80  }
0x19: {  	[tilespmem:s23+$0x30] =	vst v2  }
.Ltmp0:
0x1a: {  	[tilespmem:s23+$0x20] =	vst v2;
	(pc) =	sbr.rel @p0 .LBB2_2-.Ltmp0, $4  }
0x1b: {  	[tilespmem:s23+$0x10] =	vst v2  }
0x1c: {  	[tilespmem:s23+$0x0] =	vst v2  }
0x1d: {  	[tilespmem:s23+$0xFFFFFFF0] =	vst v2  }
0x1e: {  	[tilespmem:s23+$0xFFFFFFE0] =	vst v2  }
0x1f: {  	[tilespmem:s23+$0xFFFFFFD0] =	vst v2;
	s23 =	simm.s32 $0x0  }
0x20: {  	[tilespmem:s13], [sflag:$0x4] =	stream.linear.gather [hbm4b:s5+s23], $0x80, $0x38;
	[tilespmem:$0x7180] =	vst v63  }
0x21: {  	_ =	swait.ge [sflag:s14], $0x80  }
0x22: {  	[sflag:s14] =	ssyncset.done $0x0  }
0x23: {  	[sflag:s14] =	ssyncadd.s32 $0xFFFFFF80  }
0x24: {  	v15 =	vld [tilespmem:$0x7100];
	[tilespmem:s23], [sflag:$0x1] =	stream.linear.gather [hbm4b:s4+s23], $0x2000, $0x38  }
0x25: {  	_ = 	snop  }
0x26: {  	[tilespmem:s15], [sflag:$0x2] =	stream.linear.gather [hbm4b:s6+s23], $0x2000, $0x38;
	[tilespmem:$0x7180] =	vst v63  }
0x27: {  	_ = 	snop  }
0x28: {  	[tilespmem:s16], [sflag:$0x3] =	stream.linear.gather [hbm4b:s7+s23], $0x2000, $0x38;
	[tilespmem:$0x7180] =	vst v63  }
.LBB2_4:
0x29: {  	_ =	swait.ge [sflag:s17], $0x2000  }
0x2a: {  	[sflag:s17] =	ssyncset.done $0x0  }
0x2b: {  	s24 =	simm.s32 $0x80;
	[sflag:s17] =	ssyncadd.s32 $0xFFFFE000  }
0x2c: {  	v16 =	vld [tilespmem:s24+$0xFFFFFF80]  }
0x2d: {  	v19 =	vld [tilespmem:s24+$0x50]  }
0x2e: {  	v20 =	vld [tilespmem:s24+$0x60]  }
0x2f: {  	v17 =	vld [tilespmem:s24+$0x40]  }
0x30: {  	v21 =	vld [tilespmem:s24+$0xFFFFFFF0];
	_ =	sdelay $0x1  }
0x31: {  	v28 =	vld [tilespmem:s24+$0x30];
	v22 =	vshra.s32 v16, $0x8;
	v16 =	vshll.u32 v16, $0x4  }
0x32: {  	v32 =	vld [tilespmem:s24+$0xFFFFFFB0];
	v23 =	vshra.s32 v19, $0x8;
	v19 =	vshll.u32 v19, $0x4;
	v25 =	vshra.s32 v20, $0x8  }
0x33: {  	v18 =	vld [tilespmem:s24+$0x0];
	v20 =	vshll.u32 v20, $0x4;
	v27 =	vshll.u32 v17, $0x4;
	v17 =	vshra.s32 v17, $0x8  }
0x34: {  	v26 =	vld [tilespmem:s24+$0x20];
	v31 =	vshll.u32 v21, $0x4;
	v24 =	vor.u32 v0, v16;
	v20 =	vor.u32 v0, v20  }
0x35: {  	v27 =	vor.u32 v0, v27;
	vm2 =	veq.s32 v17, v15;
	v17 =	vor.u32 v0, v19  }
0x36: {  	v29 =	vld [tilespmem:s24+$0xFFFFFFD0];
	vm4 =	veq.s32 v22, v15;
	vm5 =	veq.s32 v23, v15;
	v22 =	vshra.s32 v21, $0x8  }
0x37: {  	v30 =	vld [tilespmem:s24+$0xFFFFFFC0];
	v21 =	vshra.s32 v28, $0x8;
	vm7 =	veq.s32 v25, v15;
	v25 =	vshll.u32 v32, $0x4  }
0x38: {  	v33 =	vld [tilespmem:s24+$0xFFFFFFA0];
	v32 =	vshra.s32 v32, $0x8;
	v19 =	vand.u32 v3, v27;
	v27 =	vand.u32 v3, v17  }
0x39: {  	v17 =	vshll.u32 v18, $0x4;
	v34 =	vand.u32 v3, v20;
	v20 =	vshra.s32 v26, $0x8  }
0x3a: {  	v26 =	vshll.u32 v26, $0x4;
	v24 =	vand.u32 v3, v24;
	v36 =	vor.u32 v0, v25  }
0x3b: {  	v35 =	vld [tilespmem:s24+$0xFFFFFF90];
	v25 =	vor.u32 v0, v31;
	vm6 =	veq.s32 v20, v15;
	v20 =	vshra.s32 v29, $0x8  }
0x3c: {  	v17 =	vor.u32 v0, v17;
	vm0 =	veq.s32 v20, v15;
	v20 =	vshra.s32 v30, $0x8  }
0x3d: {  	v16 =	vld [tilespmem:s24+$0x10];
	vm1 =	veq.s32 v20, v15;
	v20 =	vor.u32 v0, v26;
	v26 =	vshll.u32 v33, $0x4  }
0x3e: {  	v29 =	vshll.u32 v29, $0x4;
	v17 =	vand.u32 v3, v17;
	v63 =	vor.u32 v0, v26;
	v26 =	vld [tilespmem:s24+$0xFFFFFFE0]  }
0x3f: {  	v28 =	vshll.u32 v28, $0x4;
	v29 =	vor.u32 v0, v29;
	v20 =	vand.u32 v3, v20;
	[tilespmem:v19+s18+$0x0] =	vst.idx.add.s32.msk vm2, v4  }
0x40: {  	v19 =	vshra.s32 v35, $0x8;
	[tilespmem:v27+s18+$0x0] =	vst.idx.add.s32.msk vm5, v4;
	v27 =	vor.u32 v0, v28;
	vm2 =	veq.s32 v32, v15  }
0x41: {  	vm5 =	veq.s32 v21, v15;
	v28 =	vld [tilespmem:s24+$0x70];
	vm3 =	veq.s32 v19, v15;
	v19 =	vshll.u32 v35, $0x4  }
0x42: {  	[tilespmem:v24+s18+$0x0] =	vst.idx.add.s32.msk vm4, v4;
	v24 =	vshra.s32 v33, $0x8;
	v27 =	vand.u32 v3, v27;
	v19 =	vor.u32 v0, v19  }
0x43: {  	v30 =	vshll.u32 v30, $0x4;
	[tilespmem:v34+s18+$0x0] =	vst.idx.add.s32.msk vm7, v4;
	vm4 =	veq.s32 v24, v15;
	v21 =	vand.u32 v3, v19  }
0x44: {  	s25 =	simm.s32 $0x180;
	v23 =	vshll.u32 v16, $0x4;
	s24 =	simm.s32 $0x0;
	v19 =	vand.u32 v3, v63;
	[tilespmem:v20+s18+$0x0] =	vst.idx.add.s32.msk vm6, v4;
	v20 =	vand.u32 v3, v36  }
.LBB2_5:
0x45: {  	v24 =	vld [tilespmem:s25+$0xFFFFFFA0];
	s24 =	sadd.s32 $0x100, s24;
	v30 =	vor.u32 v0, v30;
	v29 =	vand.u32 v3, v29  }
0x46: {  	v18 =	vshra.s32 v18, $0x8;
	v23 =	vor.u32 v0, v23;
	v31 =	vld [tilespmem:s25+$0xFFFFFF90];
	p0 =	slt.u32 s24, $0x1F00;
	v32 =	vshra.s32 v28, $0x8  }
0x47: {  	v30 =	vand.u32 v3, v30;
	vm6 =	veq.s32 v18, v15;
	v18 =	vshll.u32 v28, $0x4;
	[tilespmem:v27+s18+$0x0] =	vst.idx.add.s32.msk vm5, v4  }
0x48: {  	vm8 =	veq.s32 v32, v15;
	v18 =	vor.u32 v0, v18;
	v27 =	vld [tilespmem:s25+$0x40]  }
0x49: {  	v18 =	vand.u32 v3, v18;
	v28 =	vld [tilespmem:s25+$0xFFFFFF80]  }
0x4a: {  	v32 =	vld [tilespmem:s25+$0x50]  }
0x4b: {  	v33 =	vld [tilespmem:s25+$0xFFFFFFB0]  }
0x4c: {  	vm5 =	veq.s32 v22, v15;
	v34 =	vld [tilespmem:s25+$0xFFFFFFC0]  }
0x4d: {  	v35 =	vshra.s32 v26, $0x8;
	v26 =	vshll.u32 v26, $0x4;
	v16 =	vshra.s32 v16, $0x8;
	v22 =	vld [tilespmem:s25+$0x60]  }
0x4e: {  	vm7 =	veq.s32 v16, v15;
	v36 =	vshra.s32 v28, $0x8;
	v28 =	vshll.u32 v28, $0x4;
	[tilespmem:v18+s18+$0x0] =	vst.idx.add.s32.msk vm8, v4  }
0x4f: {  	vm9 =	veq.s32 v35, v15;
	v16 =	vor.u32 v0, v26;
	v23 =	vand.u32 v3, v23;
	v37 =	vld [tilespmem:s25+$0xFFFFFFD0]  }
0x50: {  	v38 =	vand.u32 v3, v16;
	v26 =	vor.u32 v0, v28;
	v35 =	vshra.s32 v32, $0x8;
	v28 =	vld [tilespmem:s25+$0xFFFFFFF0]  }
0x51: {  	v32 =	vshll.u32 v32, $0x4;
	v18 =	vld [tilespmem:s25+$0x0]  }
0x52: {  	v25 =	vand.u32 v3, v25;
	v16 =	vld [tilespmem:s25+$0x10];
	v39 =	vshra.s32 v22, $0x8;
	v22 =	vshll.u32 v22, $0x4  }
0x53: {  	v41 =	vshra.s32 v27, $0x8;
	v27 =	vshll.u32 v27, $0x4;
	v40 =	vld [tilespmem:s25+$0x20];
	v22 =	vor.u32 v0, v22  }
0x54: {  	vm10 =	veq.s32 v41, v15;
	v27 =	vor.u32 v0, v27;
	v32 =	vor.u32 v0, v32;
	v42 =	vld [tilespmem:s25+$0x30]  }
0x55: {  	v27 =	vand.u32 v3, v27;
	v32 =	vand.u32 v3, v32;
	[tilespmem:v23+s18+$0x0] =	vst.idx.add.s32.msk vm7, v4  }
0x56: {  	vm8 =	veq.s32 v35, v15;
	vm7 =	veq.s32 v36, v15;
	v36 =	vshll.u32 v28, $0x4;
	[tilespmem:v17+s18+$0x0] =	vst.idx.add.s32.msk vm6, v4  }
0x57: {  	v35 =	vand.u32 v3, v22;
	v17 =	vshll.u32 v18, $0x4;
	v23 =	vshll.u32 v16, $0x4;
	[tilespmem:v25+s18+$0x0] =	vst.idx.add.s32.msk vm5, v4  }
0x58: {  	v17 =	vor.u32 v0, v17;
	v25 =	vshra.s32 v40, $0x8;
	v40 =	vshll.u32 v40, $0x4;
	[tilespmem:v38+s18+$0x0] =	vst.idx.add.s32.msk vm9, v4  }
0x59: {  	v22 =	vshra.s32 v28, $0x8;
	v17 =	vand.u32 v3, v17;
	vm6 =	veq.s32 v25, v15;
	[tilespmem:v21+s18+$0x0] =	vst.idx.add.s32.msk vm3, v4  }
0x5a: {  	v21 =	vshra.s32 v37, $0x8;
	v37 =	vshll.u32 v37, $0x4;
	v28 =	vshra.s32 v42, $0x8;
	[tilespmem:v27+s18+$0x0] =	vst.idx.add.s32.msk vm10, v4  }
0x5b: {  	vm9 =	veq.s32 v39, v15;
	v25 =	vshra.s32 v34, $0x8;
	[tilespmem:v29+s18+$0x0] =	vst.idx.add.s32.msk vm0, v4;
	vm0 =	veq.s32 v21, v15  }
0x5c: {  	v27 =	vor.u32 v0, v40;
	v21 =	vshll.u32 v33, $0x4;
	[tilespmem:v30+s18+$0x0] =	vst.idx.add.s32.msk vm1, v4;
	vm1 =	veq.s32 v25, v15  }
0x5d: {  	v29 =	vand.u32 v3, v26;
	v25 =	vshll.u32 v24, $0x4;
	v30 =	vshra.s32 v33, $0x8;
	[tilespmem:v19+s18+$0x0] =	vst.idx.add.s32.msk vm4, v4  }
0x5e: {  	v38 =	vand.u32 v3, v27;
	v33 =	vor.u32 v0, v21;
	v19 =	vshra.s32 v31, $0x8;
	[tilespmem:v20+s18+$0x0] =	vst.idx.add.s32.msk vm2, v4  }
0x5f: {  	vm3 =	veq.s32 v19, v15;
	v19 =	vshll.u32 v31, $0x4;
	v20 =	vshll.u32 v42, $0x4;
	[tilespmem:v32+s18+$0x0] =	vst.idx.add.s32.msk vm8, v4  }
.Ltmp1:
0x60: {  	v31 =	vor.u32 v0, v25;
	v25 =	vor.u32 v0, v36;
	v20 =	vor.u32 v0, v20;
	v26 =	vld [tilespmem:s25+$0xFFFFFFE0];
	(pc) =	sbr.rel @p0 .LBB2_5-.Ltmp1, $4  }
0x61: {  	vm5 =	veq.s32 v28, v15;
	vm2 =	veq.s32 v30, v15;
	v19 =	vor.u32 v0, v19;
	v28 =	vld [tilespmem:s25+$0x70]  }
0x62: {  	v24 =	vshra.s32 v24, $0x8;
	v21 =	vand.u32 v3, v19;
	v27 =	vand.u32 v3, v20;
	[tilespmem:v29+s18+$0x0] =	vst.idx.add.s32.msk vm7, v4  }
0x63: {  	v30 =	vshll.u32 v34, $0x4;
	v19 =	vand.u32 v3, v31;
	v29 =	vor.u32 v0, v37;
	[tilespmem:v38+s18+$0x0] =	vst.idx.add.s32.msk vm6, v4  }
0x64: {  	vm4 =	veq.s32 v24, v15;
	v20 =	vand.u32 v3, v33;
	s25 =	sadd.s32 $0x100, s25;
	[tilespmem:v35+s18+$0x0] =	vst.idx.add.s32.msk vm9, v4  }
0x65: {  	_ =	sdelay $0x3  }
0x66: {  	v18 =	vshra.s32 v18, $0x8;
	v16 =	vshra.s32 v16, $0x8;
	v23 =	vor.u32 v0, v23  }
0x67: {  	[tilespmem:v27+s18+$0x0] =	vst.idx.add.s32.msk vm5, v4;
	v24 =	vshra.s32 v28, $0x8;
	v28 =	vshll.u32 v28, $0x4;
	vm7 =	veq.s32 v16, v15  }
0x68: {  	v16 =	vand.u32 v3, v23;
	vm6 =	veq.s32 v24, v15;
	v24 =	vor.u32 v0, v28  }
0x69: {  	[tilespmem:v21+s18+$0x0] =	vst.idx.add.s32.msk vm3, v4;
	vm8 =	veq.s32 v18, v15;
	v24 =	vand.u32 v3, v24  }
0x6a: {  	vm9 =	veq.s32 v22, v15;
	v22 =	vshll.u32 v26, $0x4;
	[tilespmem:v19+s18+$0x0] =	vst.idx.add.s32.msk vm4, v4;
	v18 =	vshra.s32 v26, $0x8  }
0x6b: {  	vm10 =	veq.s32 v18, v15;
	v18 =	vor.u32 v0, v22;
	v22 =	vand.u32 v3, v25  }
0x6c: {  	[tilespmem:v20+s18+$0x0] =	vst.idx.add.s32.msk vm2, v4;
	v23 =	vor.u32 v0, v30;
	v18 =	vand.u32 v3, v18  }
0x6d: {  	[tilespmem:v16+s18+$0x0] =	vst.idx.add.s32.msk vm7, v4;
	v16 =	vand.u32 v3, v23  }
0x6e: {  	p0 =	seq.s32 s23, $0x30;
	[tilespmem:v24+s18+$0x0] =	vst.idx.add.s32.msk vm6, v4;
	v24 =	vand.u32 v3, v29  }
0x6f: {  	s24 =	smul.u32 @!p0 $0x6000, s23;
	[tilespmem:v17+s18+$0x0] =	vst.idx.add.s32.msk vm8, v4  }
0x70: {  	[tilespmem:v22+s18+$0x0] =	vst.idx.add.s32.msk vm9, v4  }
0x71: {  	s25 =	sadd.s32 @!p0 s24, s8;
	[tilespmem:v18+s18+$0x0] =	vst.idx.add.s32.msk vm10, v4  }
0x72: {  	s25 =	sshrl.u32 @!p0 s25, $0x3;
	[tilespmem:v16+s18+$0x0] =	vst.idx.add.s32.msk vm1, v4  }
0x73: {  	s26 =	simm.s32 @!p0 $0x0;
	s25 =	sadd.s32 @!p0 s2, s25;
	[tilespmem:v24+s18+$0x0] =	vst.idx.add.s32.msk vm0, v4  }
0x74: {  	[tilespmem:s26], [sflag:$0x1] =	stream.linear.gather @!p0 [hbm4b:s25+s26], $0x2000, $0x38;
	[tilespmem:$0x7180] =	vst v63  }
0x75: {  	_ =	swait.ge [sflag:s19], $0x2000  }
0x76: {  	[sflag:s19] =	ssyncset.done $0x0  }
0x77: {  	s31 =	simm.s32 $0x2080;
	[sflag:s19] =	ssyncadd.s32 $0xFFFFE000  }
0x78: {  	v16 =	vld [tilespmem:s31+$0xFFFFFF80]  }
0x79: {  	v19 =	vld [tilespmem:s31+$0x50]  }
0x7a: {  	v20 =	vld [tilespmem:s31+$0x60]  }
0x7b: {  	v17 =	vld [tilespmem:s31+$0x40]  }
0x7c: {  	v28 =	vld [tilespmem:s31+$0x30];
	_ =	sdelay $0x1  }
0x7d: {  	v21 =	vld [tilespmem:s31+$0xFFFFFFF0];
	v22 =	vshra.s32 v16, $0x8;
	v16 =	vshll.u32 v16, $0x4  }
0x7e: {  	v18 =	vld [tilespmem:s31+$0x0];
	v23 =	vshra.s32 v19, $0x8;
	v19 =	vshll.u32 v19, $0x4;
	v25 =	vshra.s32 v20, $0x8  }
0x7f: {  	v31 =	vld [tilespmem:s31+$0xFFFFFFB0];
	v20 =	vshll.u32 v20, $0x4;
	v27 =	vshll.u32 v17, $0x4;
	v17 =	vshra.s32 v17, $0x8  }
0x80: {  	v26 =	vld [tilespmem:s31+$0x20];
	v35 =	vshra.s32 v28, $0x8;
	v28 =	vshll.u32 v28, $0x4;
	v24 =	vor.u32 v0, v16  }
0x81: {  	v20 =	vor.u32 v0, v20;
	v27 =	vor.u32 v0, v27;
	vm2 =	veq.s32 v17, v15  }
0x82: {  	v29 =	vld [tilespmem:s31+$0xFFFFFFD0];
	v17 =	vor.u32 v0, v19;
	vm4 =	veq.s32 v22, v15;
	v22 =	vshll.u32 v21, $0x4  }
0x83: {  	v30 =	vld [tilespmem:s31+$0xFFFFFFC0];
	vm5 =	veq.s32 v23, v15;
	v21 =	vshra.s32 v21, $0x8;
	vm7 =	veq.s32 v25, v15  }
0x84: {  	v32 =	vld [tilespmem:s31+$0xFFFFFFA0];
	v25 =	vshll.u32 v31, $0x4;
	v19 =	vand.u32 v3, v27;
	v27 =	vand.u32 v3, v17  }
0x85: {  	v17 =	vshll.u32 v18, $0x4;
	v33 =	vand.u32 v3, v20;
	v20 =	vshra.s32 v26, $0x8  }
0x86: {  	v26 =	vshll.u32 v26, $0x4;
	v24 =	vand.u32 v3, v24;
	v36 =	vor.u32 v0, v25  }
0x87: {  	v34 =	vld [tilespmem:s31+$0xFFFFFF90];
	v25 =	vor.u32 v0, v22;
	vm6 =	veq.s32 v20, v15;
	v20 =	vshra.s32 v29, $0x8  }
0x88: {  	v17 =	vor.u32 v0, v17;
	vm0 =	veq.s32 v20, v15;
	v20 =	vshra.s32 v30, $0x8  }
0x89: {  	v16 =	vld [tilespmem:s31+$0x10];
	vm1 =	veq.s32 v20, v15;
	v20 =	vor.u32 v0, v26;
	v26 =	vshll.u32 v32, $0x4  }
0x8a: {  	v29 =	vshll.u32 v29, $0x4;
	v17 =	vand.u32 v3, v17;
	v63 =	vor.u32 v0, v26;
	v26 =	vld [tilespmem:s31+$0xFFFFFFE0]  }
0x8b: {  	v31 =	vshra.s32 v31, $0x8;
	v29 =	vor.u32 v0, v29;
	v20 =	vand.u32 v3, v20;
	[tilespmem:v19+s18+$0x0] =	vst.idx.add.s32.msk vm2, v4  }
0x8c: {  	v19 =	vshra.s32 v34, $0x8;
	[tilespmem:v27+s18+$0x0] =	vst.idx.add.s32.msk vm5, v4;
	v27 =	vor.u32 v0, v28;
	vm2 =	veq.s32 v31, v15  }
0x8d: {  	vm5 =	veq.s32 v35, v15;
	v28 =	vld [tilespmem:s31+$0x70];
	vm3 =	veq.s32 v19, v15;
	v19 =	vshll.u32 v34, $0x4  }
0x8e: {  	[tilespmem:v24+s18+$0x0] =	vst.idx.add.s32.msk vm4, v4;
	v24 =	vshra.s32 v32, $0x8;
	v27 =	vand.u32 v3, v27;
	v19 =	vor.u32 v0, v19  }
0x8f: {  	v30 =	vshll.u32 v30, $0x4;
	[tilespmem:v33+s18+$0x0] =	vst.idx.add.s32.msk vm7, v4;
	vm4 =	veq.s32 v24, v15;
	v22 =	vand.u32 v3, v19  }
0x90: {  	s25 =	simm.s32 $0x0;
	s26 =	simm.s32 $0x2180;
	v23 =	vshll.u32 v16, $0x4;
	v19 =	vand.u32 v3, v63;
	[tilespmem:v20+s18+$0x0] =	vst.idx.add.s32.msk vm6, v4;
	v20 =	vand.u32 v3, v36  }
.LBB2_7:
0x91: {  	v24 =	vld [tilespmem:s26+$0xFFFFFFA0];
	s25 =	sadd.s32 $0x100, s25;
	v30 =	vor.u32 v0, v30;
	v29 =	vand.u32 v3, v29  }
0x92: {  	v18 =	vshra.s32 v18, $0x8;
	v23 =	vor.u32 v0, v23;
	v31 =	vld [tilespmem:s26+$0xFFFFFF90];
	p1 =	slt.u32 s25, $0x1F00;
	v32 =	vshra.s32 v28, $0x8  }
0x93: {  	v30 =	vand.u32 v3, v30;
	vm6 =	veq.s32 v18, v15;
	v18 =	vshll.u32 v28, $0x4;
	[tilespmem:v27+s18+$0x0] =	vst.idx.add.s32.msk vm5, v4  }
0x94: {  	vm8 =	veq.s32 v32, v15;
	v18 =	vor.u32 v0, v18;
	v27 =	vld [tilespmem:s26+$0x40]  }
0x95: {  	v18 =	vand.u32 v3, v18;
	v28 =	vld [tilespmem:s26+$0xFFFFFF80]  }
0x96: {  	v32 =	vld [tilespmem:s26+$0x50]  }
0x97: {  	v33 =	vld [tilespmem:s26+$0xFFFFFFB0]  }
0x98: {  	vm5 =	veq.s32 v21, v15;
	v34 =	vld [tilespmem:s26+$0xFFFFFFC0]  }
0x99: {  	v35 =	vshra.s32 v26, $0x8;
	v26 =	vshll.u32 v26, $0x4;
	v16 =	vshra.s32 v16, $0x8;
	v21 =	vld [tilespmem:s26+$0x60]  }
0x9a: {  	vm7 =	veq.s32 v16, v15;
	v36 =	vshra.s32 v28, $0x8;
	v28 =	vshll.u32 v28, $0x4;
	[tilespmem:v18+s18+$0x0] =	vst.idx.add.s32.msk vm8, v4  }
0x9b: {  	vm9 =	veq.s32 v35, v15;
	v16 =	vor.u32 v0, v26;
	v23 =	vand.u32 v3, v23;
	v37 =	vld [tilespmem:s26+$0xFFFFFFD0]  }
0x9c: {  	v38 =	vand.u32 v3, v16;
	v26 =	vor.u32 v0, v28;
	v35 =	vshra.s32 v32, $0x8;
	v28 =	vld [tilespmem:s26+$0xFFFFFFF0]  }
0x9d: {  	v32 =	vshll.u32 v32, $0x4;
	v18 =	vld [tilespmem:s26+$0x0]  }
0x9e: {  	v25 =	vand.u32 v3, v25;
	v16 =	vld [tilespmem:s26+$0x10];
	v39 =	vshra.s32 v21, $0x8;
	v21 =	vshll.u32 v21, $0x4  }
0x9f: {  	v41 =	vshra.s32 v27, $0x8;
	v27 =	vshll.u32 v27, $0x4;
	v40 =	vld [tilespmem:s26+$0x20];
	v21 =	vor.u32 v0, v21  }
0xa0: {  	vm10 =	veq.s32 v41, v15;
	v27 =	vor.u32 v0, v27;
	v32 =	vor.u32 v0, v32;
	v42 =	vld [tilespmem:s26+$0x30]  }
0xa1: {  	v27 =	vand.u32 v3, v27;
	v32 =	vand.u32 v3, v32;
	[tilespmem:v23+s18+$0x0] =	vst.idx.add.s32.msk vm7, v4  }
0xa2: {  	vm8 =	veq.s32 v35, v15;
	vm7 =	veq.s32 v36, v15;
	v36 =	vshll.u32 v28, $0x4;
	[tilespmem:v17+s18+$0x0] =	vst.idx.add.s32.msk vm6, v4  }
0xa3: {  	v35 =	vand.u32 v3, v21;
	v17 =	vshll.u32 v18, $0x4;
	v23 =	vshll.u32 v16, $0x4;
	[tilespmem:v25+s18+$0x0] =	vst.idx.add.s32.msk vm5, v4  }
0xa4: {  	v17 =	vor.u32 v0, v17;
	v25 =	vshra.s32 v40, $0x8;
	v40 =	vshll.u32 v40, $0x4;
	[tilespmem:v38+s18+$0x0] =	vst.idx.add.s32.msk vm9, v4  }
0xa5: {  	v21 =	vshra.s32 v28, $0x8;
	v17 =	vand.u32 v3, v17;
	vm6 =	veq.s32 v25, v15;
	[tilespmem:v22+s18+$0x0] =	vst.idx.add.s32.msk vm3, v4  }
0xa6: {  	v22 =	vshra.s32 v37, $0x8;
	v37 =	vshll.u32 v37, $0x4;
	v28 =	vshra.s32 v42, $0x8;
	[tilespmem:v27+s18+$0x0] =	vst.idx.add.s32.msk vm10, v4  }
0xa7: {  	vm9 =	veq.s32 v39, v15;
	v25 =	vshra.s32 v34, $0x8;
	[tilespmem:v29+s18+$0x0] =	vst.idx.add.s32.msk vm0, v4;
	vm0 =	veq.s32 v22, v15  }
0xa8: {  	v27 =	vor.u32 v0, v40;
	v22 =	vshll.u32 v33, $0x4;
	[tilespmem:v30+s18+$0x0] =	vst.idx.add.s32.msk vm1, v4;
	vm1 =	veq.s32 v25, v15  }
0xa9: {  	v29 =	vand.u32 v3, v26;
	v25 =	vshll.u32 v24, $0x4;
	v30 =	vshra.s32 v33, $0x8;
	[tilespmem:v19+s18+$0x0] =	vst.idx.add.s32.msk vm4, v4  }
0xaa: {  	v38 =	vand.u32 v3, v27;
	v33 =	vor.u32 v0, v22;
	v19 =	vshra.s32 v31, $0x8;
	[tilespmem:v20+s18+$0x0] =	vst.idx.add.s32.msk vm2, v4  }
0xab: {  	vm3 =	veq.s32 v19, v15;
	v19 =	vshll.u32 v31, $0x4;
	v20 =	vshll.u32 v42, $0x4;
	[tilespmem:v32+s18+$0x0] =	vst.idx.add.s32.msk vm8, v4  }
.Ltmp2:
0xac: {  	v31 =	vor.u32 v0, v25;
	v25 =	vor.u32 v0, v36;
	v20 =	vor.u32 v0, v20;
	v26 =	vld [tilespmem:s26+$0xFFFFFFE0];
	(pc) =	sbr.rel @p1 .LBB2_7-.Ltmp2, $4  }
0xad: {  	vm5 =	veq.s32 v28, v15;
	vm2 =	veq.s32 v30, v15;
	v19 =	vor.u32 v0, v19;
	v28 =	vld [tilespmem:s26+$0x70]  }
0xae: {  	v24 =	vshra.s32 v24, $0x8;
	v22 =	vand.u32 v3, v19;
	v27 =	vand.u32 v3, v20;
	[tilespmem:v29+s18+$0x0] =	vst.idx.add.s32.msk vm7, v4  }
0xaf: {  	v30 =	vshll.u32 v34, $0x4;
	v19 =	vand.u32 v3, v31;
	v29 =	vor.u32 v0, v37;
	[tilespmem:v38+s18+$0x0] =	vst.idx.add.s32.msk vm6, v4  }
0xb0: {  	vm4 =	veq.s32 v24, v15;
	v20 =	vand.u32 v3, v33;
	s26 =	sadd.s32 $0x100, s26;
	[tilespmem:v35+s18+$0x0] =	vst.idx.add.s32.msk vm9, v4  }
0xb1: {  	_ =	sdelay $0x3  }
0xb2: {  	v18 =	vshra.s32 v18, $0x8;
	v16 =	vshra.s32 v16, $0x8;
	v23 =	vor.u32 v0, v23  }
0xb3: {  	[tilespmem:v27+s18+$0x0] =	vst.idx.add.s32.msk vm5, v4;
	v24 =	vshra.s32 v28, $0x8;
	v28 =	vshll.u32 v28, $0x4;
	vm7 =	veq.s32 v16, v15  }
0xb4: {  	v16 =	vand.u32 v3, v23;
	vm6 =	veq.s32 v24, v15;
	v24 =	vor.u32 v0, v28  }
0xb5: {  	[tilespmem:v22+s18+$0x0] =	vst.idx.add.s32.msk vm3, v4;
	vm8 =	veq.s32 v18, v15;
	v24 =	vand.u32 v3, v24  }
0xb6: {  	vm9 =	veq.s32 v21, v15;
	v21 =	vshll.u32 v26, $0x4;
	[tilespmem:v19+s18+$0x0] =	vst.idx.add.s32.msk vm4, v4;
	v18 =	vshra.s32 v26, $0x8  }
0xb7: {  	vm10 =	veq.s32 v18, v15;
	v18 =	vor.u32 v0, v21;
	v21 =	vand.u32 v3, v25  }
0xb8: {  	[tilespmem:v20+s18+$0x0] =	vst.idx.add.s32.msk vm2, v4;
	v23 =	vor.u32 v0, v30;
	v18 =	vand.u32 v3, v18  }
0xb9: {  	[tilespmem:v16+s18+$0x0] =	vst.idx.add.s32.msk vm7, v4;
	v16 =	vand.u32 v3, v23  }
0xba: {  	[tilespmem:v24+s18+$0x0] =	vst.idx.add.s32.msk vm6, v4;
	v24 =	vand.u32 v3, v29  }
0xbb: {  	[tilespmem:v17+s18+$0x0] =	vst.idx.add.s32.msk vm8, v4  }
0xbc: {  	[tilespmem:v21+s18+$0x0] =	vst.idx.add.s32.msk vm9, v4  }
0xbd: {  	s24 =	sadd.s32 @!p0 s24, s9;
	[tilespmem:v18+s18+$0x0] =	vst.idx.add.s32.msk vm10, v4  }
0xbe: {  	s24 =	sshrl.u32 @!p0 s24, $0x3;
	[tilespmem:v16+s18+$0x0] =	vst.idx.add.s32.msk vm1, v4  }
0xbf: {  	s25 =	simm.s32 @!p0 $0x0;
	s26 =	simm.s32 @!p0 $0x2000;
	s24 =	sadd.s32 @!p0 s2, s24;
	[tilespmem:v24+s18+$0x0] =	vst.idx.add.s32.msk vm0, v4  }
0xc0: {  	[tilespmem:s26], [sflag:$0x2] =	stream.linear.gather @!p0 [hbm4b:s24+s25], $0x2000, $0x38;
	[tilespmem:$0x7180] =	vst v63  }
0xc1: {  	_ =	swait.ge [sflag:s20], $0x2000  }
0xc2: {  	[sflag:s20] =	ssyncset.done $0x0  }
0xc3: {  	s31 =	simm.s32 $0x4080;
	[sflag:s20] =	ssyncadd.s32 $0xFFFFE000  }
0xc4: {  	v16 =	vld [tilespmem:s31+$0xFFFFFF80]  }
0xc5: {  	v19 =	vld [tilespmem:s31+$0x50]  }
0xc6: {  	v20 =	vld [tilespmem:s31+$0x60]  }
0xc7: {  	v17 =	vld [tilespmem:s31+$0x40]  }
0xc8: {  	v28 =	vld [tilespmem:s31+$0x30];
	_ =	sdelay $0x1  }
0xc9: {  	v21 =	vld [tilespmem:s31+$0xFFFFFFF0];
	v22 =	vshra.s32 v16, $0x8;
	v16 =	vshll.u32 v16, $0x4  }
0xca: {  	v18 =	vld [tilespmem:s31+$0x0];
	v23 =	vshra.s32 v19, $0x8;
	v19 =	vshll.u32 v19, $0x4;
	v25 =	vshra.s32 v20, $0x8  }
0xcb: {  	v31 =	vld [tilespmem:s31+$0xFFFFFFB0];
	v20 =	vshll.u32 v20, $0x4;
	v27 =	vshll.u32 v17, $0x4;
	v17 =	vshra.s32 v17, $0x8  }
0xcc: {  	v26 =	vld [tilespmem:s31+$0x20];
	v35 =	vshra.s32 v28, $0x8;
	v28 =	vshll.u32 v28, $0x4;
	v24 =	vor.u32 v0, v16  }
0xcd: {  	v20 =	vor.u32 v0, v20;
	v27 =	vor.u32 v0, v27;
	vm2 =	veq.s32 v17, v15  }
0xce: {  	v29 =	vld [tilespmem:s31+$0xFFFFFFD0];
	v17 =	vor.u32 v0, v19;
	vm4 =	veq.s32 v22, v15;
	v22 =	vshll.u32 v21, $0x4  }
0xcf: {  	v30 =	vld [tilespmem:s31+$0xFFFFFFC0];
	vm5 =	veq.s32 v23, v15;
	v21 =	vshra.s32 v21, $0x8;
	vm7 =	veq.s32 v25, v15  }
0xd0: {  	v32 =	vld [tilespmem:s31+$0xFFFFFFA0];
	v25 =	vshll.u32 v31, $0x4;
	v19 =	vand.u32 v3, v27;
	v27 =	vand.u32 v3, v17  }
0xd1: {  	v17 =	vshll.u32 v18, $0x4;
	v33 =	vand.u32 v3, v20;
	v20 =	vshra.s32 v26, $0x8  }
0xd2: {  	v26 =	vshll.u32 v26, $0x4;
	v24 =	vand.u32 v3, v24;
	v36 =	vor.u32 v0, v25  }
0xd3: {  	v34 =	vld [tilespmem:s31+$0xFFFFFF90];
	v25 =	vor.u32 v0, v22;
	vm6 =	veq.s32 v20, v15;
	v20 =	vshra.s32 v29, $0x8  }
0xd4: {  	v17 =	vor.u32 v0, v17;
	vm0 =	veq.s32 v20, v15;
	v20 =	vshra.s32 v30, $0x8  }
0xd5: {  	v16 =	vld [tilespmem:s31+$0x10];
	vm1 =	veq.s32 v20, v15;
	v20 =	vor.u32 v0, v26;
	v26 =	vshll.u32 v32, $0x4  }
0xd6: {  	v29 =	vshll.u32 v29, $0x4;
	v17 =	vand.u32 v3, v17;
	v63 =	vor.u32 v0, v26;
	v26 =	vld [tilespmem:s31+$0xFFFFFFE0]  }
0xd7: {  	v31 =	vshra.s32 v31, $0x8;
	v29 =	vor.u32 v0, v29;
	v20 =	vand.u32 v3, v20;
	[tilespmem:v19+s18+$0x0] =	vst.idx.add.s32.msk vm2, v4  }
0xd8: {  	v19 =	vshra.s32 v34, $0x8;
	[tilespmem:v27+s18+$0x0] =	vst.idx.add.s32.msk vm5, v4;
	v27 =	vor.u32 v0, v28;
	vm2 =	veq.s32 v31, v15  }
0xd9: {  	vm5 =	veq.s32 v35, v15;
	v28 =	vld [tilespmem:s31+$0x70];
	vm3 =	veq.s32 v19, v15;
	v19 =	vshll.u32 v34, $0x4  }
0xda: {  	[tilespmem:v24+s18+$0x0] =	vst.idx.add.s32.msk vm4, v4;
	v24 =	vshra.s32 v32, $0x8;
	v27 =	vand.u32 v3, v27;
	v19 =	vor.u32 v0, v19  }
0xdb: {  	v30 =	vshll.u32 v30, $0x4;
	[tilespmem:v33+s18+$0x0] =	vst.idx.add.s32.msk vm7, v4;
	vm4 =	veq.s32 v24, v15;
	v22 =	vand.u32 v3, v19  }
0xdc: {  	s24 =	simm.s32 $0x0;
	s25 =	simm.s32 $0x4180;
	v23 =	vshll.u32 v16, $0x4;
	v19 =	vand.u32 v3, v63;
	[tilespmem:v20+s18+$0x0] =	vst.idx.add.s32.msk vm6, v4;
	v20 =	vand.u32 v3, v36  }
.LBB2_9:
0xdd: {  	v24 =	vld [tilespmem:s25+$0xFFFFFFA0];
	s24 =	sadd.s32 $0x100, s24;
	v30 =	vor.u32 v0, v30;
	v29 =	vand.u32 v3, v29  }
0xde: {  	v18 =	vshra.s32 v18, $0x8;
	v23 =	vor.u32 v0, v23;
	v31 =	vld [tilespmem:s25+$0xFFFFFF90];
	p1 =	slt.u32 s24, $0x1F00;
	v32 =	vshra.s32 v28, $0x8  }
0xdf: {  	v30 =	vand.u32 v3, v30;
	vm6 =	veq.s32 v18, v15;
	v18 =	vshll.u32 v28, $0x4;
	[tilespmem:v27+s18+$0x0] =	vst.idx.add.s32.msk vm5, v4  }
0xe0: {  	vm8 =	veq.s32 v32, v15;
	v18 =	vor.u32 v0, v18;
	v27 =	vld [tilespmem:s25+$0x40]  }
0xe1: {  	v18 =	vand.u32 v3, v18;
	v28 =	vld [tilespmem:s25+$0xFFFFFF80]  }
0xe2: {  	v32 =	vld [tilespmem:s25+$0x50]  }
0xe3: {  	v33 =	vld [tilespmem:s25+$0xFFFFFFB0]  }
0xe4: {  	vm5 =	veq.s32 v21, v15;
	v34 =	vld [tilespmem:s25+$0xFFFFFFC0]  }
0xe5: {  	v35 =	vshra.s32 v26, $0x8;
	v26 =	vshll.u32 v26, $0x4;
	v16 =	vshra.s32 v16, $0x8;
	v21 =	vld [tilespmem:s25+$0x60]  }
0xe6: {  	vm7 =	veq.s32 v16, v15;
	v36 =	vshra.s32 v28, $0x8;
	v28 =	vshll.u32 v28, $0x4;
	[tilespmem:v18+s18+$0x0] =	vst.idx.add.s32.msk vm8, v4  }
0xe7: {  	vm9 =	veq.s32 v35, v15;
	v16 =	vor.u32 v0, v26;
	v23 =	vand.u32 v3, v23;
	v37 =	vld [tilespmem:s25+$0xFFFFFFD0]  }
0xe8: {  	v38 =	vand.u32 v3, v16;
	v26 =	vor.u32 v0, v28;
	v35 =	vshra.s32 v32, $0x8;
	v28 =	vld [tilespmem:s25+$0xFFFFFFF0]  }
0xe9: {  	v32 =	vshll.u32 v32, $0x4;
	v18 =	vld [tilespmem:s25+$0x0]  }
0xea: {  	v25 =	vand.u32 v3, v25;
	v16 =	vld [tilespmem:s25+$0x10];
	v39 =	vshra.s32 v21, $0x8;
	v21 =	vshll.u32 v21, $0x4  }
0xeb: {  	v41 =	vshra.s32 v27, $0x8;
	v27 =	vshll.u32 v27, $0x4;
	v40 =	vld [tilespmem:s25+$0x20];
	v21 =	vor.u32 v0, v21  }
0xec: {  	vm10 =	veq.s32 v41, v15;
	v27 =	vor.u32 v0, v27;
	v32 =	vor.u32 v0, v32;
	v42 =	vld [tilespmem:s25+$0x30]  }
0xed: {  	v27 =	vand.u32 v3, v27;
	v32 =	vand.u32 v3, v32;
	[tilespmem:v23+s18+$0x0] =	vst.idx.add.s32.msk vm7, v4  }
0xee: {  	vm8 =	veq.s32 v35, v15;
	vm7 =	veq.s32 v36, v15;
	v36 =	vshll.u32 v28, $0x4;
	[tilespmem:v17+s18+$0x0] =	vst.idx.add.s32.msk vm6, v4  }
0xef: {  	v35 =	vand.u32 v3, v21;
	v17 =	vshll.u32 v18, $0x4;
	v23 =	vshll.u32 v16, $0x4;
	[tilespmem:v25+s18+$0x0] =	vst.idx.add.s32.msk vm5, v4  }
0xf0: {  	v17 =	vor.u32 v0, v17;
	v25 =	vshra.s32 v40, $0x8;
	v40 =	vshll.u32 v40, $0x4;
	[tilespmem:v38+s18+$0x0] =	vst.idx.add.s32.msk vm9, v4  }
0xf1: {  	v21 =	vshra.s32 v28, $0x8;
	v17 =	vand.u32 v3, v17;
	vm6 =	veq.s32 v25, v15;
	[tilespmem:v22+s18+$0x0] =	vst.idx.add.s32.msk vm3, v4  }
0xf2: {  	v22 =	vshra.s32 v37, $0x8;
	v37 =	vshll.u32 v37, $0x4;
	v28 =	vshra.s32 v42, $0x8;
	[tilespmem:v27+s18+$0x0] =	vst.idx.add.s32.msk vm10, v4  }
0xf3: {  	vm9 =	veq.s32 v39, v15;
	v25 =	vshra.s32 v34, $0x8;
	[tilespmem:v29+s18+$0x0] =	vst.idx.add.s32.msk vm0, v4;
	vm0 =	veq.s32 v22, v15  }
0xf4: {  	v27 =	vor.u32 v0, v40;
	v22 =	vshll.u32 v33, $0x4;
	[tilespmem:v30+s18+$0x0] =	vst.idx.add.s32.msk vm1, v4;
	vm1 =	veq.s32 v25, v15  }
0xf5: {  	v29 =	vand.u32 v3, v26;
	v25 =	vshll.u32 v24, $0x4;
	v30 =	vshra.s32 v33, $0x8;
	[tilespmem:v19+s18+$0x0] =	vst.idx.add.s32.msk vm4, v4  }
0xf6: {  	v38 =	vand.u32 v3, v27;
	v33 =	vor.u32 v0, v22;
	v19 =	vshra.s32 v31, $0x8;
	[tilespmem:v20+s18+$0x0] =	vst.idx.add.s32.msk vm2, v4  }
0xf7: {  	vm3 =	veq.s32 v19, v15;
	v19 =	vshll.u32 v31, $0x4;
	v20 =	vshll.u32 v42, $0x4;
	[tilespmem:v32+s18+$0x0] =	vst.idx.add.s32.msk vm8, v4  }
.Ltmp3:
0xf8: {  	v31 =	vor.u32 v0, v25;
	v25 =	vor.u32 v0, v36;
	v20 =	vor.u32 v0, v20;
	v26 =	vld [tilespmem:s25+$0xFFFFFFE0];
	(pc) =	sbr.rel @p1 .LBB2_9-.Ltmp3, $4  }
0xf9: {  	vm5 =	veq.s32 v28, v15;
	vm2 =	veq.s32 v30, v15;
	v19 =	vor.u32 v0, v19;
	v28 =	vld [tilespmem:s25+$0x70]  }
0xfa: {  	v24 =	vshra.s32 v24, $0x8;
	v22 =	vand.u32 v3, v19;
	v27 =	vand.u32 v3, v20;
	[tilespmem:v29+s18+$0x0] =	vst.idx.add.s32.msk vm7, v4  }
0xfb: {  	v30 =	vshll.u32 v34, $0x4;
	v19 =	vand.u32 v3, v31;
	v29 =	vor.u32 v0, v37;
	[tilespmem:v38+s18+$0x0] =	vst.idx.add.s32.msk vm6, v4  }
0xfc: {  	vm4 =	veq.s32 v24, v15;
	v20 =	vand.u32 v3, v33;
	s25 =	sadd.s32 $0x100, s25;
	[tilespmem:v35+s18+$0x0] =	vst.idx.add.s32.msk vm9, v4  }
0xfd: {  	_ =	sdelay $0x3  }
0xfe: {  	v16 =	vshra.s32 v16, $0x8;
	v23 =	vor.u32 v0, v23;
	vm9 =	veq.s32 v21, v15  }
0xff: {  	v18 =	vshra.s32 v18, $0x8;
	[tilespmem:v27+s18+$0x0] =	vst.idx.add.s32.msk vm5, v4;
	v63 =	vand.u32 v3, v29;
	vm7 =	veq.s32 v16, v15  }
0x100: {  	v58 =	vshra.s32 v26, $0x8;
	v59 =	vshll.u32 v26, $0x4;
	[tilespmem:v22+s18+$0x0] =	vst.idx.add.s32.msk vm3, v4;
	v16 =	vand.u32 v3, v23  }
0x101: {  	v61 =	vand.u32 v3, v25;
	[tilespmem:v19+s18+$0x0] =	vst.idx.add.s32.msk vm4, v4;
	v24 =	vshra.s32 v28, $0x8;
	vm8 =	veq.s32 v18, v15  }
0x102: {  	[tilespmem:v20+s18+$0x0] =	vst.idx.add.s32.msk vm2, v4;
	v56 =	vshll.u32 v28, $0x4;
	vm10 =	veq.s32 v58, v15;
	v60 =	vor.u32 v0, v59  }
0x103: {  	vm6 =	veq.s32 v24, v15;
	v57 =	vor.u32 v0, v56;
	v18 =	vand.u32 v3, v60  }
0x104: {  	v62 =	vor.u32 v0, v30;
	v24 =	vand.u32 v3, v57;
	[tilespmem:v63+s18+$0x0] =	vst.idx.add.s32.msk vm0, v4  }
0x105: {  	[tilespmem:v16+s18+$0x0] =	vst.idx.add.s32.msk vm7, v4;
	v16 =	vand.u32 v3, v62  }
.Ltmp4:
0x106: {  	[tilespmem:v61+s18+$0x0] =	vst.idx.add.s32.msk vm9, v4;
	(pc) =	sbr.rel @p0 .LBB2_11-.Ltmp4, $4  }
0x107: {  	[tilespmem:v17+s18+$0x0] =	vst.idx.add.s32.msk vm8, v4  }
0x108: {  	[tilespmem:v18+s18+$0x0] =	vst.idx.add.s32.msk vm10, v4  }
0x109: {  	[tilespmem:v24+s18+$0x0] =	vst.idx.add.s32.msk vm6, v4  }
0x10a: {  	[tilespmem:v16+s18+$0x0] =	vst.idx.add.s32.msk vm1, v4  }
0x10b: {  	s24 =	smul.u32 $0x6000, s23  }
.Ltmp5:
0x10c: {  	_ = 	snop;
	(pc) =	sbr.rel .LBB2_4-.Ltmp5, $4  }
0x10d: {  	s24 =	sadd.s32 s24, s10  }
0x10e: {  	s24 =	sshrl.u32 s24, $0x3  }
0x10f: {  	s23 =	sadd.s32 $0x1, s23;
	s24 =	sadd.s32 s2, s24  }
0x110: {  	[tilespmem:s16], [sflag:$0x3] =	stream.linear.gather [hbm4b:s24+s3], $0x2000, $0x38;
	[tilespmem:$0x7180] =	vst v63  }
.LBB2_11:
0x111: {  	s25 =	simm.s32 $0x100  }
0x112: {  	s24 =	simm.s32 $0x0;
	v15 =	vor.u32 s25, v1  }
0x113: {  	v16 =	vor.u32 s24, v1  }
0x114: {  	v17 =	vor.u32 s24, v5  }
0x115: {  	v18 =	vor.u32 s24, v6  }
0x116: {  	v19 =	vor.u32 s24, v7  }
0x117: {  	v20 =	vor.u32 s24, v8;
	v21 =	vld.idx.msk [tilespmem:v15+s18+$0x0], $0xffff  }
0x118: {  	v22 =	vld.idx.msk [tilespmem:v16+s18+$0x0], $0xffff;
	v15 =	vor.u32 s24, v9  }
0x119: {  	v23 =	vld.idx.msk [tilespmem:v17+s18+$0x0], $0xffff;
	v16 =	vor.u32 s24, v10  }
0x11a: {  	v24 =	vld.idx.msk [tilespmem:v18+s18+$0x0], $0xffff;
	v17 =	vor.u32 s24, v11  }
0x11b: {  	v25 =	vld.idx.msk [tilespmem:v19+s18+$0x0], $0xffff;
	v18 =	vor.u32 s24, v12  }
0x11c: {  	v20 =	vld.idx.msk [tilespmem:v20+s18+$0x0], $0xffff;
	v19 =	vor.u32 s24, v13  }
0x11d: {  	v27 =	vor.u32 s24, v14;
	v26 =	vld.idx.msk [tilespmem:v15+s18+$0x0], $0xffff;
	v15 =	vor.u32 $0xB, v1  }
0x11e: {  	v28 =	vld.idx.msk [tilespmem:v16+s18+$0x0], $0xffff;
	v16 =	vor.u32 $0xC, v1;
	v29 =	vor.u32 s24, v15  }
0x11f: {  	v30 =	vld.idx.msk [tilespmem:v17+s18+$0x0], $0xffff;
	v17 =	vor.u32 $0xD, v1;
	v31 =	vor.u32 s24, v16  }
0x120: {  	v32 =	vld.idx.msk [tilespmem:v18+s18+$0x0], $0xffff;
	v18 =	vor.u32 $0xE, v1;
	v33 =	vor.u32 s24, v17  }
0x121: {  	v34 =	vld.idx.msk [tilespmem:v19+s18+$0x0], $0xffff;
	v19 =	vor.u32 $0xF, v1;
	v35 =	vor.u32 s24, v18  }
0x122: {  	v22 =	vadd.s32 v22, v23;
	v23 =	vld.idx.msk [tilespmem:v27+s18+$0x0], $0xffff;
	v27 =	vor.u32 s24, v19  }
0x123: {  	v36 =	vor.u32 s25, v5;
	v22 =	vadd.s32 v24, v22;
	v24 =	vld.idx.msk [tilespmem:v29+s18+$0x0], $0xffff  }
0x124: {  	v60 =	vor.u32 s25, v8;
	v22 =	vadd.s32 v25, v22;
	v25 =	vld.idx.msk [tilespmem:v31+s18+$0x0], $0xffff  }
0x125: {  	v20 =	vadd.s32 v20, v22;
	v29 =	vor.u32 s25, v6;
	v22 =	vld.idx.msk [tilespmem:v33+s18+$0x0], $0xffff  }
0x126: {  	v20 =	vadd.s32 v26, v20;
	v31 =	vor.u32 s25, v7;
	v35 =	vld.idx.msk [tilespmem:v35+s18+$0x0], $0xffff  }
0x127: {  	v26 =	vor.u32 s25, v9;
	v20 =	vadd.s32 v28, v20;
	v37 =	vld.idx.msk [tilespmem:v27+s18+$0x0], $0xffff  }
0x128: {  	v61 =	vor.u32 s25, v12;
	v28 =	vld.idx.msk [tilespmem:v36+s18+$0x0], $0xffff;
	v20 =	vadd.s32 v30, v20  }
0x129: {  	v27 =	vor.u32 s25, v10;
	v33 =	vld.idx.msk [tilespmem:v60+s18+$0x0], $0xffff;
	v20 =	vadd.s32 v32, v20  }
0x12a: {  	v30 =	vor.u32 s25, v11;
	v20 =	vadd.s32 v34, v20;
	v29 =	vld.idx.msk [tilespmem:v29+s18+$0x0], $0xffff  }
0x12b: {  	v62 =	vor.u32 s25, v13;
	v20 =	vadd.s32 v23, v20;
	v31 =	vld.idx.msk [tilespmem:v31+s18+$0x0], $0xffff  }
0x12c: {  	v63 =	vor.u32 s25, v14;
	v26 =	vld.idx.msk [tilespmem:v26+s18+$0x0], $0xffff;
	v20 =	vadd.s32 v24, v20  }
0x12d: {  	v21 =	vadd.s32 v21, v28;
	v28 =	vld.idx.msk [tilespmem:v61+s18+$0x0], $0xffff;
	v23 =	vadd.s32 v25, v20;
	v20 =	vor.u32 s25, v15  }
0x12e: {  	v25 =	vld.idx.msk [tilespmem:v27+s18+$0x0], $0xffff;
	v22 =	vadd.s32 v22, v23;
	v23 =	vor.u32 s25, v16  }
0x12f: {  	v24 =	vor.u32 s25, v17;
	v27 =	vld.idx.msk [tilespmem:v30+s18+$0x0], $0xffff;
	v22 =	vadd.s32 v35, v22;
	v21 =	vadd.s32 v29, v21  }
0x130: {  	s23 =	simm.s32 $0x7010;
	v30 =	vadd.s32 v37, v22;
	v22 =	vor.u32 s25, v18;
	v29 =	vld.idx.msk [tilespmem:v62+s18+$0x0], $0xffff;
	v31 =	vadd.s32 v31, v21  }
0x131: {  	s24 =	simm.s32 $0x0;
	[tilespmem:s23+$0xFFFFFFF0] =	vst v30;
	v30 =	vld.idx.msk [tilespmem:v63+s18+$0x0], $0xffff;
	v21 =	vor.u32 s25, v19;
	s25 =	simm.s32 $0x300;
	v31 =	vadd.s32 v33, v31  }
.LBB2_12:
0x132: {  	s26 =	sadd.s32 $0xFFFFFF00, s25;
	v32 =	vor.u32 s25, v1;
	v33 =	vor.u32 s25, v5;
	v34 =	vor.u32 s25, v6;
	v20 =	vld.idx.msk [tilespmem:v20+s18+$0x0], $0xffff  }
0x133: {  	v36 =	vor.u32 s25, v7;
	v37 =	vor.u32 s25, v8;
	s24 =	sadd.s32 $0x20, s24;
	v35 =	vor.u32 s26, v1;
	v38 =	vld.idx.msk [tilespmem:v23+s18+$0x0], $0xffff  }
0x134: {  	v39 =	vor.u32 s25, v9;
	v40 =	vor.u32 s25, v10;
	v23 =	vor.u32 s26, v5;
	p0 =	slt.u32 s24, $0xE0;
	v41 =	vld.idx.msk [tilespmem:v24+s18+$0x0], $0xffff  }
0x135: {  	v42 =	vor.u32 s25, v11;
	v43 =	vor.u32 s25, v12;
	v24 =	vor.u32 s26, v6;
	v44 =	vld.idx.msk [tilespmem:v22+s18+$0x0], $0xffff  }
0x136: {  	v45 =	vor.u32 s25, v13;
	v46 =	vor.u32 s25, v14;
	v22 =	vor.u32 s26, v7;
	v47 =	vld.idx.msk [tilespmem:v21+s18+$0x0], $0xffff  }
0x137: {  	v26 =	vadd.s32 v26, v31;
	v21 =	vor.u32 s26, v8;
	v32 =	vld.idx.msk [tilespmem:v32+s18+$0x0], $0xffff  }
0x138: {  	v25 =	vadd.s32 v25, v26;
	v31 =	vld.idx.msk [tilespmem:v35+s18+$0x0], $0xffff;
	v35 =	vor.u32 s26, v9  }
0x139: {  	v26 =	vor.u32 s26, v10;
	v25 =	vadd.s32 v27, v25;
	v23 =	vld.idx.msk [tilespmem:v23+s18+$0x0], $0xffff  }
0x13a: {  	v27 =	vor.u32 s26, v11;
	v25 =	vadd.s32 v28, v25;
	v24 =	vld.idx.msk [tilespmem:v24+s18+$0x0], $0xffff  }
0x13b: {  	v28 =	vor.u32 s26, v12;
	v25 =	vadd.s32 v29, v25;
	v22 =	vld.idx.msk [tilespmem:v22+s18+$0x0], $0xffff  }
0x13c: {  	v29 =	vor.u32 s26, v13;
	v25 =	vadd.s32 v30, v25;
	v21 =	vld.idx.msk [tilespmem:v21+s18+$0x0], $0xffff  }
0x13d: {  	v25 =	vadd.s32 v20, v25;
	v30 =	vld.idx.msk [tilespmem:v35+s18+$0x0], $0xffff;
	v35 =	vor.u32 s26, v14  }
0x13e: {  	v48 =	vor.u32 s26, v15;
	v20 =	vor.u32 s25, v15;
	v26 =	vld.idx.msk [tilespmem:v26+s18+$0x0], $0xffff  }
0x13f: {  	v23 =	vadd.s32 v31, v23;
	v31 =	vor.u32 s26, v16;
	v27 =	vld.idx.msk [tilespmem:v27+s18+$0x0], $0xffff  }
0x140: {  	v49 =	vor.u32 s26, v17;
	v23 =	vadd.s32 v24, v23;
	v28 =	vld.idx.msk [tilespmem:v28+s18+$0x0], $0xffff  }
0x141: {  	v50 =	vor.u32 s26, v18;
	v22 =	vadd.s32 v22, v23;
	v29 =	vld.idx.msk [tilespmem:v29+s18+$0x0], $0xffff  }
0x142: {  	v51 =	vor.u32 s26, v19;
	v23 =	vor.u32 s25, v16;
	v21 =	vadd.s32 v21, v22;
	v35 =	vld.idx.msk [tilespmem:v35+s18+$0x0], $0xffff  }
0x143: {  	v24 =	vor.u32 s25, v17;
	v22 =	vor.u32 s25, v18;
	v21 =	vadd.s32 v30, v21;
	v30 =	vld.idx.msk [tilespmem:v48+s18+$0x0], $0xffff  }
0x144: {  	v25 =	vadd.s32 v38, v25;
	v26 =	vadd.s32 v26, v21;
	v21 =	vor.u32 s25, v19;
	v31 =	vld.idx.msk [tilespmem:v31+s18+$0x0], $0xffff  }
0x145: {  	v25 =	vadd.s32 v41, v25;
	v26 =	vadd.s32 v27, v26;
	v27 =	vld.idx.msk [tilespmem:v49+s18+$0x0], $0xffff  }
0x146: {  	v25 =	vadd.s32 v44, v25;
	v26 =	vadd.s32 v28, v26;
	v28 =	vld.idx.msk [tilespmem:v50+s18+$0x0], $0xffff  }
0x147: {  	v25 =	vadd.s32 v47, v25;
	v26 =	vadd.s32 v29, v26;
	v29 =	vld.idx.msk [tilespmem:v51+s18+$0x0], $0xffff  }
0x148: {  	v26 =	vadd.s32 v35, v26;
	v33 =	vld.idx.msk [tilespmem:v33+s18+$0x0], $0xffff;
	[tilespmem:s23+$0x0] =	vst v25  }
0x149: {  	v25 =	vadd.s32 v30, v26;
	v30 =	vld.idx.msk [tilespmem:v34+s18+$0x0], $0xffff  }
0x14a: {  	v25 =	vadd.s32 v31, v25;
	v31 =	vld.idx.msk [tilespmem:v36+s18+$0x0], $0xffff  }
0x14b: {  	v25 =	vadd.s32 v27, v25;
	v34 =	vld.idx.msk [tilespmem:v37+s18+$0x0], $0xffff  }
0x14c: {  	v25 =	vadd.s32 v28, v25;
	v26 =	vld.idx.msk [tilespmem:v39+s18+$0x0], $0xffff  }
.Ltmp6:
0x14d: {  	s23 =	sadd.s32 $0x20, s23;
	v27 =	vadd.s32 v29, v25;
	v25 =	vld.idx.msk [tilespmem:v40+s18+$0x0], $0xffff;
	(pc) =	sbr.rel @p0 .LBB2_12-.Ltmp6, $4  }
0x14e: {  	v28 =	vadd.s32 v32, v33;
	[tilespmem:s23+$0xFFFFFFF0] =	vst v27;
	v27 =	vld.idx.msk [tilespmem:v42+s18+$0x0], $0xffff  }
0x14f: {  	v29 =	vadd.s32 v30, v28;
	v28 =	vld.idx.msk [tilespmem:v43+s18+$0x0], $0xffff  }
0x150: {  	v30 =	vadd.s32 v31, v29;
	v29 =	vld.idx.msk [tilespmem:v45+s18+$0x0], $0xffff  }
0x151: {  	s25 =	sadd.s32 $0x200, s25;
	v31 =	vadd.s32 v34, v30;
	v30 =	vld.idx.msk [tilespmem:v46+s18+$0x0], $0xffff  }
0x152: {  	_ =	sdelay $0x2  }
0x153: {  	v15 =	vadd.s32 v26, v31  }
0x154: {  	v16 =	vld.idx.msk [tilespmem:v20+s18+$0x0], $0xffff;
	v15 =	vadd.s32 v25, v15  }
0x155: {  	v17 =	vld.idx.msk [tilespmem:v23+s18+$0x0], $0xffff;
	v15 =	vadd.s32 v27, v15  }
0x156: {  	v18 =	vld.idx.msk [tilespmem:v24+s18+$0x0], $0xffff;
	v15 =	vadd.s32 v28, v15  }
0x157: {  	v19 =	vld.idx.msk [tilespmem:v22+s18+$0x0], $0xffff;
	v15 =	vadd.s32 v29, v15  }
0x158: {  	v63 =	vld.idx.msk [tilespmem:v21+s18+$0x0], $0xffff;
	v15 =	vadd.s32 v30, v15  }
0x159: {  	v15 =	vadd.s32 v16, v15  }
0x15a: {  	v15 =	vadd.s32 v17, v15  }
0x15b: {  	v15 =	vadd.s32 v18, v15  }
0x15c: {  	s22 =	sadd.s32 $0x1, s22;
	v15 =	vadd.s32 v19, v15  }
0x15d: {  	p0 =	sne.s32 s22, s12;
	v15 =	vadd.s32 v63, v15  }
.Ltmp7:
0x15e: {  	[tilespmem:s23+$0x0] =	vst v15;
	(pc) =	sbr.rel @p0 .LBB2_1-.Ltmp7, $4  }
0x15f: {  	[hbm4b:s11+s3] =	stream.linear.scatter [tilespmem:s21], [sflag:$0x4], $0x100, $0x38;
	[tilespmem:$0x7180] =	vst v63  }
0x160: {  	_ =	swait.ge [sflag:s14], $0x100  }
0x161: {  	[sflag:s14] =	ssyncset.done $0x0  }
0x162: {  	[sflag:s14] =	ssyncadd.s32 $0xFFFFFF00  }
0x163: {  	_ =	sfence.sel $0x180000  }
0x164: {  	[bflag:$0x0] =	sbarrier.arrive $0xFFFF  }
0x165: {  	p0 =	sne.s32 s0, $0x0;
	_ =	strace $0x9000004D  }
0x166: {  	s0 =	sadd.s32 @!p0 $0x100000, s1;
	[bflag:$0x2] =	sbarrier.arrive $0xFFFF  }
0x167: {  	[sflag:s0] =	ssyncadd.tile.s32 @!p0 $0x1;
	_ =	shalt  }
.Lfunc_end2:
_tile_overlayer_lowered:
.L_overlay_start_2:
0x168: {  	(tag) =	ssettag $0x2  }
0x169: {  	s0 =	rddreg [dreg:$0x0];
	s2 =	stileid.u32  }
0x16a: {  	s1 =	rddreg [dreg:$0x1];
	p0 =	sne.s32 s2, $0x0  }
0x16b: {  	s3 =	rddreg [dreg:$0x2];
	[bflag:$0x3] =	sbarrier.arrive $0xFFFF;
	s2 =	simm.s32 @!p0 $0x1C04  }
0x16c: {  	[timem:s3], [sflag:s2] =	dma.local @!p0 [hbm:s0], s1  }
0x16d: {  	s0 =	simm.s32 @!p0 $0x4  }
0x16e: {  	_ =	swait.ge @!p0 [sflag:s0], s1  }
0x16f: {  	s1 =	ssub.s32 @!p0 $0x0, s1;
	[sflag:s0] =	ssyncset.done @!p0 $0x0  }
0x170: {  	[sflag:s0] =	ssyncadd.s32 @!p0 s1  }
0x171: {  	[bflag:$0x3] =	sbarrier.arrive $0xFFFF  }
0x172: {  	_ =	shalt  }

</sc_bundles>
